<compile_context>
chip_gen: v7x
topology: tpu7x:2x2x1
jax: 0.10.2.dev20260603
libtpu: 0.0.44.dev20260713+nightly
codegen_flags: <defaults>
</compile_context>

<pallas_src>
import functools
import jax
import jax.numpy as jnp
from jax import lax
from jax.experimental import pallas as pl
from jax.experimental.pallas import tpu as pltpu
from jax.experimental.pallas import tpu_sc as plsc

P = 127
MAX_DEGREE = 8
M = 16
D_MODEL = 128
DEPTH = 8
TOK = DEPTH * M * M
NC, NS, L = 2, 16, 16
NW = NC * NS
CH = 128
NV = D_MODEL // L
NBUF = 4
BPW = 8


def _sc_body(x_hbm, vt_hbm, row_hbm, col_hbm, deg_hbm, out_hbm,
             idx_v, b0, b1, b2, b3, row_v, col_v, deg_v, pos_v, vt_sh,
             g0, g1, g2, g3, s0, s1, s2, s3):
    wid = lax.axis_index("s") * NC + lax.axis_index("c")

    @pl.when(lax.axis_index("s") == 0)
    def _():
        pltpu.sync_copy(vt_hbm, vt_sh)
    plsc.subcore_barrier()
    per_w = BPW * TOK
    nch = per_w // CH
    wbase = wid * per_w
    bufs = [b0, b1, b2, b3]
    gsems = [g0, g1, g2, g3]
    ssems = [s0, s1, s2, s3]

    pltpu.sync_copy(row_hbm, row_v)
    pltpu.sync_copy(col_hbm, col_v)
    pltpu.sync_copy(deg_hbm, deg_v)
    pltpu.sync_copy(x_hbm.at[pl.ds(wbase, per_w)], idx_v)

    def chunk_base(m):
        return (m & 7) * TOK + (m >> 3) * CH

    def gstart(m, s):
        pltpu.async_copy(vt_sh.at[idx_v.at[pl.ds(chunk_base(m), CH)]],
                         bufs[s], gsems[s])

    gstart(0, 0)
    gstart(1, 1)

    def outer(ko, _):
        for par in range(NBUF):
            m = ko * NBUF + par

            @pl.when(lax.rem(m, DEPTH) == 0)
            def _():
                pc = m >> 3
                d = pc >> 1
                half = (pc & 1) * (CH // M)

                @plsc.parallel_loop(0, CH, unroll=2)
                def _(r):
                    rr = half + (r // M)
                    cc = lax.rem(r, M)
                    for j in range(NV):
                        sl = pl.ds(j * L, L)
                        pos_v[r, sl] = (row_v[rr, sl] + col_v[cc, sl]
                                        + deg_v[d, sl])

            s2_ = (par + 2) % NBUF

            @pl.when(m >= 2)
            def _():
                pltpu.make_async_copy(
                    bufs[s2_], out_hbm.at[pl.ds(0, CH)], ssems[s2_]).wait()

            @pl.when(m + 2 < nch)
            def _():
                gstart(m + 2, s2_)

            pltpu.make_async_copy(
                vt_sh.at[idx_v.at[pl.ds(0, CH)]], bufs[par],
                gsems[par]).wait()

            @plsc.parallel_loop(0, CH, unroll=4)
            def _(r):
                for j in range(NV):
                    sl = pl.ds(j * L, L)
                    plsc.addupdate(bufs[par].at[r, sl], pos_v[r, sl])

            pltpu.async_copy(bufs[par],
                             out_hbm.at[pl.ds(wbase + chunk_base(m), CH)],
                             ssems[par])
        return 0

    lax.fori_loop(0, nch // NBUF, outer, 0)

    for s in (nch - 2) % NBUF, (nch - 1) % NBUF:
        pltpu.make_async_copy(
            bufs[s], out_hbm.at[pl.ds(0, CH)], ssems[s]).wait()


def kernel(x, value_emb, row_emb, col_emb, degree_emb):
    batch = x.shape[0]
    nrows = batch * TOK
    xf = x.reshape(nrows)
    vt = jnp.pad(value_emb, ((0, 1), (0, 0)))
    mesh = plsc.VectorSubcoreMesh(core_axis_name="c", subcore_axis_name="s")
    f = functools.partial(
        pl.kernel, mesh=mesh,
        out_type=jax.ShapeDtypeStruct((nrows, D_MODEL), jnp.float32),
        scratch_types=(
            [pltpu.VMEM((nrows // NW,), jnp.int32)]
            + [pltpu.VMEM((CH, D_MODEL), jnp.float32)] * NBUF
            + [pltpu.VMEM((M, D_MODEL), jnp.float32),
               pltpu.VMEM((M, D_MODEL), jnp.float32),
               pltpu.VMEM((MAX_DEGREE, D_MODEL), jnp.float32),
               pltpu.VMEM((CH, D_MODEL), jnp.float32),
               pltpu.VMEM_SHARED((P + 1, D_MODEL), jnp.float32)]
            + [pltpu.SemaphoreType.DMA] * (2 * NBUF)
        ),
    )(_sc_body)
    out = f(xf, vt, row_emb, col_emb, degree_emb)
    return out.reshape(batch, DEPTH, M * M, D_MODEL)

# --- scband reference (transcript-rebuilt; emitter-appended) ---
"""Pipeline reference for scband-polynomial-matrix-embedder-18640158064734 (READ-ONLY COPY).

The authoritative reference and input builder live on the scoring server;
editing this copy changes nothing except your own understanding.
"""

import jax, jax.numpy as jnp
import numpy as np

P = 127
MAX_DEGREE = 8
M = 16
D_MODEL = 128
B = 256
DEPTH = 8


def setup_inputs(seed: int = 0) -> dict:
    key = jax.random.key(seed)
    k0, k1, k2, k3, k4 = jax.random.split(key, 5)
    x = jax.random.randint(k0, (B, DEPTH, M, M), 0, P, dtype=jnp.int64 if jax.config.jax_enable_x64 else jnp.int32)
    value_emb = jax.random.normal(k1, (P, D_MODEL), dtype=jnp.float32) * 0.02
    row_emb = jax.random.normal(k2, (M, D_MODEL), dtype=jnp.float32) * 0.02
    col_emb = jax.random.normal(k3, (M, D_MODEL), dtype=jnp.float32) * 0.02
    degree_emb = jax.random.normal(k4, (MAX_DEGREE, D_MODEL), dtype=jnp.float32) * 0.02
    return {"x": x, "value_emb": value_emb, "row_emb": row_emb, "col_emb": col_emb, "degree_emb": degree_emb}


def reference(x, value_emb, row_emb, col_emb, degree_emb):
    batch_size, depth = x.shape[0], x.shape[1]
    d_model = value_emb.shape[1]
    # nn.Embedding(p, d_model)(x): gather rows of value table by matrix entries
    values = jnp.take(value_emb, x, axis=0)            # [B, D, M, M, d]
    row = row_emb.reshape(1, 1, M, 1, d_model)          # broadcast row positional emb
    col = col_emb.reshape(1, 1, 1, M, d_model)          # broadcast col positional emb
    degree = jnp.take(degree_emb, jnp.arange(depth), axis=0).reshape(1, depth, 1, 1, d_model)
    tokens = values + row + col + degree
    tokens = tokens.reshape(batch_size, depth, M * M, d_model)
    # dropout(p=0.0) is identity
    return tokens

if __name__ == "__main__":
    import jax
    _d = setup_inputs()
    print(jax.jit(kernel)(*tuple(_d.values())))

</pallas_src>

<mosaic_0001>
#map = affine_map<(d0, d1) -> (0)>
#map1 = affine_map<(d0, d1) -> (0, 0)>
module attributes {stable_mosaic.version = 14 : i64} {
  func.func @_sc_body(%arg0: i32, %arg1: i32, %arg2: memref<524288xi32, #tpu.memory_space<hbm>>, %arg3: memref<128x128xf32, #tpu.memory_space<hbm>>, %arg4: memref<16x128xf32, #tpu.memory_space<hbm>>, %arg5: memref<16x128xf32, #tpu.memory_space<hbm>>, %arg6: memref<8x128xf32, #tpu.memory_space<hbm>>, %arg7: memref<524288x128xf32, #tpu.memory_space<hbm>>, %arg8: memref<16384xi32, #tpu.memory_space<vmem>>, %arg9: memref<128x128xf32, #tpu.memory_space<vmem>>, %arg10: memref<128x128xf32, #tpu.memory_space<vmem>>, %arg11: memref<128x128xf32, #tpu.memory_space<vmem>>, %arg12: memref<128x128xf32, #tpu.memory_space<vmem>>, %arg13: memref<16x128xf32, #tpu.memory_space<vmem>>, %arg14: memref<16x128xf32, #tpu.memory_space<vmem>>, %arg15: memref<8x128xf32, #tpu.memory_space<vmem>>, %arg16: memref<128x128xf32, #tpu.memory_space<vmem>>, %arg17: memref<128x128xf32, #tpu.memory_space<vmem_shared>>, %arg18: memref<!tpu.dma_semaphore, #tpu.memory_space<semaphore_mem>>, %arg19: memref<!tpu.dma_semaphore, #tpu.memory_space<semaphore_mem>>, %arg20: memref<!tpu.dma_semaphore, #tpu.memory_space<semaphore_mem>>, %arg21: memref<!tpu.dma_semaphore, #tpu.memory_space<semaphore_mem>>, %arg22: memref<!tpu.dma_semaphore, #tpu.memory_space<semaphore_mem>>, %arg23: memref<!tpu.dma_semaphore, #tpu.memory_space<semaphore_mem>>, %arg24: memref<!tpu.dma_semaphore, #tpu.memory_space<semaphore_mem>>, %arg25: memref<!tpu.dma_semaphore, #tpu.memory_space<semaphore_mem>>) attributes {dimension_semantics = [#tpu.dimension_semantics<core_parallel>, #tpu.dimension_semantics<subcore_parallel>], iteration_bounds = array<i64: 2, 16>, scalar_prefetch = 0 : i64, scratch_operands = 18 : i64, tpu.core_type = #tpu.core_type<sc_vector_subcore>, window_params = [{transform_indices = #map}, {transform_indices = #map1}, {transform_indices = #map1}, {transform_indices = #map1}, {transform_indices = #map1}, {transform_indices = #map1}]} {
    %mul3A = arith.constant 2 : i32
    %mul3A_0 = arith.muli %arg1, %mul3A : i32
    %add3A = arith.addi %mul3A_0, %arg0 : i32
    %eq3A = arith.constant 0 : i32
    %eq3A_1 = arith.cmpi eq, %arg1, %eq3A : i32
    %convert_element_type3A = arith.extui %eq3A_1 : i1 to i32
    %cond3A = arith.constant 0 : i32
    %cond3A_2 = arith.cmpi ne, %convert_element_type3A, %cond3A : i32
    scf.if %cond3A_2 {
      "tpu.region"() ({
        %run_scoped3A = tpu.sem_alloc : memref<!tpu.dma_semaphore, #tpu.memory_space<semaphore_mem>>
        tpu.enqueue_dma source(%arg3 : memref<128x128xf32, #tpu.memory_space<hbm>>) target(%arg17 : memref<128x128xf32, #tpu.memory_space<vmem_shared>>) target_semaphore(%run_scoped3A : memref<!tpu.dma_semaphore, #tpu.memory_space<semaphore_mem>>)
        tpu.wait_dma2 semaphore(%run_scoped3A : memref<!tpu.dma_semaphore, #tpu.memory_space<semaphore_mem>>) src(%arg3 : memref<128x128xf32, #tpu.memory_space<hbm>>) dst(%arg17 : memref<128x128xf32, #tpu.memory_space<vmem_shared>>)
        tpu.yield
      }) : () -> ()
    } else {
    }
    %barrier3A = arith.constant 0 : index
    tpu.barrier barrier_id(%barrier3A)
    %mul3A_3 = arith.constant 16384 : i32
    %mul3A_4 = arith.muli %add3A, %mul3A_3 : i32
    "tpu.region"() ({
      %run_scoped3A = tpu.sem_alloc : memref<!tpu.dma_semaphore, #tpu.memory_space<semaphore_mem>>
      tpu.enqueue_dma source(%arg4 : memref<16x128xf32, #tpu.memory_space<hbm>>) target(%arg13 : memref<16x128xf32, #tpu.memory_space<vmem>>) target_semaphore(%run_scoped3A : memref<!tpu.dma_semaphore, #tpu.memory_space<semaphore_mem>>)
      tpu.wait_dma2 semaphore(%run_scoped3A : memref<!tpu.dma_semaphore, #tpu.memory_space<semaphore_mem>>) src(%arg4 : memref<16x128xf32, #tpu.memory_space<hbm>>) dst(%arg13 : memref<16x128xf32, #tpu.memory_space<vmem>>)
      tpu.yield
    }) : () -> ()
    "tpu.region"() ({
      %run_scoped3A = tpu.sem_alloc : memref<!tpu.dma_semaphore, #tpu.memory_space<semaphore_mem>>
      tpu.enqueue_dma source(%arg5 : memref<16x128xf32, #tpu.memory_space<hbm>>) target(%arg14 : memref<16x128xf32, #tpu.memory_space<vmem>>) target_semaphore(%run_scoped3A : memref<!tpu.dma_semaphore, #tpu.memory_space<semaphore_mem>>)
      tpu.wait_dma2 semaphore(%run_scoped3A : memref<!tpu.dma_semaphore, #tpu.memory_space<semaphore_mem>>) src(%arg5 : memref<16x128xf32, #tpu.memory_space<hbm>>) dst(%arg14 : memref<16x128xf32, #tpu.memory_space<vmem>>)
      tpu.yield
    }) : () -> ()
    "tpu.region"() ({
      %run_scoped3A = tpu.sem_alloc : memref<!tpu.dma_semaphore, #tpu.memory_space<semaphore_mem>>
      tpu.enqueue_dma source(%arg6 : memref<8x128xf32, #tpu.memory_space<hbm>>) target(%arg15 : memref<8x128xf32, #tpu.memory_space<vmem>>) target_semaphore(%run_scoped3A : memref<!tpu.dma_semaphore, #tpu.memory_space<semaphore_mem>>)
      tpu.wait_dma2 semaphore(%run_scoped3A : memref<!tpu.dma_semaphore, #tpu.memory_space<semaphore_mem>>) src(%arg6 : memref<8x128xf32, #tpu.memory_space<hbm>>) dst(%arg15 : memref<8x128xf32, #tpu.memory_space<vmem>>)
      tpu.yield
    }) : () -> ()
    "tpu.region"() ({
      %run_scoped3A = tpu.sem_alloc : memref<!tpu.dma_semaphore, #tpu.memory_space<semaphore_mem>>
      %dma_start3A_31 = tpu.memref_slice %arg2[%mul3A_4] : memref<524288xi32, #tpu.memory_space<hbm>> -> memref<16384xi32, #tpu.memory_space<hbm>>
      %dma_start3A_32 = tpu.memref_slice %arg2[%mul3A_4] : memref<524288xi32, #tpu.memory_space<hbm>> -> memref<16384xi32, #tpu.memory_space<hbm>>
      tpu.enqueue_dma source(%dma_start3A_32 : memref<16384xi32, #tpu.memory_space<hbm>>) target(%arg8 : memref<16384xi32, #tpu.memory_space<vmem>>) target_semaphore(%run_scoped3A : memref<!tpu.dma_semaphore, #tpu.memory_space<semaphore_mem>>)
      %dma_wait3A_33 = tpu.memref_slice %arg2[%mul3A_4] : memref<524288xi32, #tpu.memory_space<hbm>> -> memref<16384xi32, #tpu.memory_space<hbm>>
      %dma_wait3A_34 = tpu.memref_slice %arg2[%mul3A_4] : memref<524288xi32, #tpu.memory_space<hbm>> -> memref<16384xi32, #tpu.memory_space<hbm>>
      tpu.wait_dma2 semaphore(%run_scoped3A : memref<!tpu.dma_semaphore, #tpu.memory_space<semaphore_mem>>) src(%dma_wait3A_34 : memref<16384xi32, #tpu.memory_space<hbm>>) dst(%arg8 : memref<16384xi32, #tpu.memory_space<vmem>>)
      tpu.yield
    }) : () -> ()
    %dma_start3A = arith.constant 0 : i32
    %dma_start3A_5 = tpu.memref_slice %arg8[%dma_start3A] : memref<16384xi32, #tpu.memory_space<vmem>> -> memref<128xi32, #tpu.memory_space<vmem>>
    %dma_start3A_6 = arith.constant 0 : i32
    %dma_start3A_7 = arith.constant 0 : i32
    %dma_start3A_8 = tpu.memref_slice %arg17[%dma_start3A_6, %dma_start3A_7] : memref<128x128xf32, #tpu.memory_space<vmem_shared>> -> memref<128x128xf32, #tpu.memory_space<vmem_shared>>
    tpu.enqueue_indirect_dma source(%dma_start3A_8 : memref<128x128xf32, #tpu.memory_space<vmem_shared>>) target(%arg9 : memref<128x128xf32, #tpu.memory_space<vmem>>) offsets(%dma_start3A_5 : memref<128xi32, #tpu.memory_space<vmem>>) semaphore(%arg18 : memref<!tpu.dma_semaphore, #tpu.memory_space<semaphore_mem>>)
    %dma_start3A_9 = arith.constant 2048 : i32
    %dma_start3A_10 = tpu.memref_slice %arg8[%dma_start3A_9] : memref<16384xi32, #tpu.memory_space<vmem>> -> memref<128xi32, #tpu.memory_space<vmem>>
    %dma_start3A_11 = arith.constant 0 : i32
    %dma_start3A_12 = arith.constant 0 : i32
    %dma_start3A_13 = tpu.memref_slice %arg17[%dma_start3A_11, %dma_start3A_12] : memref<128x128xf32, #tpu.memory_space<vmem_shared>> -> memref<128x128xf32, #tpu.memory_space<vmem_shared>>
    tpu.enqueue_indirect_dma source(%dma_start3A_13 : memref<128x128xf32, #tpu.memory_space<vmem_shared>>) target(%arg10 : memref<128x128xf32, #tpu.memory_space<vmem>>) offsets(%dma_start3A_10 : memref<128xi32, #tpu.memory_space<vmem>>) semaphore(%arg19 : memref<!tpu.dma_semaphore, #tpu.memory_space<semaphore_mem>>)
    %scan3A = arith.constant 0 : i32
    %scan3A_14 = arith.constant 0 : i32
    %scan3A_15 = arith.constant 32 : i32
    %scan3A_16 = arith.addi %scan3A_14, %scan3A_15 : i32
    %scan3A_17 = arith.constant 1 : i32
    %scan3A_18 = scf.for %scan3A_31 = %scan3A_14 to %scan3A_16 step %scan3A_17 iter_args(%scan3A_32 = %scan3A) -> (i32)  : i32 {
      %mul3A_33 = arith.constant 4 : i32
      %mul3A_34 = arith.muli %scan3A_31, %mul3A_33 : i32
      %add3A_35 = arith.constant 0 : i32
      %add3A_36 = arith.addi %mul3A_34, %add3A_35 : i32
      %rem3A = arith.constant 8 : i32
      %rem3A_37 = arith.remsi %add3A_36, %rem3A : i32
      %eq3A_38 = arith.constant 0 : i32
      %eq3A_39 = arith.cmpi eq, %rem3A_37, %eq3A_38 : i32
      %convert_element_type3A_40 = arith.extui %eq3A_39 : i1 to i32
      %cond3A_41 = arith.constant 0 : i32
      %cond3A_42 = arith.cmpi ne, %convert_element_type3A_40, %cond3A_41 : i32
      scf.if %cond3A_42 {
        %shift_right_arithmetic3A_208 = arith.constant 3 : i32
        %shift_right_arithmetic3A_209 = arith.shrsi %add3A_36, %shift_right_arithmetic3A_208 : i32
        %shift_right_arithmetic3A_210 = arith.constant 1 : i32
        %shift_right_arithmetic3A_211 = arith.shrsi %shift_right_arithmetic3A_209, %shift_right_arithmetic3A_210 : i32
        %and3A_212 = arith.constant 1 : i32
        %and3A_213 = arith.andi %shift_right_arithmetic3A_209, %and3A_212 : i32
        %mul3A_214 = arith.constant 8 : i32
        %mul3A_215 = arith.muli %and3A_213, %mul3A_214 : i32
        %parallel_loop3A_216 = arith.constant 0 : i32
        %parallel_loop3A_217 = arith.constant 128 : i32
        %parallel_loop3A_218 = arith.constant 1 : i32
        scf.for %parallel_loop3A_219 = %parallel_loop3A_216 to %parallel_loop3A_217 step %parallel_loop3A_218  : i32 {
          %parallel_loop3A_220 = arith.constant 16 : i32
          %parallel_loop3A_221 = arith.divsi %parallel_loop3A_219, %parallel_loop3A_220 : i32
          %parallel_loop3A_222 = arith.constant 0 : i32
          %parallel_loop3A_223 = arith.cmpi sgt, %parallel_loop3A_219, %parallel_loop3A_222 : i32
          %parallel_loop3A_224 = arith.extui %parallel_loop3A_223 : i1 to i32
          %parallel_loop3A_225 = arith.constant 0 : i32
          %parallel_loop3A_226 = arith.cmpi slt, %parallel_loop3A_219, %parallel_loop3A_225 : i32
          %parallel_loop3A_227 = arith.extui %parallel_loop3A_226 : i1 to i32
          %parallel_loop3A_228 = arith.subi %parallel_loop3A_224, %parallel_loop3A_227 : i32
          %parallel_loop3A_229 = arith.constant 0 : i32
          %parallel_loop3A_230 = arith.cmpi sgt, %parallel_loop3A_220, %parallel_loop3A_229 : i32
          %parallel_loop3A_231 = arith.extui %parallel_loop3A_230 : i1 to i32
          %parallel_loop3A_232 = arith.constant 0 : i32
          %parallel_loop3A_233 = arith.cmpi slt, %parallel_loop3A_220, %parallel_loop3A_232 : i32
          %parallel_loop3A_234 = arith.extui %parallel_loop3A_233 : i1 to i32
          %parallel_loop3A_235 = arith.subi %parallel_loop3A_231, %parallel_loop3A_234 : i32
          %parallel_loop3A_236 = arith.cmpi ne, %parallel_loop3A_228, %parallel_loop3A_235 : i32
          %parallel_loop3A_237 = arith.remsi %parallel_loop3A_219, %parallel_loop3A_220 : i32
          %parallel_loop3A_238 = arith.constant 0 : i32
          %parallel_loop3A_239 = arith.cmpi ne, %parallel_loop3A_237, %parallel_loop3A_238 : i32
          %parallel_loop3A_240 = arith.andi %parallel_loop3A_236, %parallel_loop3A_239 : i1
          %parallel_loop3A_241 = arith.constant 1 : i32
          %parallel_loop3A_242 = arith.subi %parallel_loop3A_221, %parallel_loop3A_241 : i32
          %parallel_loop3A_243 = arith.select %parallel_loop3A_240, %parallel_loop3A_242, %parallel_loop3A_221 : i32
          %parallel_loop3A_244 = arith.addi %mul3A_215, %parallel_loop3A_243 : i32
          %parallel_loop3A_245 = arith.constant 16 : i32
          %parallel_loop3A_246 = arith.remsi %parallel_loop3A_219, %parallel_loop3A_245 : i32
          %parallel_loop3A_247 = arith.index_cast %parallel_loop3A_244 : i32 to index
          %parallel_loop3A_248 = arith.constant 0 : index
          %parallel_loop3A_249 = tpu.vector_load %arg13[%parallel_loop3A_247, %parallel_loop3A_248] {strides = array<i32>} : memref<16x128xf32, #tpu.memory_space<vmem>>, vector<1x16xf32>,
          %parallel_loop3A_250 = vector.shape_cast %parallel_loop3A_249 : vector<1x16xf32> to vector<16xf32>
          %parallel_loop3A_251 = arith.index_cast %parallel_loop3A_246 : i32 to index
          %parallel_loop3A_252 = arith.constant 0 : index
          %parallel_loop3A_253 = tpu.vector_load %arg14[%parallel_loop3A_251, %parallel_loop3A_252] {strides = array<i32>} : memref<16x128xf32, #tpu.memory_space<vmem>>, vector<1x16xf32>,
          %parallel_loop3A_254 = vector.shape_cast %parallel_loop3A_253 : vector<1x16xf32> to vector<16xf32>
          %parallel_loop3A_255 = arith.addf %parallel_loop3A_250, %parallel_loop3A_254 : vector<16xf32>
          %parallel_loop3A_256 = arith.index_cast %shift_right_arithmetic3A_211 : i32 to index
          %parallel_loop3A_257 = arith.constant 0 : index
          %parallel_loop3A_258 = tpu.vector_load %arg15[%parallel_loop3A_256, %parallel_loop3A_257] {strides = array<i32>} : memref<8x128xf32, #tpu.memory_space<vmem>>, vector<1x16xf32>,
          %parallel_loop3A_259 = vector.shape_cast %parallel_loop3A_258 : vector<1x16xf32> to vector<16xf32>
          %parallel_loop3A_260 = arith.addf %parallel_loop3A_255, %parallel_loop3A_259 : vector<16xf32>
          %parallel_loop3A_261 = arith.index_cast %parallel_loop3A_219 : i32 to index
          %parallel_loop3A_262 = arith.constant 0 : index
          %parallel_loop3A_263 = tpu.vector_load %arg16[%parallel_loop3A_261, %parallel_loop3A_262] {strides = array<i32>} : memref<128x128xf32, #tpu.memory_space<vmem>>, vector<1x16xf32>,
          %parallel_loop3A_264 = vector.shape_cast %parallel_loop3A_263 : vector<1x16xf32> to vector<16xf32>
          %parallel_loop3A_265 = vector.shape_cast %parallel_loop3A_260 : vector<16xf32> to vector<1x16xf32>
          tpu.vector_store %arg16[%parallel_loop3A_261, %parallel_loop3A_262], %parallel_loop3A_265 {strides = array<i32>} : memref<128x128xf32, #tpu.memory_space<vmem>>, vector<1x16xf32>,
          %parallel_loop3A_266 = arith.index_cast %parallel_loop3A_244 : i32 to index
          %parallel_loop3A_267 = arith.constant 16 : index
          %parallel_loop3A_268 = tpu.vector_load %arg13[%parallel_loop3A_266, %parallel_loop3A_267] {strides = array<i32>} : memref<16x128xf32, #tpu.memory_space<vmem>>, vector<1x16xf32>,
          %parallel_loop3A_269 = vector.shape_cast %parallel_loop3A_268 : vector<1x16xf32> to vector<16xf32>
          %parallel_loop3A_270 = arith.index_cast %parallel_loop3A_246 : i32 to index
          %parallel_loop3A_271 = arith.constant 16 : index
          %parallel_loop3A_272 = tpu.vector_load %arg14[%parallel_loop3A_270, %parallel_loop3A_271] {strides = array<i32>} : memref<16x128xf32, #tpu.memory_space<vmem>>, vector<1x16xf32>,
          %parallel_loop3A_273 = vector.shape_cast %parallel_loop3A_272 : vector<1x16xf32> to vector<16xf32>
          %parallel_loop3A_274 = arith.addf %parallel_loop3A_269, %parallel_loop3A_273 : vector<16xf32>
          %parallel_loop3A_275 = arith.index_cast %shift_right_arithmetic3A_211 : i32 to index
          %parallel_loop3A_276 = arith.constant 16 : index
          %parallel_loop3A_277 = tpu.vector_load %arg15[%parallel_loop3A_275, %parallel_loop3A_276] {strides = array<i32>} : memref<8x128xf32, #tpu.memory_space<vmem>>, vector<1x16xf32>,
          %parallel_loop3A_278 = vector.shape_cast %parallel_loop3A_277 : vector<1x16xf32> to vector<16xf32>
          %parallel_loop3A_279 = arith.addf %parallel_loop3A_274, %parallel_loop3A_278 : vector<16xf32>
          %parallel_loop3A_280 = arith.index_cast %parallel_loop3A_219 : i32 to index
          %parallel_loop3A_281 = arith.constant 16 : index
          %parallel_loop3A_282 = tpu.vector_load %arg16[%parallel_loop3A_280, %parallel_loop3A_281] {strides = array<i32>} : memref<128x128xf32, #tpu.memory_space<vmem>>, vector<1x16xf32>,
          %parallel_loop3A_283 = vector.shape_cast %parallel_loop3A_282 : vector<1x16xf32> to vector<16xf32>
          %parallel_loop3A_284 = vector.shape_cast %parallel_loop3A_279 : vector<16xf32> to vector<1x16xf32>
          tpu.vector_store %arg16[%parallel_loop3A_280, %parallel_loop3A_281], %parallel_loop3A_284 {strides = array<i32>} : memref<128x128xf32, #tpu.memory_space<vmem>>, vector<1x16xf32>,
          %parallel_loop3A_285 = arith.index_cast %parallel_loop3A_244 : i32 to index
          %parallel_loop3A_286 = arith.constant 32 : index
          %parallel_loop3A_287 = tpu.vector_load %arg13[%parallel_loop3A_285, %parallel_loop3A_286] {strides = array<i32>} : memref<16x128xf32, #tpu.memory_space<vmem>>, vector<1x16xf32>,
          %parallel_loop3A_288 = vector.shape_cast %parallel_loop3A_287 : vector<1x16xf32> to vector<16xf32>
          %parallel_loop3A_289 = arith.index_cast %parallel_loop3A_246 : i32 to index
          %parallel_loop3A_290 = arith.constant 32 : index
          %parallel_loop3A_291 = tpu.vector_load %arg14[%parallel_loop3A_289, %parallel_loop3A_290] {strides = array<i32>} : memref<16x128xf32, #tpu.memory_space<vmem>>, vector<1x16xf32>,
          %parallel_loop3A_292 = vector.shape_cast %parallel_loop3A_291 : vector<1x16xf32> to vector<16xf32>
          %parallel_loop3A_293 = arith.addf %parallel_loop3A_288, %parallel_loop3A_292 : vector<16xf32>
          %parallel_loop3A_294 = arith.index_cast %shift_right_arithmetic3A_211 : i32 to index
          %parallel_loop3A_295 = arith.constant 32 : index
          %parallel_loop3A_296 = tpu.vector_load %arg15[%parallel_loop3A_294, %parallel_loop3A_295] {strides = array<i32>} : memref<8x128xf32, #tpu.memory_space<vmem>>, vector<1x16xf32>,
          %parallel_loop3A_297 = vector.shape_cast %parallel_loop3A_296 : vector<1x16xf32> to vector<16xf32>
          %parallel_loop3A_298 = arith.addf %parallel_loop3A_293, %parallel_loop3A_297 : vector<16xf32>
          %parallel_loop3A_299 = arith.index_cast %parallel_loop3A_219 : i32 to index
          %parallel_loop3A_300 = arith.constant 32 : index
          %parallel_loop3A_301 = tpu.vector_load %arg16[%parallel_loop3A_299, %parallel_loop3A_300] {strides = array<i32>} : memref<128x128xf32, #tpu.memory_space<vmem>>, vector<1x16xf32>,
          %parallel_loop3A_302 = vector.shape_cast %parallel_loop3A_301 : vector<1x16xf32> to vector<16xf32>
          %parallel_loop3A_303 = vector.shape_cast %parallel_loop3A_298 : vector<16xf32> to vector<1x16xf32>
          tpu.vector_store %arg16[%parallel_loop3A_299, %parallel_loop3A_300], %parallel_loop3A_303 {strides = array<i32>} : memref<128x128xf32, #tpu.memory_space<vmem>>, vector<1x16xf32>,
          %parallel_loop3A_304 = arith.index_cast %parallel_loop3A_244 : i32 to index
          %parallel_loop3A_305 = arith.constant 48 : index
          %parallel_loop3A_306 = tpu.vector_load %arg13[%parallel_loop3A_304, %parallel_loop3A_305] {strides = array<i32>} : memref<16x128xf32, #tpu.memory_space<vmem>>, vector<1x16xf32>,
          %parallel_loop3A_307 = vector.shape_cast %parallel_loop3A_306 : vector<1x16xf32> to vector<16xf32>
          %parallel_loop3A_308 = arith.index_cast %parallel_loop3A_246 : i32 to index
          %parallel_loop3A_309 = arith.constant 48 : index
          %parallel_loop3A_310 = tpu.vector_load %arg14[%parallel_loop3A_308, %parallel_loop3A_309] {strides = array<i32>} : memref<16x128xf32, #tpu.memory_space<vmem>>, vector<1x16xf32>,
          %parallel_loop3A_311 = vector.shape_cast %parallel_loop3A_310 : vector<1x16xf32> to vector<16xf32>
          %parallel_loop3A_312 = arith.addf %parallel_loop3A_307, %parallel_loop3A_311 : vector<16xf32>
          %parallel_loop3A_313 = arith.index_cast %shift_right_arithmetic3A_211 : i32 to index
          %parallel_loop3A_314 = arith.constant 48 : index
          %parallel_loop3A_315 = tpu.vector_load %arg15[%parallel_loop3A_313, %parallel_loop3A_314] {strides = array<i32>} : memref<8x128xf32, #tpu.memory_space<vmem>>, vector<1x16xf32>,
          %parallel_loop3A_316 = vector.shape_cast %parallel_loop3A_315 : vector<1x16xf32> to vector<16xf32>
          %parallel_loop3A_317 = arith.addf %parallel_loop3A_312, %parallel_loop3A_316 : vector<16xf32>
          %parallel_loop3A_318 = arith.index_cast %parallel_loop3A_219 : i32 to index
          %parallel_loop3A_319 = arith.constant 48 : index
          %parallel_loop3A_320 = tpu.vector_load %arg16[%parallel_loop3A_318, %parallel_loop3A_319] {strides = array<i32>} : memref<128x128xf32, #tpu.memory_space<vmem>>, vector<1x16xf32>,
          %parallel_loop3A_321 = vector.shape_cast %parallel_loop3A_320 : vector<1x16xf32> to vector<16xf32>
          %parallel_loop3A_322 = vector.shape_cast %parallel_loop3A_317 : vector<16xf32> to vector<1x16xf32>
          tpu.vector_store %arg16[%parallel_loop3A_318, %parallel_loop3A_319], %parallel_loop3A_322 {strides = array<i32>} : memref<128x128xf32, #tpu.memory_space<vmem>>, vector<1x16xf32>,
          %parallel_loop3A_323 = arith.index_cast %parallel_loop3A_244 : i32 to index
          %parallel_loop3A_324 = arith.constant 64 : index
          %parallel_loop3A_325 = tpu.vector_load %arg13[%parallel_loop3A_323, %parallel_loop3A_324] {strides = array<i32>} : memref<16x128xf32, #tpu.memory_space<vmem>>, vector<1x16xf32>,
          %parallel_loop3A_326 = vector.shape_cast %parallel_loop3A_325 : vector<1x16xf32> to vector<16xf32>
          %parallel_loop3A_327 = arith.index_cast %parallel_loop3A_246 : i32 to index
          %parallel_loop3A_328 = arith.constant 64 : index
          %parallel_loop3A_329 = tpu.vector_load %arg14[%parallel_loop3A_327, %parallel_loop3A_328] {strides = array<i32>} : memref<16x128xf32, #tpu.memory_space<vmem>>, vector<1x16xf32>,
          %parallel_loop3A_330 = vector.shape_cast %parallel_loop3A_329 : vector<1x16xf32> to vector<16xf32>
          %parallel_loop3A_331 = arith.addf %parallel_loop3A_326, %parallel_loop3A_330 : vector<16xf32>
          %parallel_loop3A_332 = arith.index_cast %shift_right_arithmetic3A_211 : i32 to index
          %parallel_loop3A_333 = arith.constant 64 : index
          %parallel_loop3A_334 = tpu.vector_load %arg15[%parallel_loop3A_332, %parallel_loop3A_333] {strides = array<i32>} : memref<8x128xf32, #tpu.memory_space<vmem>>, vector<1x16xf32>,
          %parallel_loop3A_335 = vector.shape_cast %parallel_loop3A_334 : vector<1x16xf32> to vector<16xf32>
          %parallel_loop3A_336 = arith.addf %parallel_loop3A_331, %parallel_loop3A_335 : vector<16xf32>
          %parallel_loop3A_337 = arith.index_cast %parallel_loop3A_219 : i32 to index
          %parallel_loop3A_338 = arith.constant 64 : index
          %parallel_loop3A_339 = tpu.vector_load %arg16[%parallel_loop3A_337, %parallel_loop3A_338] {strides = array<i32>} : memref<128x128xf32, #tpu.memory_space<vmem>>, vector<1x16xf32>,
          %parallel_loop3A_340 = vector.shape_cast %parallel_loop3A_339 : vector<1x16xf32> to vector<16xf32>
          %parallel_loop3A_341 = vector.shape_cast %parallel_loop3A_336 : vector<16xf32> to vector<1x16xf32>
          tpu.vector_store %arg16[%parallel_loop3A_337, %parallel_loop3A_338], %parallel_loop3A_341 {strides = array<i32>} : memref<128x128xf32, #tpu.memory_space<vmem>>, vector<1x16xf32>,
          %parallel_loop3A_342 = arith.index_cast %parallel_loop3A_244 : i32 to index
          %parallel_loop3A_343 = arith.constant 80 : index
          %parallel_loop3A_344 = tpu.vector_load %arg13[%parallel_loop3A_342, %parallel_loop3A_343] {strides = array<i32>} : memref<16x128xf32, #tpu.memory_space<vmem>>, vector<1x16xf32>,
          %parallel_loop3A_345 = vector.shape_cast %parallel_loop3A_344 : vector<1x16xf32> to vector<16xf32>
          %parallel_loop3A_346 = arith.index_cast %parallel_loop3A_246 : i32 to index
          %parallel_loop3A_347 = arith.constant 80 : index
          %parallel_loop3A_348 = tpu.vector_load %arg14[%parallel_loop3A_346, %parallel_loop3A_347] {strides = array<i32>} : memref<16x128xf32, #tpu.memory_space<vmem>>, vector<1x16xf32>,
          %parallel_loop3A_349 = vector.shape_cast %parallel_loop3A_348 : vector<1x16xf32> to vector<16xf32>
          %parallel_loop3A_350 = arith.addf %parallel_loop3A_345, %parallel_loop3A_349 : vector<16xf32>
          %parallel_loop3A_351 = arith.index_cast %shift_right_arithmetic3A_211 : i32 to index
          %parallel_loop3A_352 = arith.constant 80 : index
          %parallel_loop3A_353 = tpu.vector_load %arg15[%parallel_loop3A_351, %parallel_loop3A_352] {strides = array<i32>} : memref<8x128xf32, #tpu.memory_space<vmem>>, vector<1x16xf32>,
          %parallel_loop3A_354 = vector.shape_cast %parallel_loop3A_353 : vector<1x16xf32> to vector<16xf32>
          %parallel_loop3A_355 = arith.addf %parallel_loop3A_350, %parallel_loop3A_354 : vector<16xf32>
          %parallel_loop3A_356 = arith.index_cast %parallel_loop3A_219 : i32 to index
          %parallel_loop3A_357 = arith.constant 80 : index
          %parallel_loop3A_358 = tpu.vector_load %arg16[%parallel_loop3A_356, %parallel_loop3A_357] {strides = array<i32>} : memref<128x128xf32, #tpu.memory_space<vmem>>, vector<1x16xf32>,
          %parallel_loop3A_359 = vector.shape_cast %parallel_loop3A_358 : vector<1x16xf32> to vector<16xf32>
          %parallel_loop3A_360 = vector.shape_cast %parallel_loop3A_355 : vector<16xf32> to vector<1x16xf32>
          tpu.vector_store %arg16[%parallel_loop3A_356, %parallel_loop3A_357], %parallel_loop3A_360 {strides = array<i32>} : memref<128x128xf32, #tpu.memory_space<vmem>>, vector<1x16xf32>,
          %parallel_loop3A_361 = arith.index_cast %parallel_loop3A_244 : i32 to index
          %parallel_loop3A_362 = arith.constant 96 : index
          %parallel_loop3A_363 = tpu.vector_load %arg13[%parallel_loop3A_361, %parallel_loop3A_362] {strides = array<i32>} : memref<16x128xf32, #tpu.memory_space<vmem>>, vector<1x16xf32>,
          %parallel_loop3A_364 = vector.shape_cast %parallel_loop3A_363 : vector<1x16xf32> to vector<16xf32>
          %parallel_loop3A_365 = arith.index_cast %parallel_loop3A_246 : i32 to index
          %parallel_loop3A_366 = arith.constant 96 : index
          %parallel_loop3A_367 = tpu.vector_load %arg14[%parallel_loop3A_365, %parallel_loop3A_366] {strides = array<i32>} : memref<16x128xf32, #tpu.memory_space<vmem>>, vector<1x16xf32>,
          %parallel_loop3A_368 = vector.shape_cast %parallel_loop3A_367 : vector<1x16xf32> to vector<16xf32>
          %parallel_loop3A_369 = arith.addf %parallel_loop3A_364, %parallel_loop3A_368 : vector<16xf32>
          %parallel_loop3A_370 = arith.index_cast %shift_right_arithmetic3A_211 : i32 to index
          %parallel_loop3A_371 = arith.constant 96 : index
          %parallel_loop3A_372 = tpu.vector_load %arg15[%parallel_loop3A_370, %parallel_loop3A_371] {strides = array<i32>} : memref<8x128xf32, #tpu.memory_space<vmem>>, vector<1x16xf32>,
          %parallel_loop3A_373 = vector.shape_cast %parallel_loop3A_372 : vector<1x16xf32> to vector<16xf32>
          %parallel_loop3A_374 = arith.addf %parallel_loop3A_369, %parallel_loop3A_373 : vector<16xf32>
          %parallel_loop3A_375 = arith.index_cast %parallel_loop3A_219 : i32 to index
          %parallel_loop3A_376 = arith.constant 96 : index
          %parallel_loop3A_377 = tpu.vector_load %arg16[%parallel_loop3A_375, %parallel_loop3A_376] {strides = array<i32>} : memref<128x128xf32, #tpu.memory_space<vmem>>, vector<1x16xf32>,
          %parallel_loop3A_378 = vector.shape_cast %parallel_loop3A_377 : vector<1x16xf32> to vector<16xf32>
          %parallel_loop3A_379 = vector.shape_cast %parallel_loop3A_374 : vector<16xf32> to vector<1x16xf32>
          tpu.vector_store %arg16[%parallel_loop3A_375, %parallel_loop3A_376], %parallel_loop3A_379 {strides = array<i32>} : memref<128x128xf32, #tpu.memory_space<vmem>>, vector<1x16xf32>,
          %parallel_loop3A_380 = arith.index_cast %parallel_loop3A_244 : i32 to index
          %parallel_loop3A_381 = arith.constant 112 : index
          %parallel_loop3A_382 = tpu.vector_load %arg13[%parallel_loop3A_380, %parallel_loop3A_381] {strides = array<i32>} : memref<16x128xf32, #tpu.memory_space<vmem>>, vector<1x16xf32>,
          %parallel_loop3A_383 = vector.shape_cast %parallel_loop3A_382 : vector<1x16xf32> to vector<16xf32>
          %parallel_loop3A_384 = arith.index_cast %parallel_loop3A_246 : i32 to index
          %parallel_loop3A_385 = arith.constant 112 : index
          %parallel_loop3A_386 = tpu.vector_load %arg14[%parallel_loop3A_384, %parallel_loop3A_385] {strides = array<i32>} : memref<16x128xf32, #tpu.memory_space<vmem>>, vector<1x16xf32>,
          %parallel_loop3A_387 = vector.shape_cast %parallel_loop3A_386 : vector<1x16xf32> to vector<16xf32>
          %parallel_loop3A_388 = arith.addf %parallel_loop3A_383, %parallel_loop3A_387 : vector<16xf32>
          %parallel_loop3A_389 = arith.index_cast %shift_right_arithmetic3A_211 : i32 to index
          %parallel_loop3A_390 = arith.constant 112 : index
          %parallel_loop3A_391 = tpu.vector_load %arg15[%parallel_loop3A_389, %parallel_loop3A_390] {strides = array<i32>} : memref<8x128xf32, #tpu.memory_space<vmem>>, vector<1x16xf32>,
          %parallel_loop3A_392 = vector.shape_cast %parallel_loop3A_391 : vector<1x16xf32> to vector<16xf32>
          %parallel_loop3A_393 = arith.addf %parallel_loop3A_388, %parallel_loop3A_392 : vector<16xf32>
          %parallel_loop3A_394 = arith.index_cast %parallel_loop3A_219 : i32 to index
          %parallel_loop3A_395 = arith.constant 112 : index
          %parallel_loop3A_396 = tpu.vector_load %arg16[%parallel_loop3A_394, %parallel_loop3A_395] {strides = array<i32>} : memref<128x128xf32, #tpu.memory_space<vmem>>, vector<1x16xf32>,
          %parallel_loop3A_397 = vector.shape_cast %parallel_loop3A_396 : vector<1x16xf32> to vector<16xf32>
          %parallel_loop3A_398 = vector.shape_cast %parallel_loop3A_393 : vector<16xf32> to vector<1x16xf32>
          tpu.vector_store %arg16[%parallel_loop3A_394, %parallel_loop3A_395], %parallel_loop3A_398 {strides = array<i32>} : memref<128x128xf32, #tpu.memory_space<vmem>>, vector<1x16xf32>,
        } {sc.loop_unroll_factor = 2 : i64, sc.parallel_access}
      } else {
      }
      %ge3A = arith.constant 2 : i32
      %ge3A_43 = arith.cmpi sge, %add3A_36, %ge3A : i32
      %convert_element_type3A_44 = arith.extui %ge3A_43 : i1 to i32
      %cond3A_45 = arith.constant 0 : i32
      %cond3A_46 = arith.cmpi ne, %convert_element_type3A_44, %cond3A_45 : i32
      scf.if %cond3A_46 {
        %dma_wait3A_208 = arith.constant 0 : i32
        %dma_wait3A_209 = arith.constant 0 : i32
        %dma_wait3A_210 = tpu.memref_slice %arg7[%dma_wait3A_208, %dma_wait3A_209] : memref<524288x128xf32, #tpu.memory_space<hbm>> -> memref<128x128xf32, #tpu.memory_space<hbm>>
        %dma_wait3A_211 = arith.constant 0 : i32
        %dma_wait3A_212 = arith.constant 0 : i32
        %dma_wait3A_213 = tpu.memref_slice %arg7[%dma_wait3A_211, %dma_wait3A_212] : memref<524288x128xf32, #tpu.memory_space<hbm>> -> memref<128x128xf32, #tpu.memory_space<hbm>>
        tpu.wait_dma2 semaphore(%arg24 : memref<!tpu.dma_semaphore, #tpu.memory_space<semaphore_mem>>) src(%arg11 : memref<128x128xf32, #tpu.memory_space<vmem>>) dst(%dma_wait3A_213 : memref<128x128xf32, #tpu.memory_space<hbm>>)
      } else {
      }
      %add3A_47 = arith.constant 2 : i32
      %add3A_48 = arith.addi %add3A_36, %add3A_47 : i32
      %lt3A = arith.constant 128 : i32
      %lt3A_49 = arith.cmpi slt, %add3A_48, %lt3A : i32
      %convert_element_type3A_50 = arith.extui %lt3A_49 : i1 to i32
      %cond3A_51 = arith.constant 0 : i32
      %cond3A_52 = arith.cmpi ne, %convert_element_type3A_50, %cond3A_51 : i32
      scf.if %cond3A_52 {
        %add3A_208 = arith.constant 2 : i32
        %add3A_209 = arith.addi %add3A_36, %add3A_208 : i32
        %and3A_210 = arith.constant 7 : i32
        %and3A_211 = arith.andi %add3A_209, %and3A_210 : i32
        %mul3A_212 = arith.constant 2048 : i32
        %mul3A_213 = arith.muli %and3A_211, %mul3A_212 : i32
        %shift_right_arithmetic3A_214 = arith.constant 3 : i32
        %shift_right_arithmetic3A_215 = arith.shrsi %add3A_209, %shift_right_arithmetic3A_214 : i32
        %mul3A_216 = arith.constant 128 : i32
        %mul3A_217 = arith.muli %shift_right_arithmetic3A_215, %mul3A_216 : i32
        %add3A_218 = arith.addi %mul3A_213, %mul3A_217 : i32
        %dma_start3A_219 = tpu.memref_slice %arg8[%add3A_218] : memref<16384xi32, #tpu.memory_space<vmem>> -> memref<128xi32, #tpu.memory_space<vmem>>
        %dma_start3A_220 = arith.constant 0 : i32
        %dma_start3A_221 = arith.constant 0 : i32
        %dma_start3A_222 = tpu.memref_slice %arg17[%dma_start3A_220, %dma_start3A_221] : memref<128x128xf32, #tpu.memory_space<vmem_shared>> -> memref<128x128xf32, #tpu.memory_space<vmem_shared>>
        tpu.enqueue_indirect_dma source(%dma_start3A_222 : memref<128x128xf32, #tpu.memory_space<vmem_shared>>) target(%arg11 : memref<128x128xf32, #tpu.memory_space<vmem>>) offsets(%dma_start3A_219 : memref<128xi32, #tpu.memory_space<vmem>>) semaphore(%arg20 : memref<!tpu.dma_semaphore, #tpu.memory_space<semaphore_mem>>)
      } else {
      }
      %dma_wait3A_53 = arith.constant 0 : i32
      %dma_wait3A_54 = tpu.memref_slice %arg8[%dma_wait3A_53] : memref<16384xi32, #tpu.memory_space<vmem>> -> memref<128xi32, #tpu.memory_space<vmem>>
      %dma_wait3A_55 = arith.constant 0 : i32
      %dma_wait3A_56 = arith.constant 0 : i32
      %dma_wait3A_57 = tpu.memref_slice %arg17[%dma_wait3A_55, %dma_wait3A_56] : memref<128x128xf32, #tpu.memory_space<vmem_shared>> -> memref<128x128xf32, #tpu.memory_space<vmem_shared>>
      tpu.wait_indirect_dma semaphore(%arg18 : memref<!tpu.dma_semaphore, #tpu.memory_space<semaphore_mem>>) src(%dma_wait3A_57 : memref<128x128xf32, #tpu.memory_space<vmem_shared>>) dst(%arg9 : memref<128x128xf32, #tpu.memory_space<vmem>>)
      %parallel_loop3A = arith.constant 0 : i32
      %parallel_loop3A_58 = arith.constant 128 : i32
      %parallel_loop3A_59 = arith.constant 1 : i32
      scf.for %parallel_loop3A_208 = %parallel_loop3A to %parallel_loop3A_58 step %parallel_loop3A_59  : i32 {
        %parallel_loop3A_209 = arith.index_cast %parallel_loop3A_208 : i32 to index
        %parallel_loop3A_210 = arith.constant 0 : index
        %parallel_loop3A_211 = tpu.vector_load %arg16[%parallel_loop3A_209, %parallel_loop3A_210] {strides = array<i32>} : memref<128x128xf32, #tpu.memory_space<vmem>>, vector<1x16xf32>,
        %parallel_loop3A_212 = vector.shape_cast %parallel_loop3A_211 : vector<1x16xf32> to vector<16xf32>
        %parallel_loop3A_213 = arith.index_cast %parallel_loop3A_208 : i32 to index
        %parallel_loop3A_214 = arith.constant 0 : index
        %parallel_loop3A_215 = tpu.vector_load %arg9[%parallel_loop3A_213, %parallel_loop3A_214] {strides = array<i32>} : memref<128x128xf32, #tpu.memory_space<vmem>>, vector<1x16xf32>,
        %parallel_loop3A_216 = vector.shape_cast %parallel_loop3A_215 : vector<1x16xf32> to vector<16xf32>
        %parallel_loop3A_217 = vector.shape_cast %parallel_loop3A_212 : vector<16xf32> to vector<1x16xf32>
        tpu.vector_store %arg9[%parallel_loop3A_213, %parallel_loop3A_214], %parallel_loop3A_217 {add = true, strides = array<i32>} : memref<128x128xf32, #tpu.memory_space<vmem>>, vector<1x16xf32>,
        %parallel_loop3A_218 = arith.index_cast %parallel_loop3A_208 : i32 to index
        %parallel_loop3A_219 = arith.constant 16 : index
        %parallel_loop3A_220 = tpu.vector_load %arg16[%parallel_loop3A_218, %parallel_loop3A_219] {strides = array<i32>} : memref<128x128xf32, #tpu.memory_space<vmem>>, vector<1x16xf32>,
        %parallel_loop3A_221 = vector.shape_cast %parallel_loop3A_220 : vector<1x16xf32> to vector<16xf32>
        %parallel_loop3A_222 = arith.index_cast %parallel_loop3A_208 : i32 to index
        %parallel_loop3A_223 = arith.constant 16 : index
        %parallel_loop3A_224 = tpu.vector_load %arg9[%parallel_loop3A_222, %parallel_loop3A_223] {strides = array<i32>} : memref<128x128xf32, #tpu.memory_space<vmem>>, vector<1x16xf32>,
        %parallel_loop3A_225 = vector.shape_cast %parallel_loop3A_224 : vector<1x16xf32> to vector<16xf32>
        %parallel_loop3A_226 = vector.shape_cast %parallel_loop3A_221 : vector<16xf32> to vector<1x16xf32>
        tpu.vector_store %arg9[%parallel_loop3A_222, %parallel_loop3A_223], %parallel_loop3A_226 {add = true, strides = array<i32>} : memref<128x128xf32, #tpu.memory_space<vmem>>, vector<1x16xf32>,
        %parallel_loop3A_227 = arith.index_cast %parallel_loop3A_208 : i32 to index
        %parallel_loop3A_228 = arith.constant 32 : index
        %parallel_loop3A_229 = tpu.vector_load %arg16[%parallel_loop3A_227, %parallel_loop3A_228] {strides = array<i32>} : memref<128x128xf32, #tpu.memory_space<vmem>>, vector<1x16xf32>,
        %parallel_loop3A_230 = vector.shape_cast %parallel_loop3A_229 : vector<1x16xf32> to vector<16xf32>
        %parallel_loop3A_231 = arith.index_cast %parallel_loop3A_208 : i32 to index
        %parallel_loop3A_232 = arith.constant 32 : index
        %parallel_loop3A_233 = tpu.vector_load %arg9[%parallel_loop3A_231, %parallel_loop3A_232] {strides = array<i32>} : memref<128x128xf32, #tpu.memory_space<vmem>>, vector<1x16xf32>,
        %parallel_loop3A_234 = vector.shape_cast %parallel_loop3A_233 : vector<1x16xf32> to vector<16xf32>
        %parallel_loop3A_235 = vector.shape_cast %parallel_loop3A_230 : vector<16xf32> to vector<1x16xf32>
        tpu.vector_store %arg9[%parallel_loop3A_231, %parallel_loop3A_232], %parallel_loop3A_235 {add = true, strides = array<i32>} : memref<128x128xf32, #tpu.memory_space<vmem>>, vector<1x16xf32>,
        %parallel_loop3A_236 = arith.index_cast %parallel_loop3A_208 : i32 to index
        %parallel_loop3A_237 = arith.constant 48 : index
        %parallel_loop3A_238 = tpu.vector_load %arg16[%parallel_loop3A_236, %parallel_loop3A_237] {strides = array<i32>} : memref<128x128xf32, #tpu.memory_space<vmem>>, vector<1x16xf32>,
        %parallel_loop3A_239 = vector.shape_cast %parallel_loop3A_238 : vector<1x16xf32> to vector<16xf32>
        %parallel_loop3A_240 = arith.index_cast %parallel_loop3A_208 : i32 to index
        %parallel_loop3A_241 = arith.constant 48 : index
        %parallel_loop3A_242 = tpu.vector_load %arg9[%parallel_loop3A_240, %parallel_loop3A_241] {strides = array<i32>} : memref<128x128xf32, #tpu.memory_space<vmem>>, vector<1x16xf32>,
        %parallel_loop3A_243 = vector.shape_cast %parallel_loop3A_242 : vector<1x16xf32> to vector<16xf32>
        %parallel_loop3A_244 = vector.shape_cast %parallel_loop3A_239 : vector<16xf32> to vector<1x16xf32>
        tpu.vector_store %arg9[%parallel_loop3A_240, %parallel_loop3A_241], %parallel_loop3A_244 {add = true, strides = array<i32>} : memref<128x128xf32, #tpu.memory_space<vmem>>, vector<1x16xf32>,
        %parallel_loop3A_245 = arith.index_cast %parallel_loop3A_208 : i32 to index
        %parallel_loop3A_246 = arith.constant 64 : index
        %parallel_loop3A_247 = tpu.vector_load %arg16[%parallel_loop3A_245, %parallel_loop3A_246] {strides = array<i32>} : memref<128x128xf32, #tpu.memory_space<vmem>>, vector<1x16xf32>,
        %parallel_loop3A_248 = vector.shape_cast %parallel_loop3A_247 : vector<1x16xf32> to vector<16xf32>
        %parallel_loop3A_249 = arith.index_cast %parallel_loop3A_208 : i32 to index
        %parallel_loop3A_250 = arith.constant 64 : index
        %parallel_loop3A_251 = tpu.vector_load %arg9[%parallel_loop3A_249, %parallel_loop3A_250] {strides = array<i32>} : memref<128x128xf32, #tpu.memory_space<vmem>>, vector<1x16xf32>,
        %parallel_loop3A_252 = vector.shape_cast %parallel_loop3A_251 : vector<1x16xf32> to vector<16xf32>
        %parallel_loop3A_253 = vector.shape_cast %parallel_loop3A_248 : vector<16xf32> to vector<1x16xf32>
        tpu.vector_store %arg9[%parallel_loop3A_249, %parallel_loop3A_250], %parallel_loop3A_253 {add = true, strides = array<i32>} : memref<128x128xf32, #tpu.memory_space<vmem>>, vector<1x16xf32>,
        %parallel_loop3A_254 = arith.index_cast %parallel_loop3A_208 : i32 to index
        %parallel_loop3A_255 = arith.constant 80 : index
        %parallel_loop3A_256 = tpu.vector_load %arg16[%parallel_loop3A_254, %parallel_loop3A_255] {strides = array<i32>} : memref<128x128xf32, #tpu.memory_space<vmem>>, vector<1x16xf32>,
        %parallel_loop3A_257 = vector.shape_cast %parallel_loop3A_256 : vector<1x16xf32> to vector<16xf32>
        %parallel_loop3A_258 = arith.index_cast %parallel_loop3A_208 : i32 to index
        %parallel_loop3A_259 = arith.constant 80 : index
        %parallel_loop3A_260 = tpu.vector_load %arg9[%parallel_loop3A_258, %parallel_loop3A_259] {strides = array<i32>} : memref<128x128xf32, #tpu.memory_space<vmem>>, vector<1x16xf32>,
        %parallel_loop3A_261 = vector.shape_cast %parallel_loop3A_260 : vector<1x16xf32> to vector<16xf32>
        %parallel_loop3A_262 = vector.shape_cast %parallel_loop3A_257 : vector<16xf32> to vector<1x16xf32>
        tpu.vector_store %arg9[%parallel_loop3A_258, %parallel_loop3A_259], %parallel_loop3A_262 {add = true, strides = array<i32>} : memref<128x128xf32, #tpu.memory_space<vmem>>, vector<1x16xf32>,
        %parallel_loop3A_263 = arith.index_cast %parallel_loop3A_208 : i32 to index
        %parallel_loop3A_264 = arith.constant 96 : index
        %parallel_loop3A_265 = tpu.vector_load %arg16[%parallel_loop3A_263, %parallel_loop3A_264] {strides = array<i32>} : memref<128x128xf32, #tpu.memory_space<vmem>>, vector<1x16xf32>,
        %parallel_loop3A_266 = vector.shape_cast %parallel_loop3A_265 : vector<1x16xf32> to vector<16xf32>
        %parallel_loop3A_267 = arith.index_cast %parallel_loop3A_208 : i32 to index
        %parallel_loop3A_268 = arith.constant 96 : index
        %parallel_loop3A_269 = tpu.vector_load %arg9[%parallel_loop3A_267, %parallel_loop3A_268] {strides = array<i32>} : memref<128x128xf32, #tpu.memory_space<vmem>>, vector<1x16xf32>,
        %parallel_loop3A_270 = vector.shape_cast %parallel_loop3A_269 : vector<1x16xf32> to vector<16xf32>
        %parallel_loop3A_271 = vector.shape_cast %parallel_loop3A_266 : vector<16xf32> to vector<1x16xf32>
        tpu.vector_store %arg9[%parallel_loop3A_267, %parallel_loop3A_268], %parallel_loop3A_271 {add = true, strides = array<i32>} : memref<128x128xf32, #tpu.memory_space<vmem>>, vector<1x16xf32>,
        %parallel_loop3A_272 = arith.index_cast %parallel_loop3A_208 : i32 to index
        %parallel_loop3A_273 = arith.constant 112 : index
        %parallel_loop3A_274 = tpu.vector_load %arg16[%parallel_loop3A_272, %parallel_loop3A_273] {strides = array<i32>} : memref<128x128xf32, #tpu.memory_space<vmem>>, vector<1x16xf32>,
        %parallel_loop3A_275 = vector.shape_cast %parallel_loop3A_274 : vector<1x16xf32> to vector<16xf32>
        %parallel_loop3A_276 = arith.index_cast %parallel_loop3A_208 : i32 to index
        %parallel_loop3A_277 = arith.constant 112 : index
        %parallel_loop3A_278 = tpu.vector_load %arg9[%parallel_loop3A_276, %parallel_loop3A_277] {strides = array<i32>} : memref<128x128xf32, #tpu.memory_space<vmem>>, vector<1x16xf32>,
        %parallel_loop3A_279 = vector.shape_cast %parallel_loop3A_278 : vector<1x16xf32> to vector<16xf32>
        %parallel_loop3A_280 = vector.shape_cast %parallel_loop3A_275 : vector<16xf32> to vector<1x16xf32>
        tpu.vector_store %arg9[%parallel_loop3A_276, %parallel_loop3A_277], %parallel_loop3A_280 {add = true, strides = array<i32>} : memref<128x128xf32, #tpu.memory_space<vmem>>, vector<1x16xf32>,
      } {sc.loop_unroll_factor = 4 : i64, sc.parallel_access}
      %and3A = arith.constant 7 : i32
      %and3A_60 = arith.andi %add3A_36, %and3A : i32
      %mul3A_61 = arith.constant 2048 : i32
      %mul3A_62 = arith.muli %and3A_60, %mul3A_61 : i32
      %shift_right_arithmetic3A = arith.constant 3 : i32
      %shift_right_arithmetic3A_63 = arith.shrsi %add3A_36, %shift_right_arithmetic3A : i32
      %mul3A_64 = arith.constant 128 : i32
      %mul3A_65 = arith.muli %shift_right_arithmetic3A_63, %mul3A_64 : i32
      %add3A_66 = arith.addi %mul3A_62, %mul3A_65 : i32
      %add3A_67 = arith.addi %mul3A_4, %add3A_66 : i32
      %dma_start3A_68 = arith.constant 0 : i32
      %dma_start3A_69 = tpu.memref_slice %arg7[%add3A_67, %dma_start3A_68] : memref<524288x128xf32, #tpu.memory_space<hbm>> -> memref<128x128xf32, #tpu.memory_space<hbm>>
      %dma_start3A_70 = arith.constant 0 : i32
      %dma_start3A_71 = tpu.memref_slice %arg7[%add3A_67, %dma_start3A_70] : memref<524288x128xf32, #tpu.memory_space<hbm>> -> memref<128x128xf32, #tpu.memory_space<hbm>>
      tpu.enqueue_dma source(%arg9 : memref<128x128xf32, #tpu.memory_space<vmem>>) target(%dma_start3A_71 : memref<128x128xf32, #tpu.memory_space<hbm>>) target_semaphore(%arg22 : memref<!tpu.dma_semaphore, #tpu.memory_space<semaphore_mem>>)
      %mul3A_72 = arith.constant 4 : i32
      %mul3A_73 = arith.muli %scan3A_31, %mul3A_72 : i32
      %add3A_74 = arith.constant 1 : i32
      %add3A_75 = arith.addi %mul3A_73, %add3A_74 : i32
      %rem3A_76 = arith.constant 8 : i32
      %rem3A_77 = arith.remsi %add3A_75, %rem3A_76 : i32
      %eq3A_78 = arith.constant 0 : i32
      %eq3A_79 = arith.cmpi eq, %rem3A_77, %eq3A_78 : i32
      %convert_element_type3A_80 = arith.extui %eq3A_79 : i1 to i32
      %cond3A_81 = arith.constant 0 : i32
      %cond3A_82 = arith.cmpi ne, %convert_element_type3A_80, %cond3A_81 : i32
      scf.if %cond3A_82 {
        %shift_right_arithmetic3A_208 = arith.constant 3 : i32
        %shift_right_arithmetic3A_209 = arith.shrsi %add3A_75, %shift_right_arithmetic3A_208 : i32
        %shift_right_arithmetic3A_210 = arith.constant 1 : i32
        %shift_right_arithmetic3A_211 = arith.shrsi %shift_right_arithmetic3A_209, %shift_right_arithmetic3A_210 : i32
        %and3A_212 = arith.constant 1 : i32
        %and3A_213 = arith.andi %shift_right_arithmetic3A_209, %and3A_212 : i32
        %mul3A_214 = arith.constant 8 : i32
        %mul3A_215 = arith.muli %and3A_213, %mul3A_214 : i32
        %parallel_loop3A_216 = arith.constant 0 : i32
        %parallel_loop3A_217 = arith.constant 128 : i32
        %parallel_loop3A_218 = arith.constant 1 : i32
        scf.for %parallel_loop3A_219 = %parallel_loop3A_216 to %parallel_loop3A_217 step %parallel_loop3A_218  : i32 {
          %parallel_loop3A_220 = arith.constant 16 : i32
          %parallel_loop3A_221 = arith.divsi %parallel_loop3A_219, %parallel_loop3A_220 : i32
          %parallel_loop3A_222 = arith.constant 0 : i32
          %parallel_loop3A_223 = arith.cmpi sgt, %parallel_loop3A_219, %parallel_loop3A_222 : i32
          %parallel_loop3A_224 = arith.extui %parallel_loop3A_223 : i1 to i32
          %parallel_loop3A_225 = arith.constant 0 : i32
          %parallel_loop3A_226 = arith.cmpi slt, %parallel_loop3A_219, %parallel_loop3A_225 : i32
          %parallel_loop3A_227 = arith.extui %parallel_loop3A_226 : i1 to i32
          %parallel_loop3A_228 = arith.subi %parallel_loop3A_224, %parallel_loop3A_227 : i32
          %parallel_loop3A_229 = arith.constant 0 : i32
          %parallel_loop3A_230 = arith.cmpi sgt, %parallel_loop3A_220, %parallel_loop3A_229 : i32
          %parallel_loop3A_231 = arith.extui %parallel_loop3A_230 : i1 to i32
          %parallel_loop3A_232 = arith.constant 0 : i32
          %parallel_loop3A_233 = arith.cmpi slt, %parallel_loop3A_220, %parallel_loop3A_232 : i32
          %parallel_loop3A_234 = arith.extui %parallel_loop3A_233 : i1 to i32
          %parallel_loop3A_235 = arith.subi %parallel_loop3A_231, %parallel_loop3A_234 : i32
          %parallel_loop3A_236 = arith.cmpi ne, %parallel_loop3A_228, %parallel_loop3A_235 : i32
          %parallel_loop3A_237 = arith.remsi %parallel_loop3A_219, %parallel_loop3A_220 : i32
          %parallel_loop3A_238 = arith.constant 0 : i32
          %parallel_loop3A_239 = arith.cmpi ne, %parallel_loop3A_237, %parallel_loop3A_238 : i32
          %parallel_loop3A_240 = arith.andi %parallel_loop3A_236, %parallel_loop3A_239 : i1
          %parallel_loop3A_241 = arith.constant 1 : i32
          %parallel_loop3A_242 = arith.subi %parallel_loop3A_221, %parallel_loop3A_241 : i32
          %parallel_loop3A_243 = arith.select %parallel_loop3A_240, %parallel_loop3A_242, %parallel_loop3A_221 : i32
          %parallel_loop3A_244 = arith.addi %mul3A_215, %parallel_loop3A_243 : i32
          %parallel_loop3A_245 = arith.constant 16 : i32
          %parallel_loop3A_246 = arith.remsi %parallel_loop3A_219, %parallel_loop3A_245 : i32
          %parallel_loop3A_247 = arith.index_cast %parallel_loop3A_244 : i32 to index
          %parallel_loop3A_248 = arith.constant 0 : index
          %parallel_loop3A_249 = tpu.vector_load %arg13[%parallel_loop3A_247, %parallel_loop3A_248] {strides = array<i32>} : memref<16x128xf32, #tpu.memory_space<vmem>>, vector<1x16xf32>,
          %parallel_loop3A_250 = vector.shape_cast %parallel_loop3A_249 : vector<1x16xf32> to vector<16xf32>
          %parallel_loop3A_251 = arith.index_cast %parallel_loop3A_246 : i32 to index
          %parallel_loop3A_252 = arith.constant 0 : index
          %parallel_loop3A_253 = tpu.vector_load %arg14[%parallel_loop3A_251, %parallel_loop3A_252] {strides = array<i32>} : memref<16x128xf32, #tpu.memory_space<vmem>>, vector<1x16xf32>,
          %parallel_loop3A_254 = vector.shape_cast %parallel_loop3A_253 : vector<1x16xf32> to vector<16xf32>
          %parallel_loop3A_255 = arith.addf %parallel_loop3A_250, %parallel_loop3A_254 : vector<16xf32>
          %parallel_loop3A_256 = arith.index_cast %shift_right_arithmetic3A_211 : i32 to index
          %parallel_loop3A_257 = arith.constant 0 : index
          %parallel_loop3A_258 = tpu.vector_load %arg15[%parallel_loop3A_256, %parallel_loop3A_257] {strides = array<i32>} : memref<8x128xf32, #tpu.memory_space<vmem>>, vector<1x16xf32>,
          %parallel_loop3A_259 = vector.shape_cast %parallel_loop3A_258 : vector<1x16xf32> to vector<16xf32>
          %parallel_loop3A_260 = arith.addf %parallel_loop3A_255, %parallel_loop3A_259 : vector<16xf32>
          %parallel_loop3A_261 = arith.index_cast %parallel_loop3A_219 : i32 to index
          %parallel_loop3A_262 = arith.constant 0 : index
          %parallel_loop3A_263 = tpu.vector_load %arg16[%parallel_loop3A_261, %parallel_loop3A_262] {strides = array<i32>} : memref<128x128xf32, #tpu.memory_space<vmem>>, vector<1x16xf32>,
          %parallel_loop3A_264 = vector.shape_cast %parallel_loop3A_263 : vector<1x16xf32> to vector<16xf32>
          %parallel_loop3A_265 = vector.shape_cast %parallel_loop3A_260 : vector<16xf32> to vector<1x16xf32>
          tpu.vector_store %arg16[%parallel_loop3A_261, %parallel_loop3A_262], %parallel_loop3A_265 {strides = array<i32>} : memref<128x128xf32, #tpu.memory_space<vmem>>, vector<1x16xf32>,
          %parallel_loop3A_266 = arith.index_cast %parallel_loop3A_244 : i32 to index
          %parallel_loop3A_267 = arith.constant 16 : index
          %parallel_loop3A_268 = tpu.vector_load %arg13[%parallel_loop3A_266, %parallel_loop3A_267] {strides = array<i32>} : memref<16x128xf32, #tpu.memory_space<vmem>>, vector<1x16xf32>,
          %parallel_loop3A_269 = vector.shape_cast %parallel_loop3A_268 : vector<1x16xf32> to vector<16xf32>
          %parallel_loop3A_270 = arith.index_cast %parallel_loop3A_246 : i32 to index
          %parallel_loop3A_271 = arith.constant 16 : index
          %parallel_loop3A_272 = tpu.vector_load %arg14[%parallel_loop3A_270, %parallel_loop3A_271] {strides = array<i32>} : memref<16x128xf32, #tpu.memory_space<vmem>>, vector<1x16xf32>,
          %parallel_loop3A_273 = vector.shape_cast %parallel_loop3A_272 : vector<1x16xf32> to vector<16xf32>
          %parallel_loop3A_274 = arith.addf %parallel_loop3A_269, %parallel_loop3A_273 : vector<16xf32>
          %parallel_loop3A_275 = arith.index_cast %shift_right_arithmetic3A_211 : i32 to index
          %parallel_loop3A_276 = arith.constant 16 : index
          %parallel_loop3A_277 = tpu.vector_load %arg15[%parallel_loop3A_275, %parallel_loop3A_276] {strides = array<i32>} : memref<8x128xf32, #tpu.memory_space<vmem>>, vector<1x16xf32>,
          %parallel_loop3A_278 = vector.shape_cast %parallel_loop3A_277 : vector<1x16xf32> to vector<16xf32>
          %parallel_loop3A_279 = arith.addf %parallel_loop3A_274, %parallel_loop3A_278 : vector<16xf32>
          %parallel_loop3A_280 = arith.index_cast %parallel_loop3A_219 : i32 to index
          %parallel_loop3A_281 = arith.constant 16 : index
          %parallel_loop3A_282 = tpu.vector_load %arg16[%parallel_loop3A_280, %parallel_loop3A_281] {strides = array<i32>} : memref<128x128xf32, #tpu.memory_space<vmem>>, vector<1x16xf32>,
          %parallel_loop3A_283 = vector.shape_cast %parallel_loop3A_282 : vector<1x16xf32> to vector<16xf32>
          %parallel_loop3A_284 = vector.shape_cast %parallel_loop3A_279 : vector<16xf32> to vector<1x16xf32>
          tpu.vector_store %arg16[%parallel_loop3A_280, %parallel_loop3A_281], %parallel_loop3A_284 {strides = array<i32>} : memref<128x128xf32, #tpu.memory_space<vmem>>, vector<1x16xf32>,
          %parallel_loop3A_285 = arith.index_cast %parallel_loop3A_244 : i32 to index
          %parallel_loop3A_286 = arith.constant 32 : index
          %parallel_loop3A_287 = tpu.vector_load %arg13[%parallel_loop3A_285, %parallel_loop3A_286] {strides = array<i32>} : memref<16x128xf32, #tpu.memory_space<vmem>>, vector<1x16xf32>,
          %parallel_loop3A_288 = vector.shape_cast %parallel_loop3A_287 : vector<1x16xf32> to vector<16xf32>
          %parallel_loop3A_289 = arith.index_cast %parallel_loop3A_246 : i32 to index
          %parallel_loop3A_290 = arith.constant 32 : index
          %parallel_loop3A_291 = tpu.vector_load %arg14[%parallel_loop3A_289, %parallel_loop3A_290] {strides = array<i32>} : memref<16x128xf32, #tpu.memory_space<vmem>>, vector<1x16xf32>,
          %parallel_loop3A_292 = vector.shape_cast %parallel_loop3A_291 : vector<1x16xf32> to vector<16xf32>
          %parallel_loop3A_293 = arith.addf %parallel_loop3A_288, %parallel_loop3A_292 : vector<16xf32>
          %parallel_loop3A_294 = arith.index_cast %shift_right_arithmetic3A_211 : i32 to index
          %parallel_loop3A_295 = arith.constant 32 : index
          %parallel_loop3A_296 = tpu.vector_load %arg15[%parallel_loop3A_294, %parallel_loop3A_295] {strides = array<i32>} : memref<8x128xf32, #tpu.memory_space<vmem>>, vector<1x16xf32>,
          %parallel_loop3A_297 = vector.shape_cast %parallel_loop3A_296 : vector<1x16xf32> to vector<16xf32>
          %parallel_loop3A_298 = arith.addf %parallel_loop3A_293, %parallel_loop3A_297 : vector<16xf32>
          %parallel_loop3A_299 = arith.index_cast %parallel_loop3A_219 : i32 to index
          %parallel_loop3A_300 = arith.constant 32 : index
          %parallel_loop3A_301 = tpu.vector_load %arg16[%parallel_loop3A_299, %parallel_loop3A_300] {strides = array<i32>} : memref<128x128xf32, #tpu.memory_space<vmem>>, vector<1x16xf32>,
          %parallel_loop3A_302 = vector.shape_cast %parallel_loop3A_301 : vector<1x16xf32> to vector<16xf32>
          %parallel_loop3A_303 = vector.shape_cast %parallel_loop3A_298 : vector<16xf32> to vector<1x16xf32>
          tpu.vector_store %arg16[%parallel_loop3A_299, %parallel_loop3A_300], %parallel_loop3A_303 {strides = array<i32>} : memref<128x128xf32, #tpu.memory_space<vmem>>, vector<1x16xf32>,
          %parallel_loop3A_304 = arith.index_cast %parallel_loop3A_244 : i32 to index
          %parallel_loop3A_305 = arith.constant 48 : index
          %parallel_loop3A_306 = tpu.vector_load %arg13[%parallel_loop3A_304, %parallel_loop3A_305] {strides = array<i32>} : memref<16x128xf32, #tpu.memory_space<vmem>>, vector<1x16xf32>,
          %parallel_loop3A_307 = vector.shape_cast %parallel_loop3A_306 : vector<1x16xf32> to vector<16xf32>
          %parallel_loop3A_308 = arith.index_cast %parallel_loop3A_246 : i32 to index
          %parallel_loop3A_309 = arith.constant 48 : index
          %parallel_loop3A_310 = tpu.vector_load %arg14[%parallel_loop3A_308, %parallel_loop3A_309] {strides = array<i32>} : memref<16x128xf32, #tpu.memory_space<vmem>>, vector<1x16xf32>,
          %parallel_loop3A_311 = vector.shape_cast %parallel_loop3A_310 : vector<1x16xf32> to vector<16xf32>
          %parallel_loop3A_312 = arith.addf %parallel_loop3A_307, %parallel_loop3A_311 : vector<16xf32>
          %parallel_loop3A_313 = arith.index_cast %shift_right_arithmetic3A_211 : i32 to index
          %parallel_loop3A_314 = arith.constant 48 : index
          %parallel_loop3A_315 = tpu.vector_load %arg15[%parallel_loop3A_313, %parallel_loop3A_314] {strides = array<i32>} : memref<8x128xf32, #tpu.memory_space<vmem>>, vector<1x16xf32>,
          %parallel_loop3A_316 = vector.shape_cast %parallel_loop3A_315 : vector<1x16xf32> to vector<16xf32>
          %parallel_loop3A_317 = arith.addf %parallel_loop3A_312, %parallel_loop3A_316 : vector<16xf32>
          %parallel_loop3A_318 = arith.index_cast %parallel_loop3A_219 : i32 to index
          %parallel_loop3A_319 = arith.constant 48 : index
          %parallel_loop3A_320 = tpu.vector_load %arg16[%parallel_loop3A_318, %parallel_loop3A_319] {strides = array<i32>} : memref<128x128xf32, #tpu.memory_space<vmem>>, vector<1x16xf32>,
          %parallel_loop3A_321 = vector.shape_cast %parallel_loop3A_320 : vector<1x16xf32> to vector<16xf32>
          %parallel_loop3A_322 = vector.shape_cast %parallel_loop3A_317 : vector<16xf32> to vector<1x16xf32>
          tpu.vector_store %arg16[%parallel_loop3A_318, %parallel_loop3A_319], %parallel_loop3A_322 {strides = array<i32>} : memref<128x128xf32, #tpu.memory_space<vmem>>, vector<1x16xf32>,
          %parallel_loop3A_323 = arith.index_cast %parallel_loop3A_244 : i32 to index
          %parallel_loop3A_324 = arith.constant 64 : index
          %parallel_loop3A_325 = tpu.vector_load %arg13[%parallel_loop3A_323, %parallel_loop3A_324] {strides = array<i32>} : memref<16x128xf32, #tpu.memory_space<vmem>>, vector<1x16xf32>,
          %parallel_loop3A_326 = vector.shape_cast %parallel_loop3A_325 : vector<1x16xf32> to vector<16xf32>
          %parallel_loop3A_327 = arith.index_cast %parallel_loop3A_246 : i32 to index
          %parallel_loop3A_328 = arith.constant 64 : index
          %parallel_loop3A_329 = tpu.vector_load %arg14[%parallel_loop3A_327, %parallel_loop3A_328] {strides = array<i32>} : memref<16x128xf32, #tpu.memory_space<vmem>>, vector<1x16xf32>,
          %parallel_loop3A_330 = vector.shape_cast %parallel_loop3A_329 : vector<1x16xf32> to vector<16xf32>
          %parallel_loop3A_331 = arith.addf %parallel_loop3A_326, %parallel_loop3A_330 : vector<16xf32>
          %parallel_loop3A_332 = arith.index_cast %shift_right_arithmetic3A_211 : i32 to index
          %parallel_loop3A_333 = arith.constant 64 : index
          %parallel_loop3A_334 = tpu.vector_load %arg15[%parallel_loop3A_332, %parallel_loop3A_333] {strides = array<i32>} : memref<8x128xf32, #tpu.memory_space<vmem>>, vector<1x16xf32>,
          %parallel_loop3A_335 = vector.shape_cast %parallel_loop3A_334 : vector<1x16xf32> to vector<16xf32>
          %parallel_loop3A_336 = arith.addf %parallel_loop3A_331, %parallel_loop3A_335 : vector<16xf32>
          %parallel_loop3A_337 = arith.index_cast %parallel_loop3A_219 : i32 to index
          %parallel_loop3A_338 = arith.constant 64 : index
          %parallel_loop3A_339 = tpu.vector_load %arg16[%parallel_loop3A_337, %parallel_loop3A_338] {strides = array<i32>} : memref<128x128xf32, #tpu.memory_space<vmem>>, vector<1x16xf32>,
          %parallel_loop3A_340 = vector.shape_cast %parallel_loop3A_339 : vector<1x16xf32> to vector<16xf32>
          %parallel_loop3A_341 = vector.shape_cast %parallel_loop3A_336 : vector<16xf32> to vector<1x16xf32>
          tpu.vector_store %arg16[%parallel_loop3A_337, %parallel_loop3A_338], %parallel_loop3A_341 {strides = array<i32>} : memref<128x128xf32, #tpu.memory_space<vmem>>, vector<1x16xf32>,
          %parallel_loop3A_342 = arith.index_cast %parallel_loop3A_244 : i32 to index
          %parallel_loop3A_343 = arith.constant 80 : index
          %parallel_loop3A_344 = tpu.vector_load %arg13[%parallel_loop3A_342, %parallel_loop3A_343] {strides = array<i32>} : memref<16x128xf32, #tpu.memory_space<vmem>>, vector<1x16xf32>,
          %parallel_loop3A_345 = vector.shape_cast %parallel_loop3A_344 : vector<1x16xf32> to vector<16xf32>
          %parallel_loop3A_346 = arith.index_cast %parallel_loop3A_246 : i32 to index
          %parallel_loop3A_347 = arith.constant 80 : index
          %parallel_loop3A_348 = tpu.vector_load %arg14[%parallel_loop3A_346, %parallel_loop3A_347] {strides = array<i32>} : memref<16x128xf32, #tpu.memory_space<vmem>>, vector<1x16xf32>,
          %parallel_loop3A_349 = vector.shape_cast %parallel_loop3A_348 : vector<1x16xf32> to vector<16xf32>
          %parallel_loop3A_350 = arith.addf %parallel_loop3A_345, %parallel_loop3A_349 : vector<16xf32>
          %parallel_loop3A_351 = arith.index_cast %shift_right_arithmetic3A_211 : i32 to index
          %parallel_loop3A_352 = arith.constant 80 : index
          %parallel_loop3A_353 = tpu.vector_load %arg15[%parallel_loop3A_351, %parallel_loop3A_352] {strides = array<i32>} : memref<8x128xf32, #tpu.memory_space<vmem>>, vector<1x16xf32>,
          %parallel_loop3A_354 = vector.shape_cast %parallel_loop3A_353 : vector<1x16xf32> to vector<16xf32>
          %parallel_loop3A_355 = arith.addf %parallel_loop3A_350, %parallel_loop3A_354 : vector<16xf32>
          %parallel_loop3A_356 = arith.index_cast %parallel_loop3A_219 : i32 to index
          %parallel_loop3A_357 = arith.constant 80 : index
          %parallel_loop3A_358 = tpu.vector_load %arg16[%parallel_loop3A_356, %parallel_loop3A_357] {strides = array<i32>} : memref<128x128xf32, #tpu.memory_space<vmem>>, vector<1x16xf32>,
          %parallel_loop3A_359 = vector.shape_cast %parallel_loop3A_358 : vector<1x16xf32> to vector<16xf32>
          %parallel_loop3A_360 = vector.shape_cast %parallel_loop3A_355 : vector<16xf32> to vector<1x16xf32>
          tpu.vector_store %arg16[%parallel_loop3A_356, %parallel_loop3A_357], %parallel_loop3A_360 {strides = array<i32>} : memref<128x128xf32, #tpu.memory_space<vmem>>, vector<1x16xf32>,
          %parallel_loop3A_361 = arith.index_cast %parallel_loop3A_244 : i32 to index
          %parallel_loop3A_362 = arith.constant 96 : index
          %parallel_loop3A_363 = tpu.vector_load %arg13[%parallel_loop3A_361, %parallel_loop3A_362] {strides = array<i32>} : memref<16x128xf32, #tpu.memory_space<vmem>>, vector<1x16xf32>,
          %parallel_loop3A_364 = vector.shape_cast %parallel_loop3A_363 : vector<1x16xf32> to vector<16xf32>
          %parallel_loop3A_365 = arith.index_cast %parallel_loop3A_246 : i32 to index
          %parallel_loop3A_366 = arith.constant 96 : index
          %parallel_loop3A_367 = tpu.vector_load %arg14[%parallel_loop3A_365, %parallel_loop3A_366] {strides = array<i32>} : memref<16x128xf32, #tpu.memory_space<vmem>>, vector<1x16xf32>,
          %parallel_loop3A_368 = vector.shape_cast %parallel_loop3A_367 : vector<1x16xf32> to vector<16xf32>
          %parallel_loop3A_369 = arith.addf %parallel_loop3A_364, %parallel_loop3A_368 : vector<16xf32>
          %parallel_loop3A_370 = arith.index_cast %shift_right_arithmetic3A_211 : i32 to index
          %parallel_loop3A_371 = arith.constant 96 : index
          %parallel_loop3A_372 = tpu.vector_load %arg15[%parallel_loop3A_370, %parallel_loop3A_371] {strides = array<i32>} : memref<8x128xf32, #tpu.memory_space<vmem>>, vector<1x16xf32>,
          %parallel_loop3A_373 = vector.shape_cast %parallel_loop3A_372 : vector<1x16xf32> to vector<16xf32>
          %parallel_loop3A_374 = arith.addf %parallel_loop3A_369, %parallel_loop3A_373 : vector<16xf32>
          %parallel_loop3A_375 = arith.index_cast %parallel_loop3A_219 : i32 to index
          %parallel_loop3A_376 = arith.constant 96 : index
          %parallel_loop3A_377 = tpu.vector_load %arg16[%parallel_loop3A_375, %parallel_loop3A_376] {strides = array<i32>} : memref<128x128xf32, #tpu.memory_space<vmem>>, vector<1x16xf32>,
          %parallel_loop3A_378 = vector.shape_cast %parallel_loop3A_377 : vector<1x16xf32> to vector<16xf32>
          %parallel_loop3A_379 = vector.shape_cast %parallel_loop3A_374 : vector<16xf32> to vector<1x16xf32>
          tpu.vector_store %arg16[%parallel_loop3A_375, %parallel_loop3A_376], %parallel_loop3A_379 {strides = array<i32>} : memref<128x128xf32, #tpu.memory_space<vmem>>, vector<1x16xf32>,
          %parallel_loop3A_380 = arith.index_cast %parallel_loop3A_244 : i32 to index
          %parallel_loop3A_381 = arith.constant 112 : index
          %parallel_loop3A_382 = tpu.vector_load %arg13[%parallel_loop3A_380, %parallel_loop3A_381] {strides = array<i32>} : memref<16x128xf32, #tpu.memory_space<vmem>>, vector<1x16xf32>,
          %parallel_loop3A_383 = vector.shape_cast %parallel_loop3A_382 : vector<1x16xf32> to vector<16xf32>
          %parallel_loop3A_384 = arith.index_cast %parallel_loop3A_246 : i32 to index
          %parallel_loop3A_385 = arith.constant 112 : index
          %parallel_loop3A_386 = tpu.vector_load %arg14[%parallel_loop3A_384, %parallel_loop3A_385] {strides = array<i32>} : memref<16x128xf32, #tpu.memory_space<vmem>>, vector<1x16xf32>,
          %parallel_loop3A_387 = vector.shape_cast %parallel_loop3A_386 : vector<1x16xf32> to vector<16xf32>
          %parallel_loop3A_388 = arith.addf %parallel_loop3A_383, %parallel_loop3A_387 : vector<16xf32>
          %parallel_loop3A_389 = arith.index_cast %shift_right_arithmetic3A_211 : i32 to index
          %parallel_loop3A_390 = arith.constant 112 : index
          %parallel_loop3A_391 = tpu.vector_load %arg15[%parallel_loop3A_389, %parallel_loop3A_390] {strides = array<i32>} : memref<8x128xf32, #tpu.memory_space<vmem>>, vector<1x16xf32>,
          %parallel_loop3A_392 = vector.shape_cast %parallel_loop3A_391 : vector<1x16xf32> to vector<16xf32>
          %parallel_loop3A_393 = arith.addf %parallel_loop3A_388, %parallel_loop3A_392 : vector<16xf32>
          %parallel_loop3A_394 = arith.index_cast %parallel_loop3A_219 : i32 to index
          %parallel_loop3A_395 = arith.constant 112 : index
          %parallel_loop3A_396 = tpu.vector_load %arg16[%parallel_loop3A_394, %parallel_loop3A_395] {strides = array<i32>} : memref<128x128xf32, #tpu.memory_space<vmem>>, vector<1x16xf32>,
          %parallel_loop3A_397 = vector.shape_cast %parallel_loop3A_396 : vector<1x16xf32> to vector<16xf32>
          %parallel_loop3A_398 = vector.shape_cast %parallel_loop3A_393 : vector<16xf32> to vector<1x16xf32>
          tpu.vector_store %arg16[%parallel_loop3A_394, %parallel_loop3A_395], %parallel_loop3A_398 {strides = array<i32>} : memref<128x128xf32, #tpu.memory_space<vmem>>, vector<1x16xf32>,
        } {sc.loop_unroll_factor = 2 : i64, sc.parallel_access}
      } else {
      }
      %ge3A_83 = arith.constant 2 : i32
      %ge3A_84 = arith.cmpi sge, %add3A_75, %ge3A_83 : i32
      %convert_element_type3A_85 = arith.extui %ge3A_84 : i1 to i32
      %cond3A_86 = arith.constant 0 : i32
      %cond3A_87 = arith.cmpi ne, %convert_element_type3A_85, %cond3A_86 : i32
      scf.if %cond3A_87 {
        %dma_wait3A_208 = arith.constant 0 : i32
        %dma_wait3A_209 = arith.constant 0 : i32
        %dma_wait3A_210 = tpu.memref_slice %arg7[%dma_wait3A_208, %dma_wait3A_209] : memref<524288x128xf32, #tpu.memory_space<hbm>> -> memref<128x128xf32, #tpu.memory_space<hbm>>
        %dma_wait3A_211 = arith.constant 0 : i32
        %dma_wait3A_212 = arith.constant 0 : i32
        %dma_wait3A_213 = tpu.memref_slice %arg7[%dma_wait3A_211, %dma_wait3A_212] : memref<524288x128xf32, #tpu.memory_space<hbm>> -> memref<128x128xf32, #tpu.memory_space<hbm>>
        tpu.wait_dma2 semaphore(%arg25 : memref<!tpu.dma_semaphore, #tpu.memory_space<semaphore_mem>>) src(%arg12 : memref<128x128xf32, #tpu.memory_space<vmem>>) dst(%dma_wait3A_213 : memref<128x128xf32, #tpu.memory_space<hbm>>)
      } else {
      }
      %add3A_88 = arith.constant 2 : i32
      %add3A_89 = arith.addi %add3A_75, %add3A_88 : i32
      %lt3A_90 = arith.constant 128 : i32
      %lt3A_91 = arith.cmpi slt, %add3A_89, %lt3A_90 : i32
      %convert_element_type3A_92 = arith.extui %lt3A_91 : i1 to i32
      %cond3A_93 = arith.constant 0 : i32
      %cond3A_94 = arith.cmpi ne, %convert_element_type3A_92, %cond3A_93 : i32
      scf.if %cond3A_94 {
        %add3A_208 = arith.constant 2 : i32
        %add3A_209 = arith.addi %add3A_75, %add3A_208 : i32
        %and3A_210 = arith.constant 7 : i32
        %and3A_211 = arith.andi %add3A_209, %and3A_210 : i32
        %mul3A_212 = arith.constant 2048 : i32
        %mul3A_213 = arith.muli %and3A_211, %mul3A_212 : i32
        %shift_right_arithmetic3A_214 = arith.constant 3 : i32
        %shift_right_arithmetic3A_215 = arith.shrsi %add3A_209, %shift_right_arithmetic3A_214 : i32
        %mul3A_216 = arith.constant 128 : i32
        %mul3A_217 = arith.muli %shift_right_arithmetic3A_215, %mul3A_216 : i32
        %add3A_218 = arith.addi %mul3A_213, %mul3A_217 : i32
        %dma_start3A_219 = tpu.memref_slice %arg8[%add3A_218] : memref<16384xi32, #tpu.memory_space<vmem>> -> memref<128xi32, #tpu.memory_space<vmem>>
        %dma_start3A_220 = arith.constant 0 : i32
        %dma_start3A_221 = arith.constant 0 : i32
        %dma_start3A_222 = tpu.memref_slice %arg17[%dma_start3A_220, %dma_start3A_221] : memref<128x128xf32, #tpu.memory_space<vmem_shared>> -> memref<128x128xf32, #tpu.memory_space<vmem_shared>>
        tpu.enqueue_indirect_dma source(%dma_start3A_222 : memref<128x128xf32, #tpu.memory_space<vmem_shared>>) target(%arg12 : memref<128x128xf32, #tpu.memory_space<vmem>>) offsets(%dma_start3A_219 : memref<128xi32, #tpu.memory_space<vmem>>) semaphore(%arg21 : memref<!tpu.dma_semaphore, #tpu.memory_space<semaphore_mem>>)
      } else {
      }
      %dma_wait3A_95 = arith.constant 0 : i32
      %dma_wait3A_96 = tpu.memref_slice %arg8[%dma_wait3A_95] : memref<16384xi32, #tpu.memory_space<vmem>> -> memref<128xi32, #tpu.memory_space<vmem>>
      %dma_wait3A_97 = arith.constant 0 : i32
      %dma_wait3A_98 = arith.constant 0 : i32
      %dma_wait3A_99 = tpu.memref_slice %arg17[%dma_wait3A_97, %dma_wait3A_98] : memref<128x128xf32, #tpu.memory_space<vmem_shared>> -> memref<128x128xf32, #tpu.memory_space<vmem_shared>>
      tpu.wait_indirect_dma semaphore(%arg19 : memref<!tpu.dma_semaphore, #tpu.memory_space<semaphore_mem>>) src(%dma_wait3A_99 : memref<128x128xf32, #tpu.memory_space<vmem_shared>>) dst(%arg10 : memref<128x128xf32, #tpu.memory_space<vmem>>)
      %parallel_loop3A_100 = arith.constant 0 : i32
      %parallel_loop3A_101 = arith.constant 128 : i32
      %parallel_loop3A_102 = arith.constant 1 : i32
      scf.for %parallel_loop3A_208 = %parallel_loop3A_100 to %parallel_loop3A_101 step %parallel_loop3A_102  : i32 {
        %parallel_loop3A_209 = arith.index_cast %parallel_loop3A_208 : i32 to index
        %parallel_loop3A_210 = arith.constant 0 : index
        %parallel_loop3A_211 = tpu.vector_load %arg16[%parallel_loop3A_209, %parallel_loop3A_210] {strides = array<i32>} : memref<128x128xf32, #tpu.memory_space<vmem>>, vector<1x16xf32>,
        %parallel_loop3A_212 = vector.shape_cast %parallel_loop3A_211 : vector<1x16xf32> to vector<16xf32>
        %parallel_loop3A_213 = arith.index_cast %parallel_loop3A_208 : i32 to index
        %parallel_loop3A_214 = arith.constant 0 : index
        %parallel_loop3A_215 = tpu.vector_load %arg10[%parallel_loop3A_213, %parallel_loop3A_214] {strides = array<i32>} : memref<128x128xf32, #tpu.memory_space<vmem>>, vector<1x16xf32>,
        %parallel_loop3A_216 = vector.shape_cast %parallel_loop3A_215 : vector<1x16xf32> to vector<16xf32>
        %parallel_loop3A_217 = vector.shape_cast %parallel_loop3A_212 : vector<16xf32> to vector<1x16xf32>
        tpu.vector_store %arg10[%parallel_loop3A_213, %parallel_loop3A_214], %parallel_loop3A_217 {add = true, strides = array<i32>} : memref<128x128xf32, #tpu.memory_space<vmem>>, vector<1x16xf32>,
        %parallel_loop3A_218 = arith.index_cast %parallel_loop3A_208 : i32 to index
        %parallel_loop3A_219 = arith.constant 16 : index
        %parallel_loop3A_220 = tpu.vector_load %arg16[%parallel_loop3A_218, %parallel_loop3A_219] {strides = array<i32>} : memref<128x128xf32, #tpu.memory_space<vmem>>, vector<1x16xf32>,
        %parallel_loop3A_221 = vector.shape_cast %parallel_loop3A_220 : vector<1x16xf32> to vector<16xf32>
        %parallel_loop3A_222 = arith.index_cast %parallel_loop3A_208 : i32 to index
        %parallel_loop3A_223 = arith.constant 16 : index
        %parallel_loop3A_224 = tpu.vector_load %arg10[%parallel_loop3A_222, %parallel_loop3A_223] {strides = array<i32>} : memref<128x128xf32, #tpu.memory_space<vmem>>, vector<1x16xf32>,
        %parallel_loop3A_225 = vector.shape_cast %parallel_loop3A_224 : vector<1x16xf32> to vector<16xf32>
        %parallel_loop3A_226 = vector.shape_cast %parallel_loop3A_221 : vector<16xf32> to vector<1x16xf32>
        tpu.vector_store %arg10[%parallel_loop3A_222, %parallel_loop3A_223], %parallel_loop3A_226 {add = true, strides = array<i32>} : memref<128x128xf32, #tpu.memory_space<vmem>>, vector<1x16xf32>,
        %parallel_loop3A_227 = arith.index_cast %parallel_loop3A_208 : i32 to index
        %parallel_loop3A_228 = arith.constant 32 : index
        %parallel_loop3A_229 = tpu.vector_load %arg16[%parallel_loop3A_227, %parallel_loop3A_228] {strides = array<i32>} : memref<128x128xf32, #tpu.memory_space<vmem>>, vector<1x16xf32>,
        %parallel_loop3A_230 = vector.shape_cast %parallel_loop3A_229 : vector<1x16xf32> to vector<16xf32>
        %parallel_loop3A_231 = arith.index_cast %parallel_loop3A_208 : i32 to index
        %parallel_loop3A_232 = arith.constant 32 : index
        %parallel_loop3A_233 = tpu.vector_load %arg10[%parallel_loop3A_231, %parallel_loop3A_232] {strides = array<i32>} : memref<128x128xf32, #tpu.memory_space<vmem>>, vector<1x16xf32>,
        %parallel_loop3A_234 = vector.shape_cast %parallel_loop3A_233 : vector<1x16xf32> to vector<16xf32>
        %parallel_loop3A_235 = vector.shape_cast %parallel_loop3A_230 : vector<16xf32> to vector<1x16xf32>
        tpu.vector_store %arg10[%parallel_loop3A_231, %parallel_loop3A_232], %parallel_loop3A_235 {add = true, strides = array<i32>} : memref<128x128xf32, #tpu.memory_space<vmem>>, vector<1x16xf32>,
        %parallel_loop3A_236 = arith.index_cast %parallel_loop3A_208 : i32 to index
        %parallel_loop3A_237 = arith.constant 48 : index
        %parallel_loop3A_238 = tpu.vector_load %arg16[%parallel_loop3A_236, %parallel_loop3A_237] {strides = array<i32>} : memref<128x128xf32, #tpu.memory_space<vmem>>, vector<1x16xf32>,
        %parallel_loop3A_239 = vector.shape_cast %parallel_loop3A_238 : vector<1x16xf32> to vector<16xf32>
        %parallel_loop3A_240 = arith.index_cast %parallel_loop3A_208 : i32 to index
        %parallel_loop3A_241 = arith.constant 48 : index
        %parallel_loop3A_242 = tpu.vector_load %arg10[%parallel_loop3A_240, %parallel_loop3A_241] {strides = array<i32>} : memref<128x128xf32, #tpu.memory_space<vmem>>, vector<1x16xf32>,
        %parallel_loop3A_243 = vector.shape_cast %parallel_loop3A_242 : vector<1x16xf32> to vector<16xf32>
        %parallel_loop3A_244 = vector.shape_cast %parallel_loop3A_239 : vector<16xf32> to vector<1x16xf32>
        tpu.vector_store %arg10[%parallel_loop3A_240, %parallel_loop3A_241], %parallel_loop3A_244 {add = true, strides = array<i32>} : memref<128x128xf32, #tpu.memory_space<vmem>>, vector<1x16xf32>,
        %parallel_loop3A_245 = arith.index_cast %parallel_loop3A_208 : i32 to index
        %parallel_loop3A_246 = arith.constant 64 : index
        %parallel_loop3A_247 = tpu.vector_load %arg16[%parallel_loop3A_245, %parallel_loop3A_246] {strides = array<i32>} : memref<128x128xf32, #tpu.memory_space<vmem>>, vector<1x16xf32>,
        %parallel_loop3A_248 = vector.shape_cast %parallel_loop3A_247 : vector<1x16xf32> to vector<16xf32>
        %parallel_loop3A_249 = arith.index_cast %parallel_loop3A_208 : i32 to index
        %parallel_loop3A_250 = arith.constant 64 : index
        %parallel_loop3A_251 = tpu.vector_load %arg10[%parallel_loop3A_249, %parallel_loop3A_250] {strides = array<i32>} : memref<128x128xf32, #tpu.memory_space<vmem>>, vector<1x16xf32>,
        %parallel_loop3A_252 = vector.shape_cast %parallel_loop3A_251 : vector<1x16xf32> to vector<16xf32>
        %parallel_loop3A_253 = vector.shape_cast %parallel_loop3A_248 : vector<16xf32> to vector<1x16xf32>
        tpu.vector_store %arg10[%parallel_loop3A_249, %parallel_loop3A_250], %parallel_loop3A_253 {add = true, strides = array<i32>} : memref<128x128xf32, #tpu.memory_space<vmem>>, vector<1x16xf32>,
        %parallel_loop3A_254 = arith.index_cast %parallel_loop3A_208 : i32 to index
        %parallel_loop3A_255 = arith.constant 80 : index
        %parallel_loop3A_256 = tpu.vector_load %arg16[%parallel_loop3A_254, %parallel_loop3A_255] {strides = array<i32>} : memref<128x128xf32, #tpu.memory_space<vmem>>, vector<1x16xf32>,
        %parallel_loop3A_257 = vector.shape_cast %parallel_loop3A_256 : vector<1x16xf32> to vector<16xf32>
        %parallel_loop3A_258 = arith.index_cast %parallel_loop3A_208 : i32 to index
        %parallel_loop3A_259 = arith.constant 80 : index
        %parallel_loop3A_260 = tpu.vector_load %arg10[%parallel_loop3A_258, %parallel_loop3A_259] {strides = array<i32>} : memref<128x128xf32, #tpu.memory_space<vmem>>, vector<1x16xf32>,
        %parallel_loop3A_261 = vector.shape_cast %parallel_loop3A_260 : vector<1x16xf32> to vector<16xf32>
        %parallel_loop3A_262 = vector.shape_cast %parallel_loop3A_257 : vector<16xf32> to vector<1x16xf32>
        tpu.vector_store %arg10[%parallel_loop3A_258, %parallel_loop3A_259], %parallel_loop3A_262 {add = true, strides = array<i32>} : memref<128x128xf32, #tpu.memory_space<vmem>>, vector<1x16xf32>,
        %parallel_loop3A_263 = arith.index_cast %parallel_loop3A_208 : i32 to index
        %parallel_loop3A_264 = arith.constant 96 : index
        %parallel_loop3A_265 = tpu.vector_load %arg16[%parallel_loop3A_263, %parallel_loop3A_264] {strides = array<i32>} : memref<128x128xf32, #tpu.memory_space<vmem>>, vector<1x16xf32>,
        %parallel_loop3A_266 = vector.shape_cast %parallel_loop3A_265 : vector<1x16xf32> to vector<16xf32>
        %parallel_loop3A_267 = arith.index_cast %parallel_loop3A_208 : i32 to index
        %parallel_loop3A_268 = arith.constant 96 : index
        %parallel_loop3A_269 = tpu.vector_load %arg10[%parallel_loop3A_267, %parallel_loop3A_268] {strides = array<i32>} : memref<128x128xf32, #tpu.memory_space<vmem>>, vector<1x16xf32>,
        %parallel_loop3A_270 = vector.shape_cast %parallel_loop3A_269 : vector<1x16xf32> to vector<16xf32>
        %parallel_loop3A_271 = vector.shape_cast %parallel_loop3A_266 : vector<16xf32> to vector<1x16xf32>
        tpu.vector_store %arg10[%parallel_loop3A_267, %parallel_loop3A_268], %parallel_loop3A_271 {add = true, strides = array<i32>} : memref<128x128xf32, #tpu.memory_space<vmem>>, vector<1x16xf32>,
        %parallel_loop3A_272 = arith.index_cast %parallel_loop3A_208 : i32 to index
        %parallel_loop3A_273 = arith.constant 112 : index
        %parallel_loop3A_274 = tpu.vector_load %arg16[%parallel_loop3A_272, %parallel_loop3A_273] {strides = array<i32>} : memref<128x128xf32, #tpu.memory_space<vmem>>, vector<1x16xf32>,
        %parallel_loop3A_275 = vector.shape_cast %parallel_loop3A_274 : vector<1x16xf32> to vector<16xf32>
        %parallel_loop3A_276 = arith.index_cast %parallel_loop3A_208 : i32 to index
        %parallel_loop3A_277 = arith.constant 112 : index
        %parallel_loop3A_278 = tpu.vector_load %arg10[%parallel_loop3A_276, %parallel_loop3A_277] {strides = array<i32>} : memref<128x128xf32, #tpu.memory_space<vmem>>, vector<1x16xf32>,
        %parallel_loop3A_279 = vector.shape_cast %parallel_loop3A_278 : vector<1x16xf32> to vector<16xf32>
        %parallel_loop3A_280 = vector.shape_cast %parallel_loop3A_275 : vector<16xf32> to vector<1x16xf32>
        tpu.vector_store %arg10[%parallel_loop3A_276, %parallel_loop3A_277], %parallel_loop3A_280 {add = true, strides = array<i32>} : memref<128x128xf32, #tpu.memory_space<vmem>>, vector<1x16xf32>,
      } {sc.loop_unroll_factor = 4 : i64, sc.parallel_access}
      %and3A_103 = arith.constant 7 : i32
      %and3A_104 = arith.andi %add3A_75, %and3A_103 : i32
      %mul3A_105 = arith.constant 2048 : i32
      %mul3A_106 = arith.muli %and3A_104, %mul3A_105 : i32
      %shift_right_arithmetic3A_107 = arith.constant 3 : i32
      %shift_right_arithmetic3A_108 = arith.shrsi %add3A_75, %shift_right_arithmetic3A_107 : i32
      %mul3A_109 = arith.constant 128 : i32
      %mul3A_110 = arith.muli %shift_right_arithmetic3A_108, %mul3A_109 : i32
      %add3A_111 = arith.addi %mul3A_106, %mul3A_110 : i32
      %add3A_112 = arith.addi %mul3A_4, %add3A_111 : i32
      %dma_start3A_113 = arith.constant 0 : i32
      %dma_start3A_114 = tpu.memref_slice %arg7[%add3A_112, %dma_start3A_113] : memref<524288x128xf32, #tpu.memory_space<hbm>> -> memref<128x128xf32, #tpu.memory_space<hbm>>
      %dma_start3A_115 = arith.constant 0 : i32
      %dma_start3A_116 = tpu.memref_slice %arg7[%add3A_112, %dma_start3A_115] : memref<524288x128xf32, #tpu.memory_space<hbm>> -> memref<128x128xf32, #tpu.memory_space<hbm>>
      tpu.enqueue_dma source(%arg10 : memref<128x128xf32, #tpu.memory_space<vmem>>) target(%dma_start3A_116 : memref<128x128xf32, #tpu.memory_space<hbm>>) target_semaphore(%arg23 : memref<!tpu.dma_semaphore, #tpu.memory_space<semaphore_mem>>)
      %mul3A_117 = arith.constant 4 : i32
      %mul3A_118 = arith.muli %scan3A_31, %mul3A_117 : i32
      %add3A_119 = arith.constant 2 : i32
      %add3A_120 = arith.addi %mul3A_118, %add3A_119 : i32
      %rem3A_121 = arith.constant 8 : i32
      %rem3A_122 = arith.remsi %add3A_120, %rem3A_121 : i32
      %eq3A_123 = arith.constant 0 : i32
      %eq3A_124 = arith.cmpi eq, %rem3A_122, %eq3A_123 : i32
      %convert_element_type3A_125 = arith.extui %eq3A_124 : i1 to i32
      %cond3A_126 = arith.constant 0 : i32
      %cond3A_127 = arith.cmpi ne, %convert_element_type3A_125, %cond3A_126 : i32
      scf.if %cond3A_127 {
        %shift_right_arithmetic3A_208 = arith.constant 3 : i32
        %shift_right_arithmetic3A_209 = arith.shrsi %add3A_120, %shift_right_arithmetic3A_208 : i32
        %shift_right_arithmetic3A_210 = arith.constant 1 : i32
        %shift_right_arithmetic3A_211 = arith.shrsi %shift_right_arithmetic3A_209, %shift_right_arithmetic3A_210 : i32
        %and3A_212 = arith.constant 1 : i32
        %and3A_213 = arith.andi %shift_right_arithmetic3A_209, %and3A_212 : i32
        %mul3A_214 = arith.constant 8 : i32
        %mul3A_215 = arith.muli %and3A_213, %mul3A_214 : i32
        %parallel_loop3A_216 = arith.constant 0 : i32
        %parallel_loop3A_217 = arith.constant 128 : i32
        %parallel_loop3A_218 = arith.constant 1 : i32
        scf.for %parallel_loop3A_219 = %parallel_loop3A_216 to %parallel_loop3A_217 step %parallel_loop3A_218  : i32 {
          %parallel_loop3A_220 = arith.constant 16 : i32
          %parallel_loop3A_221 = arith.divsi %parallel_loop3A_219, %parallel_loop3A_220 : i32
          %parallel_loop3A_222 = arith.constant 0 : i32
          %parallel_loop3A_223 = arith.cmpi sgt, %parallel_loop3A_219, %parallel_loop3A_222 : i32
          %parallel_loop3A_224 = arith.extui %parallel_loop3A_223 : i1 to i32
          %parallel_loop3A_225 = arith.constant 0 : i32
          %parallel_loop3A_226 = arith.cmpi slt, %parallel_loop3A_219, %parallel_loop3A_225 : i32
          %parallel_loop3A_227 = arith.extui %parallel_loop3A_226 : i1 to i32
          %parallel_loop3A_228 = arith.subi %parallel_loop3A_224, %parallel_loop3A_227 : i32
          %parallel_loop3A_229 = arith.constant 0 : i32
          %parallel_loop3A_230 = arith.cmpi sgt, %parallel_loop3A_220, %parallel_loop3A_229 : i32
          %parallel_loop3A_231 = arith.extui %parallel_loop3A_230 : i1 to i32
          %parallel_loop3A_232 = arith.constant 0 : i32
          %parallel_loop3A_233 = arith.cmpi slt, %parallel_loop3A_220, %parallel_loop3A_232 : i32
          %parallel_loop3A_234 = arith.extui %parallel_loop3A_233 : i1 to i32
          %parallel_loop3A_235 = arith.subi %parallel_loop3A_231, %parallel_loop3A_234 : i32
          %parallel_loop3A_236 = arith.cmpi ne, %parallel_loop3A_228, %parallel_loop3A_235 : i32
          %parallel_loop3A_237 = arith.remsi %parallel_loop3A_219, %parallel_loop3A_220 : i32
          %parallel_loop3A_238 = arith.constant 0 : i32
          %parallel_loop3A_239 = arith.cmpi ne, %parallel_loop3A_237, %parallel_loop3A_238 : i32
          %parallel_loop3A_240 = arith.andi %parallel_loop3A_236, %parallel_loop3A_239 : i1
          %parallel_loop3A_241 = arith.constant 1 : i32
          %parallel_loop3A_242 = arith.subi %parallel_loop3A_221, %parallel_loop3A_241 : i32
          %parallel_loop3A_243 = arith.select %parallel_loop3A_240, %parallel_loop3A_242, %parallel_loop3A_221 : i32
          %parallel_loop3A_244 = arith.addi %mul3A_215, %parallel_loop3A_243 : i32
          %parallel_loop3A_245 = arith.constant 16 : i32
          %parallel_loop3A_246 = arith.remsi %parallel_loop3A_219, %parallel_loop3A_245 : i32
          %parallel_loop3A_247 = arith.index_cast %parallel_loop3A_244 : i32 to index
          %parallel_loop3A_248 = arith.constant 0 : index
          %parallel_loop3A_249 = tpu.vector_load %arg13[%parallel_loop3A_247, %parallel_loop3A_248] {strides = array<i32>} : memref<16x128xf32, #tpu.memory_space<vmem>>, vector<1x16xf32>,
          %parallel_loop3A_250 = vector.shape_cast %parallel_loop3A_249 : vector<1x16xf32> to vector<16xf32>
          %parallel_loop3A_251 = arith.index_cast %parallel_loop3A_246 : i32 to index
          %parallel_loop3A_252 = arith.constant 0 : index
          %parallel_loop3A_253 = tpu.vector_load %arg14[%parallel_loop3A_251, %parallel_loop3A_252] {strides = array<i32>} : memref<16x128xf32, #tpu.memory_space<vmem>>, vector<1x16xf32>,
          %parallel_loop3A_254 = vector.shape_cast %parallel_loop3A_253 : vector<1x16xf32> to vector<16xf32>
          %parallel_loop3A_255 = arith.addf %parallel_loop3A_250, %parallel_loop3A_254 : vector<16xf32>
          %parallel_loop3A_256 = arith.index_cast %shift_right_arithmetic3A_211 : i32 to index
          %parallel_loop3A_257 = arith.constant 0 : index
          %parallel_loop3A_258 = tpu.vector_load %arg15[%parallel_loop3A_256, %parallel_loop3A_257] {strides = array<i32>} : memref<8x128xf32, #tpu.memory_space<vmem>>, vector<1x16xf32>,
          %parallel_loop3A_259 = vector.shape_cast %parallel_loop3A_258 : vector<1x16xf32> to vector<16xf32>
          %parallel_loop3A_260 = arith.addf %parallel_loop3A_255, %parallel_loop3A_259 : vector<16xf32>
          %parallel_loop3A_261 = arith.index_cast %parallel_loop3A_219 : i32 to index
          %parallel_loop3A_262 = arith.constant 0 : index
          %parallel_loop3A_263 = tpu.vector_load %arg16[%parallel_loop3A_261, %parallel_loop3A_262] {strides = array<i32>} : memref<128x128xf32, #tpu.memory_space<vmem>>, vector<1x16xf32>,
          %parallel_loop3A_264 = vector.shape_cast %parallel_loop3A_263 : vector<1x16xf32> to vector<16xf32>
          %parallel_loop3A_265 = vector.shape_cast %parallel_loop3A_260 : vector<16xf32> to vector<1x16xf32>
          tpu.vector_store %arg16[%parallel_loop3A_261, %parallel_loop3A_262], %parallel_loop3A_265 {strides = array<i32>} : memref<128x128xf32, #tpu.memory_space<vmem>>, vector<1x16xf32>,
          %parallel_loop3A_266 = arith.index_cast %parallel_loop3A_244 : i32 to index
          %parallel_loop3A_267 = arith.constant 16 : index
          %parallel_loop3A_268 = tpu.vector_load %arg13[%parallel_loop3A_266, %parallel_loop3A_267] {strides = array<i32>} : memref<16x128xf32, #tpu.memory_space<vmem>>, vector<1x16xf32>,
          %parallel_loop3A_269 = vector.shape_cast %parallel_loop3A_268 : vector<1x16xf32> to vector<16xf32>
          %parallel_loop3A_270 = arith.index_cast %parallel_loop3A_246 : i32 to index
          %parallel_loop3A_271 = arith.constant 16 : index
          %parallel_loop3A_272 = tpu.vector_load %arg14[%parallel_loop3A_270, %parallel_loop3A_271] {strides = array<i32>} : memref<16x128xf32, #tpu.memory_space<vmem>>, vector<1x16xf32>,
          %parallel_loop3A_273 = vector.shape_cast %parallel_loop3A_272 : vector<1x16xf32> to vector<16xf32>
          %parallel_loop3A_274 = arith.addf %parallel_loop3A_269, %parallel_loop3A_273 : vector<16xf32>
          %parallel_loop3A_275 = arith.index_cast %shift_right_arithmetic3A_211 : i32 to index
          %parallel_loop3A_276 = arith.constant 16 : index
          %parallel_loop3A_277 = tpu.vector_load %arg15[%parallel_loop3A_275, %parallel_loop3A_276] {strides = array<i32>} : memref<8x128xf32, #tpu.memory_space<vmem>>, vector<1x16xf32>,
          %parallel_loop3A_278 = vector.shape_cast %parallel_loop3A_277 : vector<1x16xf32> to vector<16xf32>
          %parallel_loop3A_279 = arith.addf %parallel_loop3A_274, %parallel_loop3A_278 : vector<16xf32>
          %parallel_loop3A_280 = arith.index_cast %parallel_loop3A_219 : i32 to index
          %parallel_loop3A_281 = arith.constant 16 : index
          %parallel_loop3A_282 = tpu.vector_load %arg16[%parallel_loop3A_280, %parallel_loop3A_281] {strides = array<i32>} : memref<128x128xf32, #tpu.memory_space<vmem>>, vector<1x16xf32>,
          %parallel_loop3A_283 = vector.shape_cast %parallel_loop3A_282 : vector<1x16xf32> to vector<16xf32>
          %parallel_loop3A_284 = vector.shape_cast %parallel_loop3A_279 : vector<16xf32> to vector<1x16xf32>
          tpu.vector_store %arg16[%parallel_loop3A_280, %parallel_loop3A_281], %parallel_loop3A_284 {strides = array<i32>} : memref<128x128xf32, #tpu.memory_space<vmem>>, vector<1x16xf32>,
          %parallel_loop3A_285 = arith.index_cast %parallel_loop3A_244 : i32 to index
          %parallel_loop3A_286 = arith.constant 32 : index
          %parallel_loop3A_287 = tpu.vector_load %arg13[%parallel_loop3A_285, %parallel_loop3A_286] {strides = array<i32>} : memref<16x128xf32, #tpu.memory_space<vmem>>, vector<1x16xf32>,
          %parallel_loop3A_288 = vector.shape_cast %parallel_loop3A_287 : vector<1x16xf32> to vector<16xf32>
          %parallel_loop3A_289 = arith.index_cast %parallel_loop3A_246 : i32 to index
          %parallel_loop3A_290 = arith.constant 32 : index
          %parallel_loop3A_291 = tpu.vector_load %arg14[%parallel_loop3A_289, %parallel_loop3A_290] {strides = array<i32>} : memref<16x128xf32, #tpu.memory_space<vmem>>, vector<1x16xf32>,
          %parallel_loop3A_292 = vector.shape_cast %parallel_loop3A_291 : vector<1x16xf32> to vector<16xf32>
          %parallel_loop3A_293 = arith.addf %parallel_loop3A_288, %parallel_loop3A_292 : vector<16xf32>
          %parallel_loop3A_294 = arith.index_cast %shift_right_arithmetic3A_211 : i32 to index
          %parallel_loop3A_295 = arith.constant 32 : index
          %parallel_loop3A_296 = tpu.vector_load %arg15[%parallel_loop3A_294, %parallel_loop3A_295] {strides = array<i32>} : memref<8x128xf32, #tpu.memory_space<vmem>>, vector<1x16xf32>,
          %parallel_loop3A_297 = vector.shape_cast %parallel_loop3A_296 : vector<1x16xf32> to vector<16xf32>
          %parallel_loop3A_298 = arith.addf %parallel_loop3A_293, %parallel_loop3A_297 : vector<16xf32>
          %parallel_loop3A_299 = arith.index_cast %parallel_loop3A_219 : i32 to index
          %parallel_loop3A_300 = arith.constant 32 : index
          %parallel_loop3A_301 = tpu.vector_load %arg16[%parallel_loop3A_299, %parallel_loop3A_300] {strides = array<i32>} : memref<128x128xf32, #tpu.memory_space<vmem>>, vector<1x16xf32>,
          %parallel_loop3A_302 = vector.shape_cast %parallel_loop3A_301 : vector<1x16xf32> to vector<16xf32>
          %parallel_loop3A_303 = vector.shape_cast %parallel_loop3A_298 : vector<16xf32> to vector<1x16xf32>
          tpu.vector_store %arg16[%parallel_loop3A_299, %parallel_loop3A_300], %parallel_loop3A_303 {strides = array<i32>} : memref<128x128xf32, #tpu.memory_space<vmem>>, vector<1x16xf32>,
          %parallel_loop3A_304 = arith.index_cast %parallel_loop3A_244 : i32 to index
          %parallel_loop3A_305 = arith.constant 48 : index
          %parallel_loop3A_306 = tpu.vector_load %arg13[%parallel_loop3A_304, %parallel_loop3A_305] {strides = array<i32>} : memref<16x128xf32, #tpu.memory_space<vmem>>, vector<1x16xf32>,
          %parallel_loop3A_307 = vector.shape_cast %parallel_loop3A_306 : vector<1x16xf32> to vector<16xf32>
          %parallel_loop3A_308 = arith.index_cast %parallel_loop3A_246 : i32 to index
          %parallel_loop3A_309 = arith.constant 48 : index
          %parallel_loop3A_310 = tpu.vector_load %arg14[%parallel_loop3A_308, %parallel_loop3A_309] {strides = array<i32>} : memref<16x128xf32, #tpu.memory_space<vmem>>, vector<1x16xf32>,
          %parallel_loop3A_311 = vector.shape_cast %parallel_loop3A_310 : vector<1x16xf32> to vector<16xf32>
          %parallel_loop3A_312 = arith.addf %parallel_loop3A_307, %parallel_loop3A_311 : vector<16xf32>
          %parallel_loop3A_313 = arith.index_cast %shift_right_arithmetic3A_211 : i32 to index
          %parallel_loop3A_314 = arith.constant 48 : index
          %parallel_loop3A_315 = tpu.vector_load %arg15[%parallel_loop3A_313, %parallel_loop3A_314] {strides = array<i32>} : memref<8x128xf32, #tpu.memory_space<vmem>>, vector<1x16xf32>,
          %parallel_loop3A_316 = vector.shape_cast %parallel_loop3A_315 : vector<1x16xf32> to vector<16xf32>
          %parallel_loop3A_317 = arith.addf %parallel_loop3A_312, %parallel_loop3A_316 : vector<16xf32>
          %parallel_loop3A_318 = arith.index_cast %parallel_loop3A_219 : i32 to index
          %parallel_loop3A_319 = arith.constant 48 : index
          %parallel_loop3A_320 = tpu.vector_load %arg16[%parallel_loop3A_318, %parallel_loop3A_319] {strides = array<i32>} : memref<128x128xf32, #tpu.memory_space<vmem>>, vector<1x16xf32>,
          %parallel_loop3A_321 = vector.shape_cast %parallel_loop3A_320 : vector<1x16xf32> to vector<16xf32>
          %parallel_loop3A_322 = vector.shape_cast %parallel_loop3A_317 : vector<16xf32> to vector<1x16xf32>
          tpu.vector_store %arg16[%parallel_loop3A_318, %parallel_loop3A_319], %parallel_loop3A_322 {strides = array<i32>} : memref<128x128xf32, #tpu.memory_space<vmem>>, vector<1x16xf32>,
          %parallel_loop3A_323 = arith.index_cast %parallel_loop3A_244 : i32 to index
          %parallel_loop3A_324 = arith.constant 64 : index
          %parallel_loop3A_325 = tpu.vector_load %arg13[%parallel_loop3A_323, %parallel_loop3A_324] {strides = array<i32>} : memref<16x128xf32, #tpu.memory_space<vmem>>, vector<1x16xf32>,
          %parallel_loop3A_326 = vector.shape_cast %parallel_loop3A_325 : vector<1x16xf32> to vector<16xf32>
          %parallel_loop3A_327 = arith.index_cast %parallel_loop3A_246 : i32 to index
          %parallel_loop3A_328 = arith.constant 64 : index
          %parallel_loop3A_329 = tpu.vector_load %arg14[%parallel_loop3A_327, %parallel_loop3A_328] {strides = array<i32>} : memref<16x128xf32, #tpu.memory_space<vmem>>, vector<1x16xf32>,
          %parallel_loop3A_330 = vector.shape_cast %parallel_loop3A_329 : vector<1x16xf32> to vector<16xf32>
          %parallel_loop3A_331 = arith.addf %parallel_loop3A_326, %parallel_loop3A_330 : vector<16xf32>
          %parallel_loop3A_332 = arith.index_cast %shift_right_arithmetic3A_211 : i32 to index
          %parallel_loop3A_333 = arith.constant 64 : index
          %parallel_loop3A_334 = tpu.vector_load %arg15[%parallel_loop3A_332, %parallel_loop3A_333] {strides = array<i32>} : memref<8x128xf32, #tpu.memory_space<vmem>>, vector<1x16xf32>,
          %parallel_loop3A_335 = vector.shape_cast %parallel_loop3A_334 : vector<1x16xf32> to vector<16xf32>
          %parallel_loop3A_336 = arith.addf %parallel_loop3A_331, %parallel_loop3A_335 : vector<16xf32>
          %parallel_loop3A_337 = arith.index_cast %parallel_loop3A_219 : i32 to index
          %parallel_loop3A_338 = arith.constant 64 : index
          %parallel_loop3A_339 = tpu.vector_load %arg16[%parallel_loop3A_337, %parallel_loop3A_338] {strides = array<i32>} : memref<128x128xf32, #tpu.memory_space<vmem>>, vector<1x16xf32>,
          %parallel_loop3A_340 = vector.shape_cast %parallel_loop3A_339 : vector<1x16xf32> to vector<16xf32>
          %parallel_loop3A_341 = vector.shape_cast %parallel_loop3A_336 : vector<16xf32> to vector<1x16xf32>
          tpu.vector_store %arg16[%parallel_loop3A_337, %parallel_loop3A_338], %parallel_loop3A_341 {strides = array<i32>} : memref<128x128xf32, #tpu.memory_space<vmem>>, vector<1x16xf32>,
          %parallel_loop3A_342 = arith.index_cast %parallel_loop3A_244 : i32 to index
          %parallel_loop3A_343 = arith.constant 80 : index
          %parallel_loop3A_344 = tpu.vector_load %arg13[%parallel_loop3A_342, %parallel_loop3A_343] {strides = array<i32>} : memref<16x128xf32, #tpu.memory_space<vmem>>, vector<1x16xf32>,
          %parallel_loop3A_345 = vector.shape_cast %parallel_loop3A_344 : vector<1x16xf32> to vector<16xf32>
          %parallel_loop3A_346 = arith.index_cast %parallel_loop3A_246 : i32 to index
          %parallel_loop3A_347 = arith.constant 80 : index
          %parallel_loop3A_348 = tpu.vector_load %arg14[%parallel_loop3A_346, %parallel_loop3A_347] {strides = array<i32>} : memref<16x128xf32, #tpu.memory_space<vmem>>, vector<1x16xf32>,
          %parallel_loop3A_349 = vector.shape_cast %parallel_loop3A_348 : vector<1x16xf32> to vector<16xf32>
          %parallel_loop3A_350 = arith.addf %parallel_loop3A_345, %parallel_loop3A_349 : vector<16xf32>
          %parallel_loop3A_351 = arith.index_cast %shift_right_arithmetic3A_211 : i32 to index
          %parallel_loop3A_352 = arith.constant 80 : index
          %parallel_loop3A_353 = tpu.vector_load %arg15[%parallel_loop3A_351, %parallel_loop3A_352] {strides = array<i32>} : memref<8x128xf32, #tpu.memory_space<vmem>>, vector<1x16xf32>,
          %parallel_loop3A_354 = vector.shape_cast %parallel_loop3A_353 : vector<1x16xf32> to vector<16xf32>
          %parallel_loop3A_355 = arith.addf %parallel_loop3A_350, %parallel_loop3A_354 : vector<16xf32>
          %parallel_loop3A_356 = arith.index_cast %parallel_loop3A_219 : i32 to index
          %parallel_loop3A_357 = arith.constant 80 : index
          %parallel_loop3A_358 = tpu.vector_load %arg16[%parallel_loop3A_356, %parallel_loop3A_357] {strides = array<i32>} : memref<128x128xf32, #tpu.memory_space<vmem>>, vector<1x16xf32>,
          %parallel_loop3A_359 = vector.shape_cast %parallel_loop3A_358 : vector<1x16xf32> to vector<16xf32>
          %parallel_loop3A_360 = vector.shape_cast %parallel_loop3A_355 : vector<16xf32> to vector<1x16xf32>
          tpu.vector_store %arg16[%parallel_loop3A_356, %parallel_loop3A_357], %parallel_loop3A_360 {strides = array<i32>} : memref<128x128xf32, #tpu.memory_space<vmem>>, vector<1x16xf32>,
          %parallel_loop3A_361 = arith.index_cast %parallel_loop3A_244 : i32 to index
          %parallel_loop3A_362 = arith.constant 96 : index
          %parallel_loop3A_363 = tpu.vector_load %arg13[%parallel_loop3A_361, %parallel_loop3A_362] {strides = array<i32>} : memref<16x128xf32, #tpu.memory_space<vmem>>, vector<1x16xf32>,
          %parallel_loop3A_364 = vector.shape_cast %parallel_loop3A_363 : vector<1x16xf32> to vector<16xf32>
          %parallel_loop3A_365 = arith.index_cast %parallel_loop3A_246 : i32 to index
          %parallel_loop3A_366 = arith.constant 96 : index
          %parallel_loop3A_367 = tpu.vector_load %arg14[%parallel_loop3A_365, %parallel_loop3A_366] {strides = array<i32>} : memref<16x128xf32, #tpu.memory_space<vmem>>, vector<1x16xf32>,
          %parallel_loop3A_368 = vector.shape_cast %parallel_loop3A_367 : vector<1x16xf32> to vector<16xf32>
          %parallel_loop3A_369 = arith.addf %parallel_loop3A_364, %parallel_loop3A_368 : vector<16xf32>
          %parallel_loop3A_370 = arith.index_cast %shift_right_arithmetic3A_211 : i32 to index
          %parallel_loop3A_371 = arith.constant 96 : index
          %parallel_loop3A_372 = tpu.vector_load %arg15[%parallel_loop3A_370, %parallel_loop3A_371] {strides = array<i32>} : memref<8x128xf32, #tpu.memory_space<vmem>>, vector<1x16xf32>,
          %parallel_loop3A_373 = vector.shape_cast %parallel_loop3A_372 : vector<1x16xf32> to vector<16xf32>
          %parallel_loop3A_374 = arith.addf %parallel_loop3A_369, %parallel_loop3A_373 : vector<16xf32>
          %parallel_loop3A_375 = arith.index_cast %parallel_loop3A_219 : i32 to index
          %parallel_loop3A_376 = arith.constant 96 : index
          %parallel_loop3A_377 = tpu.vector_load %arg16[%parallel_loop3A_375, %parallel_loop3A_376] {strides = array<i32>} : memref<128x128xf32, #tpu.memory_space<vmem>>, vector<1x16xf32>,
          %parallel_loop3A_378 = vector.shape_cast %parallel_loop3A_377 : vector<1x16xf32> to vector<16xf32>
          %parallel_loop3A_379 = vector.shape_cast %parallel_loop3A_374 : vector<16xf32> to vector<1x16xf32>
          tpu.vector_store %arg16[%parallel_loop3A_375, %parallel_loop3A_376], %parallel_loop3A_379 {strides = array<i32>} : memref<128x128xf32, #tpu.memory_space<vmem>>, vector<1x16xf32>,
          %parallel_loop3A_380 = arith.index_cast %parallel_loop3A_244 : i32 to index
          %parallel_loop3A_381 = arith.constant 112 : index
          %parallel_loop3A_382 = tpu.vector_load %arg13[%parallel_loop3A_380, %parallel_loop3A_381] {strides = array<i32>} : memref<16x128xf32, #tpu.memory_space<vmem>>, vector<1x16xf32>,
          %parallel_loop3A_383 = vector.shape_cast %parallel_loop3A_382 : vector<1x16xf32> to vector<16xf32>
          %parallel_loop3A_384 = arith.index_cast %parallel_loop3A_246 : i32 to index
          %parallel_loop3A_385 = arith.constant 112 : index
          %parallel_loop3A_386 = tpu.vector_load %arg14[%parallel_loop3A_384, %parallel_loop3A_385] {strides = array<i32>} : memref<16x128xf32, #tpu.memory_space<vmem>>, vector<1x16xf32>,
          %parallel_loop3A_387 = vector.shape_cast %parallel_loop3A_386 : vector<1x16xf32> to vector<16xf32>
          %parallel_loop3A_388 = arith.addf %parallel_loop3A_383, %parallel_loop3A_387 : vector<16xf32>
          %parallel_loop3A_389 = arith.index_cast %shift_right_arithmetic3A_211 : i32 to index
          %parallel_loop3A_390 = arith.constant 112 : index
          %parallel_loop3A_391 = tpu.vector_load %arg15[%parallel_loop3A_389, %parallel_loop3A_390] {strides = array<i32>} : memref<8x128xf32, #tpu.memory_space<vmem>>, vector<1x16xf32>,
          %parallel_loop3A_392 = vector.shape_cast %parallel_loop3A_391 : vector<1x16xf32> to vector<16xf32>
          %parallel_loop3A_393 = arith.addf %parallel_loop3A_388, %parallel_loop3A_392 : vector<16xf32>
          %parallel_loop3A_394 = arith.index_cast %parallel_loop3A_219 : i32 to index
          %parallel_loop3A_395 = arith.constant 112 : index
          %parallel_loop3A_396 = tpu.vector_load %arg16[%parallel_loop3A_394, %parallel_loop3A_395] {strides = array<i32>} : memref<128x128xf32, #tpu.memory_space<vmem>>, vector<1x16xf32>,
          %parallel_loop3A_397 = vector.shape_cast %parallel_loop3A_396 : vector<1x16xf32> to vector<16xf32>
          %parallel_loop3A_398 = vector.shape_cast %parallel_loop3A_393 : vector<16xf32> to vector<1x16xf32>
          tpu.vector_store %arg16[%parallel_loop3A_394, %parallel_loop3A_395], %parallel_loop3A_398 {strides = array<i32>} : memref<128x128xf32, #tpu.memory_space<vmem>>, vector<1x16xf32>,
        } {sc.loop_unroll_factor = 2 : i64, sc.parallel_access}
      } else {
      }
      %ge3A_128 = arith.constant 2 : i32
      %ge3A_129 = arith.cmpi sge, %add3A_120, %ge3A_128 : i32
      %convert_element_type3A_130 = arith.extui %ge3A_129 : i1 to i32
      %cond3A_131 = arith.constant 0 : i32
      %cond3A_132 = arith.cmpi ne, %convert_element_type3A_130, %cond3A_131 : i32
      scf.if %cond3A_132 {
        %dma_wait3A_208 = arith.constant 0 : i32
        %dma_wait3A_209 = arith.constant 0 : i32
        %dma_wait3A_210 = tpu.memref_slice %arg7[%dma_wait3A_208, %dma_wait3A_209] : memref<524288x128xf32, #tpu.memory_space<hbm>> -> memref<128x128xf32, #tpu.memory_space<hbm>>
        %dma_wait3A_211 = arith.constant 0 : i32
        %dma_wait3A_212 = arith.constant 0 : i32
        %dma_wait3A_213 = tpu.memref_slice %arg7[%dma_wait3A_211, %dma_wait3A_212] : memref<524288x128xf32, #tpu.memory_space<hbm>> -> memref<128x128xf32, #tpu.memory_space<hbm>>
        tpu.wait_dma2 semaphore(%arg22 : memref<!tpu.dma_semaphore, #tpu.memory_space<semaphore_mem>>) src(%arg9 : memref<128x128xf32, #tpu.memory_space<vmem>>) dst(%dma_wait3A_213 : memref<128x128xf32, #tpu.memory_space<hbm>>)
      } else {
      }
      %add3A_133 = arith.constant 2 : i32
      %add3A_134 = arith.addi %add3A_120, %add3A_133 : i32
      %lt3A_135 = arith.constant 128 : i32
      %lt3A_136 = arith.cmpi slt, %add3A_134, %lt3A_135 : i32
      %convert_element_type3A_137 = arith.extui %lt3A_136 : i1 to i32
      %cond3A_138 = arith.constant 0 : i32
      %cond3A_139 = arith.cmpi ne, %convert_element_type3A_137, %cond3A_138 : i32
      scf.if %cond3A_139 {
        %add3A_208 = arith.constant 2 : i32
        %add3A_209 = arith.addi %add3A_120, %add3A_208 : i32
        %and3A_210 = arith.constant 7 : i32
        %and3A_211 = arith.andi %add3A_209, %and3A_210 : i32
        %mul3A_212 = arith.constant 2048 : i32
        %mul3A_213 = arith.muli %and3A_211, %mul3A_212 : i32
        %shift_right_arithmetic3A_214 = arith.constant 3 : i32
        %shift_right_arithmetic3A_215 = arith.shrsi %add3A_209, %shift_right_arithmetic3A_214 : i32
        %mul3A_216 = arith.constant 128 : i32
        %mul3A_217 = arith.muli %shift_right_arithmetic3A_215, %mul3A_216 : i32
        %add3A_218 = arith.addi %mul3A_213, %mul3A_217 : i32
        %dma_start3A_219 = tpu.memref_slice %arg8[%add3A_218] : memref<16384xi32, #tpu.memory_space<vmem>> -> memref<128xi32, #tpu.memory_space<vmem>>
        %dma_start3A_220 = arith.constant 0 : i32
        %dma_start3A_221 = arith.constant 0 : i32
        %dma_start3A_222 = tpu.memref_slice %arg17[%dma_start3A_220, %dma_start3A_221] : memref<128x128xf32, #tpu.memory_space<vmem_shared>> -> memref<128x128xf32, #tpu.memory_space<vmem_shared>>
        tpu.enqueue_indirect_dma source(%dma_start3A_222 : memref<128x128xf32, #tpu.memory_space<vmem_shared>>) target(%arg9 : memref<128x128xf32, #tpu.memory_space<vmem>>) offsets(%dma_start3A_219 : memref<128xi32, #tpu.memory_space<vmem>>) semaphore(%arg18 : memref<!tpu.dma_semaphore, #tpu.memory_space<semaphore_mem>>)
      } else {
      }
      %dma_wait3A_140 = arith.constant 0 : i32
      %dma_wait3A_141 = tpu.memref_slice %arg8[%dma_wait3A_140] : memref<16384xi32, #tpu.memory_space<vmem>> -> memref<128xi32, #tpu.memory_space<vmem>>
      %dma_wait3A_142 = arith.constant 0 : i32
      %dma_wait3A_143 = arith.constant 0 : i32
      %dma_wait3A_144 = tpu.memref_slice %arg17[%dma_wait3A_142, %dma_wait3A_143] : memref<128x128xf32, #tpu.memory_space<vmem_shared>> -> memref<128x128xf32, #tpu.memory_space<vmem_shared>>
      tpu.wait_indirect_dma semaphore(%arg20 : memref<!tpu.dma_semaphore, #tpu.memory_space<semaphore_mem>>) src(%dma_wait3A_144 : memref<128x128xf32, #tpu.memory_space<vmem_shared>>) dst(%arg11 : memref<128x128xf32, #tpu.memory_space<vmem>>)
      %parallel_loop3A_145 = arith.constant 0 : i32
      %parallel_loop3A_146 = arith.constant 128 : i32
      %parallel_loop3A_147 = arith.constant 1 : i32
      scf.for %parallel_loop3A_208 = %parallel_loop3A_145 to %parallel_loop3A_146 step %parallel_loop3A_147  : i32 {
        %parallel_loop3A_209 = arith.index_cast %parallel_loop3A_208 : i32 to index
        %parallel_loop3A_210 = arith.constant 0 : index
        %parallel_loop3A_211 = tpu.vector_load %arg16[%parallel_loop3A_209, %parallel_loop3A_210] {strides = array<i32>} : memref<128x128xf32, #tpu.memory_space<vmem>>, vector<1x16xf32>,
        %parallel_loop3A_212 = vector.shape_cast %parallel_loop3A_211 : vector<1x16xf32> to vector<16xf32>
        %parallel_loop3A_213 = arith.index_cast %parallel_loop3A_208 : i32 to index
        %parallel_loop3A_214 = arith.constant 0 : index
        %parallel_loop3A_215 = tpu.vector_load %arg11[%parallel_loop3A_213, %parallel_loop3A_214] {strides = array<i32>} : memref<128x128xf32, #tpu.memory_space<vmem>>, vector<1x16xf32>,
        %parallel_loop3A_216 = vector.shape_cast %parallel_loop3A_215 : vector<1x16xf32> to vector<16xf32>
        %parallel_loop3A_217 = vector.shape_cast %parallel_loop3A_212 : vector<16xf32> to vector<1x16xf32>
        tpu.vector_store %arg11[%parallel_loop3A_213, %parallel_loop3A_214], %parallel_loop3A_217 {add = true, strides = array<i32>} : memref<128x128xf32, #tpu.memory_space<vmem>>, vector<1x16xf32>,
        %parallel_loop3A_218 = arith.index_cast %parallel_loop3A_208 : i32 to index
        %parallel_loop3A_219 = arith.constant 16 : index
        %parallel_loop3A_220 = tpu.vector_load %arg16[%parallel_loop3A_218, %parallel_loop3A_219] {strides = array<i32>} : memref<128x128xf32, #tpu.memory_space<vmem>>, vector<1x16xf32>,
        %parallel_loop3A_221 = vector.shape_cast %parallel_loop3A_220 : vector<1x16xf32> to vector<16xf32>
        %parallel_loop3A_222 = arith.index_cast %parallel_loop3A_208 : i32 to index
        %parallel_loop3A_223 = arith.constant 16 : index
        %parallel_loop3A_224 = tpu.vector_load %arg11[%parallel_loop3A_222, %parallel_loop3A_223] {strides = array<i32>} : memref<128x128xf32, #tpu.memory_space<vmem>>, vector<1x16xf32>,
        %parallel_loop3A_225 = vector.shape_cast %parallel_loop3A_224 : vector<1x16xf32> to vector<16xf32>
        %parallel_loop3A_226 = vector.shape_cast %parallel_loop3A_221 : vector<16xf32> to vector<1x16xf32>
        tpu.vector_store %arg11[%parallel_loop3A_222, %parallel_loop3A_223], %parallel_loop3A_226 {add = true, strides = array<i32>} : memref<128x128xf32, #tpu.memory_space<vmem>>, vector<1x16xf32>,
        %parallel_loop3A_227 = arith.index_cast %parallel_loop3A_208 : i32 to index
        %parallel_loop3A_228 = arith.constant 32 : index
        %parallel_loop3A_229 = tpu.vector_load %arg16[%parallel_loop3A_227, %parallel_loop3A_228] {strides = array<i32>} : memref<128x128xf32, #tpu.memory_space<vmem>>, vector<1x16xf32>,
        %parallel_loop3A_230 = vector.shape_cast %parallel_loop3A_229 : vector<1x16xf32> to vector<16xf32>
        %parallel_loop3A_231 = arith.index_cast %parallel_loop3A_208 : i32 to index
        %parallel_loop3A_232 = arith.constant 32 : index
        %parallel_loop3A_233 = tpu.vector_load %arg11[%parallel_loop3A_231, %parallel_loop3A_232] {strides = array<i32>} : memref<128x128xf32, #tpu.memory_space<vmem>>, vector<1x16xf32>,
        %parallel_loop3A_234 = vector.shape_cast %parallel_loop3A_233 : vector<1x16xf32> to vector<16xf32>
        %parallel_loop3A_235 = vector.shape_cast %parallel_loop3A_230 : vector<16xf32> to vector<1x16xf32>
        tpu.vector_store %arg11[%parallel_loop3A_231, %parallel_loop3A_232], %parallel_loop3A_235 {add = true, strides = array<i32>} : memref<128x128xf32, #tpu.memory_space<vmem>>, vector<1x16xf32>,
        %parallel_loop3A_236 = arith.index_cast %parallel_loop3A_208 : i32 to index
        %parallel_loop3A_237 = arith.constant 48 : index
        %parallel_loop3A_238 = tpu.vector_load %arg16[%parallel_loop3A_236, %parallel_loop3A_237] {strides = array<i32>} : memref<128x128xf32, #tpu.memory_space<vmem>>, vector<1x16xf32>,
        %parallel_loop3A_239 = vector.shape_cast %parallel_loop3A_238 : vector<1x16xf32> to vector<16xf32>
        %parallel_loop3A_240 = arith.index_cast %parallel_loop3A_208 : i32 to index
        %parallel_loop3A_241 = arith.constant 48 : index
        %parallel_loop3A_242 = tpu.vector_load %arg11[%parallel_loop3A_240, %parallel_loop3A_241] {strides = array<i32>} : memref<128x128xf32, #tpu.memory_space<vmem>>, vector<1x16xf32>,
        %parallel_loop3A_243 = vector.shape_cast %parallel_loop3A_242 : vector<1x16xf32> to vector<16xf32>
        %parallel_loop3A_244 = vector.shape_cast %parallel_loop3A_239 : vector<16xf32> to vector<1x16xf32>
        tpu.vector_store %arg11[%parallel_loop3A_240, %parallel_loop3A_241], %parallel_loop3A_244 {add = true, strides = array<i32>} : memref<128x128xf32, #tpu.memory_space<vmem>>, vector<1x16xf32>,
        %parallel_loop3A_245 = arith.index_cast %parallel_loop3A_208 : i32 to index
        %parallel_loop3A_246 = arith.constant 64 : index
        %parallel_loop3A_247 = tpu.vector_load %arg16[%parallel_loop3A_245, %parallel_loop3A_246] {strides = array<i32>} : memref<128x128xf32, #tpu.memory_space<vmem>>, vector<1x16xf32>,
        %parallel_loop3A_248 = vector.shape_cast %parallel_loop3A_247 : vector<1x16xf32> to vector<16xf32>
        %parallel_loop3A_249 = arith.index_cast %parallel_loop3A_208 : i32 to index
        %parallel_loop3A_250 = arith.constant 64 : index
        %parallel_loop3A_251 = tpu.vector_load %arg11[%parallel_loop3A_249, %parallel_loop3A_250] {strides = array<i32>} : memref<128x128xf32, #tpu.memory_space<vmem>>, vector<1x16xf32>,
        %parallel_loop3A_252 = vector.shape_cast %parallel_loop3A_251 : vector<1x16xf32> to vector<16xf32>
        %parallel_loop3A_253 = vector.shape_cast %parallel_loop3A_248 : vector<16xf32> to vector<1x16xf32>
        tpu.vector_store %arg11[%parallel_loop3A_249, %parallel_loop3A_250], %parallel_loop3A_253 {add = true, strides = array<i32>} : memref<128x128xf32, #tpu.memory_space<vmem>>, vector<1x16xf32>,
        %parallel_loop3A_254 = arith.index_cast %parallel_loop3A_208 : i32 to index
        %parallel_loop3A_255 = arith.constant 80 : index
        %parallel_loop3A_256 = tpu.vector_load %arg16[%parallel_loop3A_254, %parallel_loop3A_255] {strides = array<i32>} : memref<128x128xf32, #tpu.memory_space<vmem>>, vector<1x16xf32>,
        %parallel_loop3A_257 = vector.shape_cast %parallel_loop3A_256 : vector<1x16xf32> to vector<16xf32>
        %parallel_loop3A_258 = arith.index_cast %parallel_loop3A_208 : i32 to index
        %parallel_loop3A_259 = arith.constant 80 : index
        %parallel_loop3A_260 = tpu.vector_load %arg11[%parallel_loop3A_258, %parallel_loop3A_259] {strides = array<i32>} : memref<128x128xf32, #tpu.memory_space<vmem>>, vector<1x16xf32>,
        %parallel_loop3A_261 = vector.shape_cast %parallel_loop3A_260 : vector<1x16xf32> to vector<16xf32>
        %parallel_loop3A_262 = vector.shape_cast %parallel_loop3A_257 : vector<16xf32> to vector<1x16xf32>
        tpu.vector_store %arg11[%parallel_loop3A_258, %parallel_loop3A_259], %parallel_loop3A_262 {add = true, strides = array<i32>} : memref<128x128xf32, #tpu.memory_space<vmem>>, vector<1x16xf32>,
        %parallel_loop3A_263 = arith.index_cast %parallel_loop3A_208 : i32 to index
        %parallel_loop3A_264 = arith.constant 96 : index
        %parallel_loop3A_265 = tpu.vector_load %arg16[%parallel_loop3A_263, %parallel_loop3A_264] {strides = array<i32>} : memref<128x128xf32, #tpu.memory_space<vmem>>, vector<1x16xf32>,
        %parallel_loop3A_266 = vector.shape_cast %parallel_loop3A_265 : vector<1x16xf32> to vector<16xf32>
        %parallel_loop3A_267 = arith.index_cast %parallel_loop3A_208 : i32 to index
        %parallel_loop3A_268 = arith.constant 96 : index
        %parallel_loop3A_269 = tpu.vector_load %arg11[%parallel_loop3A_267, %parallel_loop3A_268] {strides = array<i32>} : memref<128x128xf32, #tpu.memory_space<vmem>>, vector<1x16xf32>,
        %parallel_loop3A_270 = vector.shape_cast %parallel_loop3A_269 : vector<1x16xf32> to vector<16xf32>
        %parallel_loop3A_271 = vector.shape_cast %parallel_loop3A_266 : vector<16xf32> to vector<1x16xf32>
        tpu.vector_store %arg11[%parallel_loop3A_267, %parallel_loop3A_268], %parallel_loop3A_271 {add = true, strides = array<i32>} : memref<128x128xf32, #tpu.memory_space<vmem>>, vector<1x16xf32>,
        %parallel_loop3A_272 = arith.index_cast %parallel_loop3A_208 : i32 to index
        %parallel_loop3A_273 = arith.constant 112 : index
        %parallel_loop3A_274 = tpu.vector_load %arg16[%parallel_loop3A_272, %parallel_loop3A_273] {strides = array<i32>} : memref<128x128xf32, #tpu.memory_space<vmem>>, vector<1x16xf32>,
        %parallel_loop3A_275 = vector.shape_cast %parallel_loop3A_274 : vector<1x16xf32> to vector<16xf32>
        %parallel_loop3A_276 = arith.index_cast %parallel_loop3A_208 : i32 to index
        %parallel_loop3A_277 = arith.constant 112 : index
        %parallel_loop3A_278 = tpu.vector_load %arg11[%parallel_loop3A_276, %parallel_loop3A_277] {strides = array<i32>} : memref<128x128xf32, #tpu.memory_space<vmem>>, vector<1x16xf32>,
        %parallel_loop3A_279 = vector.shape_cast %parallel_loop3A_278 : vector<1x16xf32> to vector<16xf32>
        %parallel_loop3A_280 = vector.shape_cast %parallel_loop3A_275 : vector<16xf32> to vector<1x16xf32>
        tpu.vector_store %arg11[%parallel_loop3A_276, %parallel_loop3A_277], %parallel_loop3A_280 {add = true, strides = array<i32>} : memref<128x128xf32, #tpu.memory_space<vmem>>, vector<1x16xf32>,
      } {sc.loop_unroll_factor = 4 : i64, sc.parallel_access}
      %and3A_148 = arith.constant 7 : i32
      %and3A_149 = arith.andi %add3A_120, %and3A_148 : i32
      %mul3A_150 = arith.constant 2048 : i32
      %mul3A_151 = arith.muli %and3A_149, %mul3A_150 : i32
      %shift_right_arithmetic3A_152 = arith.constant 3 : i32
      %shift_right_arithmetic3A_153 = arith.shrsi %add3A_120, %shift_right_arithmetic3A_152 : i32
      %mul3A_154 = arith.constant 128 : i32
      %mul3A_155 = arith.muli %shift_right_arithmetic3A_153, %mul3A_154 : i32
      %add3A_156 = arith.addi %mul3A_151, %mul3A_155 : i32
      %add3A_157 = arith.addi %mul3A_4, %add3A_156 : i32
      %dma_start3A_158 = arith.constant 0 : i32
      %dma_start3A_159 = tpu.memref_slice %arg7[%add3A_157, %dma_start3A_158] : memref<524288x128xf32, #tpu.memory_space<hbm>> -> memref<128x128xf32, #tpu.memory_space<hbm>>
      %dma_start3A_160 = arith.constant 0 : i32
      %dma_start3A_161 = tpu.memref_slice %arg7[%add3A_157, %dma_start3A_160] : memref<524288x128xf32, #tpu.memory_space<hbm>> -> memref<128x128xf32, #tpu.memory_space<hbm>>
      tpu.enqueue_dma source(%arg11 : memref<128x128xf32, #tpu.memory_space<vmem>>) target(%dma_start3A_161 : memref<128x128xf32, #tpu.memory_space<hbm>>) target_semaphore(%arg24 : memref<!tpu.dma_semaphore, #tpu.memory_space<semaphore_mem>>)
      %mul3A_162 = arith.constant 4 : i32
      %mul3A_163 = arith.muli %scan3A_31, %mul3A_162 : i32
      %add3A_164 = arith.constant 3 : i32
      %add3A_165 = arith.addi %mul3A_163, %add3A_164 : i32
      %rem3A_166 = arith.constant 8 : i32
      %rem3A_167 = arith.remsi %add3A_165, %rem3A_166 : i32
      %eq3A_168 = arith.constant 0 : i32
      %eq3A_169 = arith.cmpi eq, %rem3A_167, %eq3A_168 : i32
      %convert_element_type3A_170 = arith.extui %eq3A_169 : i1 to i32
      %cond3A_171 = arith.constant 0 : i32
      %cond3A_172 = arith.cmpi ne, %convert_element_type3A_170, %cond3A_171 : i32
      scf.if %cond3A_172 {
        %shift_right_arithmetic3A_208 = arith.constant 3 : i32
        %shift_right_arithmetic3A_209 = arith.shrsi %add3A_165, %shift_right_arithmetic3A_208 : i32
        %shift_right_arithmetic3A_210 = arith.constant 1 : i32
        %shift_right_arithmetic3A_211 = arith.shrsi %shift_right_arithmetic3A_209, %shift_right_arithmetic3A_210 : i32
        %and3A_212 = arith.constant 1 : i32
        %and3A_213 = arith.andi %shift_right_arithmetic3A_209, %and3A_212 : i32
        %mul3A_214 = arith.constant 8 : i32
        %mul3A_215 = arith.muli %and3A_213, %mul3A_214 : i32
        %parallel_loop3A_216 = arith.constant 0 : i32
        %parallel_loop3A_217 = arith.constant 128 : i32
        %parallel_loop3A_218 = arith.constant 1 : i32
        scf.for %parallel_loop3A_219 = %parallel_loop3A_216 to %parallel_loop3A_217 step %parallel_loop3A_218  : i32 {
          %parallel_loop3A_220 = arith.constant 16 : i32
          %parallel_loop3A_221 = arith.divsi %parallel_loop3A_219, %parallel_loop3A_220 : i32
          %parallel_loop3A_222 = arith.constant 0 : i32
          %parallel_loop3A_223 = arith.cmpi sgt, %parallel_loop3A_219, %parallel_loop3A_222 : i32
          %parallel_loop3A_224 = arith.extui %parallel_loop3A_223 : i1 to i32
          %parallel_loop3A_225 = arith.constant 0 : i32
          %parallel_loop3A_226 = arith.cmpi slt, %parallel_loop3A_219, %parallel_loop3A_225 : i32
          %parallel_loop3A_227 = arith.extui %parallel_loop3A_226 : i1 to i32
          %parallel_loop3A_228 = arith.subi %parallel_loop3A_224, %parallel_loop3A_227 : i32
          %parallel_loop3A_229 = arith.constant 0 : i32
          %parallel_loop3A_230 = arith.cmpi sgt, %parallel_loop3A_220, %parallel_loop3A_229 : i32
          %parallel_loop3A_231 = arith.extui %parallel_loop3A_230 : i1 to i32
          %parallel_loop3A_232 = arith.constant 0 : i32
          %parallel_loop3A_233 = arith.cmpi slt, %parallel_loop3A_220, %parallel_loop3A_232 : i32
          %parallel_loop3A_234 = arith.extui %parallel_loop3A_233 : i1 to i32
          %parallel_loop3A_235 = arith.subi %parallel_loop3A_231, %parallel_loop3A_234 : i32
          %parallel_loop3A_236 = arith.cmpi ne, %parallel_loop3A_228, %parallel_loop3A_235 : i32
          %parallel_loop3A_237 = arith.remsi %parallel_loop3A_219, %parallel_loop3A_220 : i32
          %parallel_loop3A_238 = arith.constant 0 : i32
          %parallel_loop3A_239 = arith.cmpi ne, %parallel_loop3A_237, %parallel_loop3A_238 : i32
          %parallel_loop3A_240 = arith.andi %parallel_loop3A_236, %parallel_loop3A_239 : i1
          %parallel_loop3A_241 = arith.constant 1 : i32
          %parallel_loop3A_242 = arith.subi %parallel_loop3A_221, %parallel_loop3A_241 : i32
          %parallel_loop3A_243 = arith.select %parallel_loop3A_240, %parallel_loop3A_242, %parallel_loop3A_221 : i32
          %parallel_loop3A_244 = arith.addi %mul3A_215, %parallel_loop3A_243 : i32
          %parallel_loop3A_245 = arith.constant 16 : i32
          %parallel_loop3A_246 = arith.remsi %parallel_loop3A_219, %parallel_loop3A_245 : i32
          %parallel_loop3A_247 = arith.index_cast %parallel_loop3A_244 : i32 to index
          %parallel_loop3A_248 = arith.constant 0 : index
          %parallel_loop3A_249 = tpu.vector_load %arg13[%parallel_loop3A_247, %parallel_loop3A_248] {strides = array<i32>} : memref<16x128xf32, #tpu.memory_space<vmem>>, vector<1x16xf32>,
          %parallel_loop3A_250 = vector.shape_cast %parallel_loop3A_249 : vector<1x16xf32> to vector<16xf32>
          %parallel_loop3A_251 = arith.index_cast %parallel_loop3A_246 : i32 to index
          %parallel_loop3A_252 = arith.constant 0 : index
          %parallel_loop3A_253 = tpu.vector_load %arg14[%parallel_loop3A_251, %parallel_loop3A_252] {strides = array<i32>} : memref<16x128xf32, #tpu.memory_space<vmem>>, vector<1x16xf32>,
          %parallel_loop3A_254 = vector.shape_cast %parallel_loop3A_253 : vector<1x16xf32> to vector<16xf32>
          %parallel_loop3A_255 = arith.addf %parallel_loop3A_250, %parallel_loop3A_254 : vector<16xf32>
          %parallel_loop3A_256 = arith.index_cast %shift_right_arithmetic3A_211 : i32 to index
          %parallel_loop3A_257 = arith.constant 0 : index
          %parallel_loop3A_258 = tpu.vector_load %arg15[%parallel_loop3A_256, %parallel_loop3A_257] {strides = array<i32>} : memref<8x128xf32, #tpu.memory_space<vmem>>, vector<1x16xf32>,
          %parallel_loop3A_259 = vector.shape_cast %parallel_loop3A_258 : vector<1x16xf32> to vector<16xf32>
          %parallel_loop3A_260 = arith.addf %parallel_loop3A_255, %parallel_loop3A_259 : vector<16xf32>
          %parallel_loop3A_261 = arith.index_cast %parallel_loop3A_219 : i32 to index
          %parallel_loop3A_262 = arith.constant 0 : index
          %parallel_loop3A_263 = tpu.vector_load %arg16[%parallel_loop3A_261, %parallel_loop3A_262] {strides = array<i32>} : memref<128x128xf32, #tpu.memory_space<vmem>>, vector<1x16xf32>,
          %parallel_loop3A_264 = vector.shape_cast %parallel_loop3A_263 : vector<1x16xf32> to vector<16xf32>
          %parallel_loop3A_265 = vector.shape_cast %parallel_loop3A_260 : vector<16xf32> to vector<1x16xf32>
          tpu.vector_store %arg16[%parallel_loop3A_261, %parallel_loop3A_262], %parallel_loop3A_265 {strides = array<i32>} : memref<128x128xf32, #tpu.memory_space<vmem>>, vector<1x16xf32>,
          %parallel_loop3A_266 = arith.index_cast %parallel_loop3A_244 : i32 to index
          %parallel_loop3A_267 = arith.constant 16 : index
          %parallel_loop3A_268 = tpu.vector_load %arg13[%parallel_loop3A_266, %parallel_loop3A_267] {strides = array<i32>} : memref<16x128xf32, #tpu.memory_space<vmem>>, vector<1x16xf32>,
          %parallel_loop3A_269 = vector.shape_cast %parallel_loop3A_268 : vector<1x16xf32> to vector<16xf32>
          %parallel_loop3A_270 = arith.index_cast %parallel_loop3A_246 : i32 to index
          %parallel_loop3A_271 = arith.constant 16 : index
          %parallel_loop3A_272 = tpu.vector_load %arg14[%parallel_loop3A_270, %parallel_loop3A_271] {strides = array<i32>} : memref<16x128xf32, #tpu.memory_space<vmem>>, vector<1x16xf32>,
          %parallel_loop3A_273 = vector.shape_cast %parallel_loop3A_272 : vector<1x16xf32> to vector<16xf32>
          %parallel_loop3A_274 = arith.addf %parallel_loop3A_269, %parallel_loop3A_273 : vector<16xf32>
          %parallel_loop3A_275 = arith.index_cast %shift_right_arithmetic3A_211 : i32 to index
          %parallel_loop3A_276 = arith.constant 16 : index
          %parallel_loop3A_277 = tpu.vector_load %arg15[%parallel_loop3A_275, %parallel_loop3A_276] {strides = array<i32>} : memref<8x128xf32, #tpu.memory_space<vmem>>, vector<1x16xf32>,
          %parallel_loop3A_278 = vector.shape_cast %parallel_loop3A_277 : vector<1x16xf32> to vector<16xf32>
          %parallel_loop3A_279 = arith.addf %parallel_loop3A_274, %parallel_loop3A_278 : vector<16xf32>
          %parallel_loop3A_280 = arith.index_cast %parallel_loop3A_219 : i32 to index
          %parallel_loop3A_281 = arith.constant 16 : index
          %parallel_loop3A_282 = tpu.vector_load %arg16[%parallel_loop3A_280, %parallel_loop3A_281] {strides = array<i32>} : memref<128x128xf32, #tpu.memory_space<vmem>>, vector<1x16xf32>,
          %parallel_loop3A_283 = vector.shape_cast %parallel_loop3A_282 : vector<1x16xf32> to vector<16xf32>
          %parallel_loop3A_284 = vector.shape_cast %parallel_loop3A_279 : vector<16xf32> to vector<1x16xf32>
          tpu.vector_store %arg16[%parallel_loop3A_280, %parallel_loop3A_281], %parallel_loop3A_284 {strides = array<i32>} : memref<128x128xf32, #tpu.memory_space<vmem>>, vector<1x16xf32>,
          %parallel_loop3A_285 = arith.index_cast %parallel_loop3A_244 : i32 to index
          %parallel_loop3A_286 = arith.constant 32 : index
          %parallel_loop3A_287 = tpu.vector_load %arg13[%parallel_loop3A_285, %parallel_loop3A_286] {strides = array<i32>} : memref<16x128xf32, #tpu.memory_space<vmem>>, vector<1x16xf32>,
          %parallel_loop3A_288 = vector.shape_cast %parallel_loop3A_287 : vector<1x16xf32> to vector<16xf32>
          %parallel_loop3A_289 = arith.index_cast %parallel_loop3A_246 : i32 to index
          %parallel_loop3A_290 = arith.constant 32 : index
          %parallel_loop3A_291 = tpu.vector_load %arg14[%parallel_loop3A_289, %parallel_loop3A_290] {strides = array<i32>} : memref<16x128xf32, #tpu.memory_space<vmem>>, vector<1x16xf32>,
          %parallel_loop3A_292 = vector.shape_cast %parallel_loop3A_291 : vector<1x16xf32> to vector<16xf32>
          %parallel_loop3A_293 = arith.addf %parallel_loop3A_288, %parallel_loop3A_292 : vector<16xf32>
          %parallel_loop3A_294 = arith.index_cast %shift_right_arithmetic3A_211 : i32 to index
          %parallel_loop3A_295 = arith.constant 32 : index
          %parallel_loop3A_296 = tpu.vector_load %arg15[%parallel_loop3A_294, %parallel_loop3A_295] {strides = array<i32>} : memref<8x128xf32, #tpu.memory_space<vmem>>, vector<1x16xf32>,
          %parallel_loop3A_297 = vector.shape_cast %parallel_loop3A_296 : vector<1x16xf32> to vector<16xf32>
          %parallel_loop3A_298 = arith.addf %parallel_loop3A_293, %parallel_loop3A_297 : vector<16xf32>
          %parallel_loop3A_299 = arith.index_cast %parallel_loop3A_219 : i32 to index
          %parallel_loop3A_300 = arith.constant 32 : index
          %parallel_loop3A_301 = tpu.vector_load %arg16[%parallel_loop3A_299, %parallel_loop3A_300] {strides = array<i32>} : memref<128x128xf32, #tpu.memory_space<vmem>>, vector<1x16xf32>,
          %parallel_loop3A_302 = vector.shape_cast %parallel_loop3A_301 : vector<1x16xf32> to vector<16xf32>
          %parallel_loop3A_303 = vector.shape_cast %parallel_loop3A_298 : vector<16xf32> to vector<1x16xf32>
          tpu.vector_store %arg16[%parallel_loop3A_299, %parallel_loop3A_300], %parallel_loop3A_303 {strides = array<i32>} : memref<128x128xf32, #tpu.memory_space<vmem>>, vector<1x16xf32>,
          %parallel_loop3A_304 = arith.index_cast %parallel_loop3A_244 : i32 to index
          %parallel_loop3A_305 = arith.constant 48 : index
          %parallel_loop3A_306 = tpu.vector_load %arg13[%parallel_loop3A_304, %parallel_loop3A_305] {strides = array<i32>} : memref<16x128xf32, #tpu.memory_space<vmem>>, vector<1x16xf32>,
          %parallel_loop3A_307 = vector.shape_cast %parallel_loop3A_306 : vector<1x16xf32> to vector<16xf32>
          %parallel_loop3A_308 = arith.index_cast %parallel_loop3A_246 : i32 to index
          %parallel_loop3A_309 = arith.constant 48 : index
          %parallel_loop3A_310 = tpu.vector_load %arg14[%parallel_loop3A_308, %parallel_loop3A_309] {strides = array<i32>} : memref<16x128xf32, #tpu.memory_space<vmem>>, vector<1x16xf32>,
          %parallel_loop3A_311 = vector.shape_cast %parallel_loop3A_310 : vector<1x16xf32> to vector<16xf32>
          %parallel_loop3A_312 = arith.addf %parallel_loop3A_307, %parallel_loop3A_311 : vector<16xf32>
          %parallel_loop3A_313 = arith.index_cast %shift_right_arithmetic3A_211 : i32 to index
          %parallel_loop3A_314 = arith.constant 48 : index
          %parallel_loop3A_315 = tpu.vector_load %arg15[%parallel_loop3A_313, %parallel_loop3A_314] {strides = array<i32>} : memref<8x128xf32, #tpu.memory_space<vmem>>, vector<1x16xf32>,
          %parallel_loop3A_316 = vector.shape_cast %parallel_loop3A_315 : vector<1x16xf32> to vector<16xf32>
          %parallel_loop3A_317 = arith.addf %parallel_loop3A_312, %parallel_loop3A_316 : vector<16xf32>
          %parallel_loop3A_318 = arith.index_cast %parallel_loop3A_219 : i32 to index
          %parallel_loop3A_319 = arith.constant 48 : index
          %parallel_loop3A_320 = tpu.vector_load %arg16[%parallel_loop3A_318, %parallel_loop3A_319] {strides = array<i32>} : memref<128x128xf32, #tpu.memory_space<vmem>>, vector<1x16xf32>,
          %parallel_loop3A_321 = vector.shape_cast %parallel_loop3A_320 : vector<1x16xf32> to vector<16xf32>
          %parallel_loop3A_322 = vector.shape_cast %parallel_loop3A_317 : vector<16xf32> to vector<1x16xf32>
          tpu.vector_store %arg16[%parallel_loop3A_318, %parallel_loop3A_319], %parallel_loop3A_322 {strides = array<i32>} : memref<128x128xf32, #tpu.memory_space<vmem>>, vector<1x16xf32>,
          %parallel_loop3A_323 = arith.index_cast %parallel_loop3A_244 : i32 to index
          %parallel_loop3A_324 = arith.constant 64 : index
          %parallel_loop3A_325 = tpu.vector_load %arg13[%parallel_loop3A_323, %parallel_loop3A_324] {strides = array<i32>} : memref<16x128xf32, #tpu.memory_space<vmem>>, vector<1x16xf32>,
          %parallel_loop3A_326 = vector.shape_cast %parallel_loop3A_325 : vector<1x16xf32> to vector<16xf32>
          %parallel_loop3A_327 = arith.index_cast %parallel_loop3A_246 : i32 to index
          %parallel_loop3A_328 = arith.constant 64 : index
          %parallel_loop3A_329 = tpu.vector_load %arg14[%parallel_loop3A_327, %parallel_loop3A_328] {strides = array<i32>} : memref<16x128xf32, #tpu.memory_space<vmem>>, vector<1x16xf32>,
          %parallel_loop3A_330 = vector.shape_cast %parallel_loop3A_329 : vector<1x16xf32> to vector<16xf32>
          %parallel_loop3A_331 = arith.addf %parallel_loop3A_326, %parallel_loop3A_330 : vector<16xf32>
          %parallel_loop3A_332 = arith.index_cast %shift_right_arithmetic3A_211 : i32 to index
          %parallel_loop3A_333 = arith.constant 64 : index
          %parallel_loop3A_334 = tpu.vector_load %arg15[%parallel_loop3A_332, %parallel_loop3A_333] {strides = array<i32>} : memref<8x128xf32, #tpu.memory_space<vmem>>, vector<1x16xf32>,
          %parallel_loop3A_335 = vector.shape_cast %parallel_loop3A_334 : vector<1x16xf32> to vector<16xf32>
          %parallel_loop3A_336 = arith.addf %parallel_loop3A_331, %parallel_loop3A_335 : vector<16xf32>
          %parallel_loop3A_337 = arith.index_cast %parallel_loop3A_219 : i32 to index
          %parallel_loop3A_338 = arith.constant 64 : index
          %parallel_loop3A_339 = tpu.vector_load %arg16[%parallel_loop3A_337, %parallel_loop3A_338] {strides = array<i32>} : memref<128x128xf32, #tpu.memory_space<vmem>>, vector<1x16xf32>,
          %parallel_loop3A_340 = vector.shape_cast %parallel_loop3A_339 : vector<1x16xf32> to vector<16xf32>
          %parallel_loop3A_341 = vector.shape_cast %parallel_loop3A_336 : vector<16xf32> to vector<1x16xf32>
          tpu.vector_store %arg16[%parallel_loop3A_337, %parallel_loop3A_338], %parallel_loop3A_341 {strides = array<i32>} : memref<128x128xf32, #tpu.memory_space<vmem>>, vector<1x16xf32>,
          %parallel_loop3A_342 = arith.index_cast %parallel_loop3A_244 : i32 to index
          %parallel_loop3A_343 = arith.constant 80 : index
          %parallel_loop3A_344 = tpu.vector_load %arg13[%parallel_loop3A_342, %parallel_loop3A_343] {strides = array<i32>} : memref<16x128xf32, #tpu.memory_space<vmem>>, vector<1x16xf32>,
          %parallel_loop3A_345 = vector.shape_cast %parallel_loop3A_344 : vector<1x16xf32> to vector<16xf32>
          %parallel_loop3A_346 = arith.index_cast %parallel_loop3A_246 : i32 to index
          %parallel_loop3A_347 = arith.constant 80 : index
          %parallel_loop3A_348 = tpu.vector_load %arg14[%parallel_loop3A_346, %parallel_loop3A_347] {strides = array<i32>} : memref<16x128xf32, #tpu.memory_space<vmem>>, vector<1x16xf32>,
          %parallel_loop3A_349 = vector.shape_cast %parallel_loop3A_348 : vector<1x16xf32> to vector<16xf32>
          %parallel_loop3A_350 = arith.addf %parallel_loop3A_345, %parallel_loop3A_349 : vector<16xf32>
          %parallel_loop3A_351 = arith.index_cast %shift_right_arithmetic3A_211 : i32 to index
          %parallel_loop3A_352 = arith.constant 80 : index
          %parallel_loop3A_353 = tpu.vector_load %arg15[%parallel_loop3A_351, %parallel_loop3A_352] {strides = array<i32>} : memref<8x128xf32, #tpu.memory_space<vmem>>, vector<1x16xf32>,
          %parallel_loop3A_354 = vector.shape_cast %parallel_loop3A_353 : vector<1x16xf32> to vector<16xf32>
          %parallel_loop3A_355 = arith.addf %parallel_loop3A_350, %parallel_loop3A_354 : vector<16xf32>
          %parallel_loop3A_356 = arith.index_cast %parallel_loop3A_219 : i32 to index
          %parallel_loop3A_357 = arith.constant 80 : index
          %parallel_loop3A_358 = tpu.vector_load %arg16[%parallel_loop3A_356, %parallel_loop3A_357] {strides = array<i32>} : memref<128x128xf32, #tpu.memory_space<vmem>>, vector<1x16xf32>,
          %parallel_loop3A_359 = vector.shape_cast %parallel_loop3A_358 : vector<1x16xf32> to vector<16xf32>
          %parallel_loop3A_360 = vector.shape_cast %parallel_loop3A_355 : vector<16xf32> to vector<1x16xf32>
          tpu.vector_store %arg16[%parallel_loop3A_356, %parallel_loop3A_357], %parallel_loop3A_360 {strides = array<i32>} : memref<128x128xf32, #tpu.memory_space<vmem>>, vector<1x16xf32>,
          %parallel_loop3A_361 = arith.index_cast %parallel_loop3A_244 : i32 to index
          %parallel_loop3A_362 = arith.constant 96 : index
          %parallel_loop3A_363 = tpu.vector_load %arg13[%parallel_loop3A_361, %parallel_loop3A_362] {strides = array<i32>} : memref<16x128xf32, #tpu.memory_space<vmem>>, vector<1x16xf32>,
          %parallel_loop3A_364 = vector.shape_cast %parallel_loop3A_363 : vector<1x16xf32> to vector<16xf32>
          %parallel_loop3A_365 = arith.index_cast %parallel_loop3A_246 : i32 to index
          %parallel_loop3A_366 = arith.constant 96 : index
          %parallel_loop3A_367 = tpu.vector_load %arg14[%parallel_loop3A_365, %parallel_loop3A_366] {strides = array<i32>} : memref<16x128xf32, #tpu.memory_space<vmem>>, vector<1x16xf32>,
          %parallel_loop3A_368 = vector.shape_cast %parallel_loop3A_367 : vector<1x16xf32> to vector<16xf32>
          %parallel_loop3A_369 = arith.addf %parallel_loop3A_364, %parallel_loop3A_368 : vector<16xf32>
          %parallel_loop3A_370 = arith.index_cast %shift_right_arithmetic3A_211 : i32 to index
          %parallel_loop3A_371 = arith.constant 96 : index
          %parallel_loop3A_372 = tpu.vector_load %arg15[%parallel_loop3A_370, %parallel_loop3A_371] {strides = array<i32>} : memref<8x128xf32, #tpu.memory_space<vmem>>, vector<1x16xf32>,
          %parallel_loop3A_373 = vector.shape_cast %parallel_loop3A_372 : vector<1x16xf32> to vector<16xf32>
          %parallel_loop3A_374 = arith.addf %parallel_loop3A_369, %parallel_loop3A_373 : vector<16xf32>
          %parallel_loop3A_375 = arith.index_cast %parallel_loop3A_219 : i32 to index
          %parallel_loop3A_376 = arith.constant 96 : index
          %parallel_loop3A_377 = tpu.vector_load %arg16[%parallel_loop3A_375, %parallel_loop3A_376] {strides = array<i32>} : memref<128x128xf32, #tpu.memory_space<vmem>>, vector<1x16xf32>,
          %parallel_loop3A_378 = vector.shape_cast %parallel_loop3A_377 : vector<1x16xf32> to vector<16xf32>
          %parallel_loop3A_379 = vector.shape_cast %parallel_loop3A_374 : vector<16xf32> to vector<1x16xf32>
          tpu.vector_store %arg16[%parallel_loop3A_375, %parallel_loop3A_376], %parallel_loop3A_379 {strides = array<i32>} : memref<128x128xf32, #tpu.memory_space<vmem>>, vector<1x16xf32>,
          %parallel_loop3A_380 = arith.index_cast %parallel_loop3A_244 : i32 to index
          %parallel_loop3A_381 = arith.constant 112 : index
          %parallel_loop3A_382 = tpu.vector_load %arg13[%parallel_loop3A_380, %parallel_loop3A_381] {strides = array<i32>} : memref<16x128xf32, #tpu.memory_space<vmem>>, vector<1x16xf32>,
          %parallel_loop3A_383 = vector.shape_cast %parallel_loop3A_382 : vector<1x16xf32> to vector<16xf32>
          %parallel_loop3A_384 = arith.index_cast %parallel_loop3A_246 : i32 to index
          %parallel_loop3A_385 = arith.constant 112 : index
          %parallel_loop3A_386 = tpu.vector_load %arg14[%parallel_loop3A_384, %parallel_loop3A_385] {strides = array<i32>} : memref<16x128xf32, #tpu.memory_space<vmem>>, vector<1x16xf32>,
          %parallel_loop3A_387 = vector.shape_cast %parallel_loop3A_386 : vector<1x16xf32> to vector<16xf32>
          %parallel_loop3A_388 = arith.addf %parallel_loop3A_383, %parallel_loop3A_387 : vector<16xf32>
          %parallel_loop3A_389 = arith.index_cast %shift_right_arithmetic3A_211 : i32 to index
          %parallel_loop3A_390 = arith.constant 112 : index
          %parallel_loop3A_391 = tpu.vector_load %arg15[%parallel_loop3A_389, %parallel_loop3A_390] {strides = array<i32>} : memref<8x128xf32, #tpu.memory_space<vmem>>, vector<1x16xf32>,
          %parallel_loop3A_392 = vector.shape_cast %parallel_loop3A_391 : vector<1x16xf32> to vector<16xf32>
          %parallel_loop3A_393 = arith.addf %parallel_loop3A_388, %parallel_loop3A_392 : vector<16xf32>
          %parallel_loop3A_394 = arith.index_cast %parallel_loop3A_219 : i32 to index
          %parallel_loop3A_395 = arith.constant 112 : index
          %parallel_loop3A_396 = tpu.vector_load %arg16[%parallel_loop3A_394, %parallel_loop3A_395] {strides = array<i32>} : memref<128x128xf32, #tpu.memory_space<vmem>>, vector<1x16xf32>,
          %parallel_loop3A_397 = vector.shape_cast %parallel_loop3A_396 : vector<1x16xf32> to vector<16xf32>
          %parallel_loop3A_398 = vector.shape_cast %parallel_loop3A_393 : vector<16xf32> to vector<1x16xf32>
          tpu.vector_store %arg16[%parallel_loop3A_394, %parallel_loop3A_395], %parallel_loop3A_398 {strides = array<i32>} : memref<128x128xf32, #tpu.memory_space<vmem>>, vector<1x16xf32>,
        } {sc.loop_unroll_factor = 2 : i64, sc.parallel_access}
      } else {
      }
      %ge3A_173 = arith.constant 2 : i32
      %ge3A_174 = arith.cmpi sge, %add3A_165, %ge3A_173 : i32
      %convert_element_type3A_175 = arith.extui %ge3A_174 : i1 to i32
      %cond3A_176 = arith.constant 0 : i32
      %cond3A_177 = arith.cmpi ne, %convert_element_type3A_175, %cond3A_176 : i32
      scf.if %cond3A_177 {
        %dma_wait3A_208 = arith.constant 0 : i32
        %dma_wait3A_209 = arith.constant 0 : i32
        %dma_wait3A_210 = tpu.memref_slice %arg7[%dma_wait3A_208, %dma_wait3A_209] : memref<524288x128xf32, #tpu.memory_space<hbm>> -> memref<128x128xf32, #tpu.memory_space<hbm>>
        %dma_wait3A_211 = arith.constant 0 : i32
        %dma_wait3A_212 = arith.constant 0 : i32
        %dma_wait3A_213 = tpu.memref_slice %arg7[%dma_wait3A_211, %dma_wait3A_212] : memref<524288x128xf32, #tpu.memory_space<hbm>> -> memref<128x128xf32, #tpu.memory_space<hbm>>
        tpu.wait_dma2 semaphore(%arg23 : memref<!tpu.dma_semaphore, #tpu.memory_space<semaphore_mem>>) src(%arg10 : memref<128x128xf32, #tpu.memory_space<vmem>>) dst(%dma_wait3A_213 : memref<128x128xf32, #tpu.memory_space<hbm>>)
      } else {
      }
      %add3A_178 = arith.constant 2 : i32
      %add3A_179 = arith.addi %add3A_165, %add3A_178 : i32
      %lt3A_180 = arith.constant 128 : i32
      %lt3A_181 = arith.cmpi slt, %add3A_179, %lt3A_180 : i32
      %convert_element_type3A_182 = arith.extui %lt3A_181 : i1 to i32
      %cond3A_183 = arith.constant 0 : i32
      %cond3A_184 = arith.cmpi ne, %convert_element_type3A_182, %cond3A_183 : i32
      scf.if %cond3A_184 {
        %add3A_208 = arith.constant 2 : i32
        %add3A_209 = arith.addi %add3A_165, %add3A_208 : i32
        %and3A_210 = arith.constant 7 : i32
        %and3A_211 = arith.andi %add3A_209, %and3A_210 : i32
        %mul3A_212 = arith.constant 2048 : i32
        %mul3A_213 = arith.muli %and3A_211, %mul3A_212 : i32
        %shift_right_arithmetic3A_214 = arith.constant 3 : i32
        %shift_right_arithmetic3A_215 = arith.shrsi %add3A_209, %shift_right_arithmetic3A_214 : i32
        %mul3A_216 = arith.constant 128 : i32
        %mul3A_217 = arith.muli %shift_right_arithmetic3A_215, %mul3A_216 : i32
        %add3A_218 = arith.addi %mul3A_213, %mul3A_217 : i32
        %dma_start3A_219 = tpu.memref_slice %arg8[%add3A_218] : memref<16384xi32, #tpu.memory_space<vmem>> -> memref<128xi32, #tpu.memory_space<vmem>>
        %dma_start3A_220 = arith.constant 0 : i32
        %dma_start3A_221 = arith.constant 0 : i32
        %dma_start3A_222 = tpu.memref_slice %arg17[%dma_start3A_220, %dma_start3A_221] : memref<128x128xf32, #tpu.memory_space<vmem_shared>> -> memref<128x128xf32, #tpu.memory_space<vmem_shared>>
        tpu.enqueue_indirect_dma source(%dma_start3A_222 : memref<128x128xf32, #tpu.memory_space<vmem_shared>>) target(%arg10 : memref<128x128xf32, #tpu.memory_space<vmem>>) offsets(%dma_start3A_219 : memref<128xi32, #tpu.memory_space<vmem>>) semaphore(%arg19 : memref<!tpu.dma_semaphore, #tpu.memory_space<semaphore_mem>>)
      } else {
      }
      %dma_wait3A_185 = arith.constant 0 : i32
      %dma_wait3A_186 = tpu.memref_slice %arg8[%dma_wait3A_185] : memref<16384xi32, #tpu.memory_space<vmem>> -> memref<128xi32, #tpu.memory_space<vmem>>
      %dma_wait3A_187 = arith.constant 0 : i32
      %dma_wait3A_188 = arith.constant 0 : i32
      %dma_wait3A_189 = tpu.memref_slice %arg17[%dma_wait3A_187, %dma_wait3A_188] : memref<128x128xf32, #tpu.memory_space<vmem_shared>> -> memref<128x128xf32, #tpu.memory_space<vmem_shared>>
      tpu.wait_indirect_dma semaphore(%arg21 : memref<!tpu.dma_semaphore, #tpu.memory_space<semaphore_mem>>) src(%dma_wait3A_189 : memref<128x128xf32, #tpu.memory_space<vmem_shared>>) dst(%arg12 : memref<128x128xf32, #tpu.memory_space<vmem>>)
      %parallel_loop3A_190 = arith.constant 0 : i32
      %parallel_loop3A_191 = arith.constant 128 : i32
      %parallel_loop3A_192 = arith.constant 1 : i32
      scf.for %parallel_loop3A_208 = %parallel_loop3A_190 to %parallel_loop3A_191 step %parallel_loop3A_192  : i32 {
        %parallel_loop3A_209 = arith.index_cast %parallel_loop3A_208 : i32 to index
        %parallel_loop3A_210 = arith.constant 0 : index
        %parallel_loop3A_211 = tpu.vector_load %arg16[%parallel_loop3A_209, %parallel_loop3A_210] {strides = array<i32>} : memref<128x128xf32, #tpu.memory_space<vmem>>, vector<1x16xf32>,
        %parallel_loop3A_212 = vector.shape_cast %parallel_loop3A_211 : vector<1x16xf32> to vector<16xf32>
        %parallel_loop3A_213 = arith.index_cast %parallel_loop3A_208 : i32 to index
        %parallel_loop3A_214 = arith.constant 0 : index
        %parallel_loop3A_215 = tpu.vector_load %arg12[%parallel_loop3A_213, %parallel_loop3A_214] {strides = array<i32>} : memref<128x128xf32, #tpu.memory_space<vmem>>, vector<1x16xf32>,
        %parallel_loop3A_216 = vector.shape_cast %parallel_loop3A_215 : vector<1x16xf32> to vector<16xf32>
        %parallel_loop3A_217 = vector.shape_cast %parallel_loop3A_212 : vector<16xf32> to vector<1x16xf32>
        tpu.vector_store %arg12[%parallel_loop3A_213, %parallel_loop3A_214], %parallel_loop3A_217 {add = true, strides = array<i32>} : memref<128x128xf32, #tpu.memory_space<vmem>>, vector<1x16xf32>,
        %parallel_loop3A_218 = arith.index_cast %parallel_loop3A_208 : i32 to index
        %parallel_loop3A_219 = arith.constant 16 : index
        %parallel_loop3A_220 = tpu.vector_load %arg16[%parallel_loop3A_218, %parallel_loop3A_219] {strides = array<i32>} : memref<128x128xf32, #tpu.memory_space<vmem>>, vector<1x16xf32>,
        %parallel_loop3A_221 = vector.shape_cast %parallel_loop3A_220 : vector<1x16xf32> to vector<16xf32>
        %parallel_loop3A_222 = arith.index_cast %parallel_loop3A_208 : i32 to index
        %parallel_loop3A_223 = arith.constant 16 : index
        %parallel_loop3A_224 = tpu.vector_load %arg12[%parallel_loop3A_222, %parallel_loop3A_223] {strides = array<i32>} : memref<128x128xf32, #tpu.memory_space<vmem>>, vector<1x16xf32>,
        %parallel_loop3A_225 = vector.shape_cast %parallel_loop3A_224 : vector<1x16xf32> to vector<16xf32>
        %parallel_loop3A_226 = vector.shape_cast %parallel_loop3A_221 : vector<16xf32> to vector<1x16xf32>
        tpu.vector_store %arg12[%parallel_loop3A_222, %parallel_loop3A_223], %parallel_loop3A_226 {add = true, strides = array<i32>} : memref<128x128xf32, #tpu.memory_space<vmem>>, vector<1x16xf32>,
        %parallel_loop3A_227 = arith.index_cast %parallel_loop3A_208 : i32 to index
        %parallel_loop3A_228 = arith.constant 32 : index
        %parallel_loop3A_229 = tpu.vector_load %arg16[%parallel_loop3A_227, %parallel_loop3A_228] {strides = array<i32>} : memref<128x128xf32, #tpu.memory_space<vmem>>, vector<1x16xf32>,
        %parallel_loop3A_230 = vector.shape_cast %parallel_loop3A_229 : vector<1x16xf32> to vector<16xf32>
        %parallel_loop3A_231 = arith.index_cast %parallel_loop3A_208 : i32 to index
        %parallel_loop3A_232 = arith.constant 32 : index
        %parallel_loop3A_233 = tpu.vector_load %arg12[%parallel_loop3A_231, %parallel_loop3A_232] {strides = array<i32>} : memref<128x128xf32, #tpu.memory_space<vmem>>, vector<1x16xf32>,
        %parallel_loop3A_234 = vector.shape_cast %parallel_loop3A_233 : vector<1x16xf32> to vector<16xf32>
        %parallel_loop3A_235 = vector.shape_cast %parallel_loop3A_230 : vector<16xf32> to vector<1x16xf32>
        tpu.vector_store %arg12[%parallel_loop3A_231, %parallel_loop3A_232], %parallel_loop3A_235 {add = true, strides = array<i32>} : memref<128x128xf32, #tpu.memory_space<vmem>>, vector<1x16xf32>,
        %parallel_loop3A_236 = arith.index_cast %parallel_loop3A_208 : i32 to index
        %parallel_loop3A_237 = arith.constant 48 : index
        %parallel_loop3A_238 = tpu.vector_load %arg16[%parallel_loop3A_236, %parallel_loop3A_237] {strides = array<i32>} : memref<128x128xf32, #tpu.memory_space<vmem>>, vector<1x16xf32>,
        %parallel_loop3A_239 = vector.shape_cast %parallel_loop3A_238 : vector<1x16xf32> to vector<16xf32>
        %parallel_loop3A_240 = arith.index_cast %parallel_loop3A_208 : i32 to index
        %parallel_loop3A_241 = arith.constant 48 : index
        %parallel_loop3A_242 = tpu.vector_load %arg12[%parallel_loop3A_240, %parallel_loop3A_241] {strides = array<i32>} : memref<128x128xf32, #tpu.memory_space<vmem>>, vector<1x16xf32>,
        %parallel_loop3A_243 = vector.shape_cast %parallel_loop3A_242 : vector<1x16xf32> to vector<16xf32>
        %parallel_loop3A_244 = vector.shape_cast %parallel_loop3A_239 : vector<16xf32> to vector<1x16xf32>
        tpu.vector_store %arg12[%parallel_loop3A_240, %parallel_loop3A_241], %parallel_loop3A_244 {add = true, strides = array<i32>} : memref<128x128xf32, #tpu.memory_space<vmem>>, vector<1x16xf32>,
        %parallel_loop3A_245 = arith.index_cast %parallel_loop3A_208 : i32 to index
        %parallel_loop3A_246 = arith.constant 64 : index
        %parallel_loop3A_247 = tpu.vector_load %arg16[%parallel_loop3A_245, %parallel_loop3A_246] {strides = array<i32>} : memref<128x128xf32, #tpu.memory_space<vmem>>, vector<1x16xf32>,
        %parallel_loop3A_248 = vector.shape_cast %parallel_loop3A_247 : vector<1x16xf32> to vector<16xf32>
        %parallel_loop3A_249 = arith.index_cast %parallel_loop3A_208 : i32 to index
        %parallel_loop3A_250 = arith.constant 64 : index
        %parallel_loop3A_251 = tpu.vector_load %arg12[%parallel_loop3A_249, %parallel_loop3A_250] {strides = array<i32>} : memref<128x128xf32, #tpu.memory_space<vmem>>, vector<1x16xf32>,
        %parallel_loop3A_252 = vector.shape_cast %parallel_loop3A_251 : vector<1x16xf32> to vector<16xf32>
        %parallel_loop3A_253 = vector.shape_cast %parallel_loop3A_248 : vector<16xf32> to vector<1x16xf32>
        tpu.vector_store %arg12[%parallel_loop3A_249, %parallel_loop3A_250], %parallel_loop3A_253 {add = true, strides = array<i32>} : memref<128x128xf32, #tpu.memory_space<vmem>>, vector<1x16xf32>,
        %parallel_loop3A_254 = arith.index_cast %parallel_loop3A_208 : i32 to index
        %parallel_loop3A_255 = arith.constant 80 : index
        %parallel_loop3A_256 = tpu.vector_load %arg16[%parallel_loop3A_254, %parallel_loop3A_255] {strides = array<i32>} : memref<128x128xf32, #tpu.memory_space<vmem>>, vector<1x16xf32>,
        %parallel_loop3A_257 = vector.shape_cast %parallel_loop3A_256 : vector<1x16xf32> to vector<16xf32>
        %parallel_loop3A_258 = arith.index_cast %parallel_loop3A_208 : i32 to index
        %parallel_loop3A_259 = arith.constant 80 : index
        %parallel_loop3A_260 = tpu.vector_load %arg12[%parallel_loop3A_258, %parallel_loop3A_259] {strides = array<i32>} : memref<128x128xf32, #tpu.memory_space<vmem>>, vector<1x16xf32>,
        %parallel_loop3A_261 = vector.shape_cast %parallel_loop3A_260 : vector<1x16xf32> to vector<16xf32>
        %parallel_loop3A_262 = vector.shape_cast %parallel_loop3A_257 : vector<16xf32> to vector<1x16xf32>
        tpu.vector_store %arg12[%parallel_loop3A_258, %parallel_loop3A_259], %parallel_loop3A_262 {add = true, strides = array<i32>} : memref<128x128xf32, #tpu.memory_space<vmem>>, vector<1x16xf32>,
        %parallel_loop3A_263 = arith.index_cast %parallel_loop3A_208 : i32 to index
        %parallel_loop3A_264 = arith.constant 96 : index
        %parallel_loop3A_265 = tpu.vector_load %arg16[%parallel_loop3A_263, %parallel_loop3A_264] {strides = array<i32>} : memref<128x128xf32, #tpu.memory_space<vmem>>, vector<1x16xf32>,
        %parallel_loop3A_266 = vector.shape_cast %parallel_loop3A_265 : vector<1x16xf32> to vector<16xf32>
        %parallel_loop3A_267 = arith.index_cast %parallel_loop3A_208 : i32 to index
        %parallel_loop3A_268 = arith.constant 96 : index
        %parallel_loop3A_269 = tpu.vector_load %arg12[%parallel_loop3A_267, %parallel_loop3A_268] {strides = array<i32>} : memref<128x128xf32, #tpu.memory_space<vmem>>, vector<1x16xf32>,
        %parallel_loop3A_270 = vector.shape_cast %parallel_loop3A_269 : vector<1x16xf32> to vector<16xf32>
        %parallel_loop3A_271 = vector.shape_cast %parallel_loop3A_266 : vector<16xf32> to vector<1x16xf32>
        tpu.vector_store %arg12[%parallel_loop3A_267, %parallel_loop3A_268], %parallel_loop3A_271 {add = true, strides = array<i32>} : memref<128x128xf32, #tpu.memory_space<vmem>>, vector<1x16xf32>,
        %parallel_loop3A_272 = arith.index_cast %parallel_loop3A_208 : i32 to index
        %parallel_loop3A_273 = arith.constant 112 : index
        %parallel_loop3A_274 = tpu.vector_load %arg16[%parallel_loop3A_272, %parallel_loop3A_273] {strides = array<i32>} : memref<128x128xf32, #tpu.memory_space<vmem>>, vector<1x16xf32>,
        %parallel_loop3A_275 = vector.shape_cast %parallel_loop3A_274 : vector<1x16xf32> to vector<16xf32>
        %parallel_loop3A_276 = arith.index_cast %parallel_loop3A_208 : i32 to index
        %parallel_loop3A_277 = arith.constant 112 : index
        %parallel_loop3A_278 = tpu.vector_load %arg12[%parallel_loop3A_276, %parallel_loop3A_277] {strides = array<i32>} : memref<128x128xf32, #tpu.memory_space<vmem>>, vector<1x16xf32>,
        %parallel_loop3A_279 = vector.shape_cast %parallel_loop3A_278 : vector<1x16xf32> to vector<16xf32>
        %parallel_loop3A_280 = vector.shape_cast %parallel_loop3A_275 : vector<16xf32> to vector<1x16xf32>
        tpu.vector_store %arg12[%parallel_loop3A_276, %parallel_loop3A_277], %parallel_loop3A_280 {add = true, strides = array<i32>} : memref<128x128xf32, #tpu.memory_space<vmem>>, vector<1x16xf32>,
      } {sc.loop_unroll_factor = 4 : i64, sc.parallel_access}
      %and3A_193 = arith.constant 7 : i32
      %and3A_194 = arith.andi %add3A_165, %and3A_193 : i32
      %mul3A_195 = arith.constant 2048 : i32
      %mul3A_196 = arith.muli %and3A_194, %mul3A_195 : i32
      %shift_right_arithmetic3A_197 = arith.constant 3 : i32
      %shift_right_arithmetic3A_198 = arith.shrsi %add3A_165, %shift_right_arithmetic3A_197 : i32
      %mul3A_199 = arith.constant 128 : i32
      %mul3A_200 = arith.muli %shift_right_arithmetic3A_198, %mul3A_199 : i32
      %add3A_201 = arith.addi %mul3A_196, %mul3A_200 : i32
      %add3A_202 = arith.addi %mul3A_4, %add3A_201 : i32
      %dma_start3A_203 = arith.constant 0 : i32
      %dma_start3A_204 = tpu.memref_slice %arg7[%add3A_202, %dma_start3A_203] : memref<524288x128xf32, #tpu.memory_space<hbm>> -> memref<128x128xf32, #tpu.memory_space<hbm>>
      %dma_start3A_205 = arith.constant 0 : i32
      %dma_start3A_206 = tpu.memref_slice %arg7[%add3A_202, %dma_start3A_205] : memref<524288x128xf32, #tpu.memory_space<hbm>> -> memref<128x128xf32, #tpu.memory_space<hbm>>
      tpu.enqueue_dma source(%arg12 : memref<128x128xf32, #tpu.memory_space<vmem>>) target(%dma_start3A_206 : memref<128x128xf32, #tpu.memory_space<hbm>>) target_semaphore(%arg25 : memref<!tpu.dma_semaphore, #tpu.memory_space<semaphore_mem>>)
      %scan3A_207 = arith.constant 0 : i32
      scf.yield %scan3A_207 : i32
    }
    %scan3A_19 = arith.constant 32 : i32
    %dma_wait3A = arith.constant 0 : i32
    %dma_wait3A_20 = arith.constant 0 : i32
    %dma_wait3A_21 = tpu.memref_slice %arg7[%dma_wait3A, %dma_wait3A_20] : memref<524288x128xf32, #tpu.memory_space<hbm>> -> memref<128x128xf32, #tpu.memory_space<hbm>>
    %dma_wait3A_22 = arith.constant 0 : i32
    %dma_wait3A_23 = arith.constant 0 : i32
    %dma_wait3A_24 = tpu.memref_slice %arg7[%dma_wait3A_22, %dma_wait3A_23] : memref<524288x128xf32, #tpu.memory_space<hbm>> -> memref<128x128xf32, #tpu.memory_space<hbm>>
    tpu.wait_dma2 semaphore(%arg24 : memref<!tpu.dma_semaphore, #tpu.memory_space<semaphore_mem>>) src(%arg11 : memref<128x128xf32, #tpu.memory_space<vmem>>) dst(%dma_wait3A_24 : memref<128x128xf32, #tpu.memory_space<hbm>>)
    %dma_wait3A_25 = arith.constant 0 : i32
    %dma_wait3A_26 = arith.constant 0 : i32
    %dma_wait3A_27 = tpu.memref_slice %arg7[%dma_wait3A_25, %dma_wait3A_26] : memref<524288x128xf32, #tpu.memory_space<hbm>> -> memref<128x128xf32, #tpu.memory_space<hbm>>
    %dma_wait3A_28 = arith.constant 0 : i32
    %dma_wait3A_29 = arith.constant 0 : i32
    %dma_wait3A_30 = tpu.memref_slice %arg7[%dma_wait3A_28, %dma_wait3A_29] : memref<524288x128xf32, #tpu.memory_space<hbm>> -> memref<128x128xf32, #tpu.memory_space<hbm>>
    tpu.wait_dma2 semaphore(%arg25 : memref<!tpu.dma_semaphore, #tpu.memory_space<semaphore_mem>>) src(%arg12 : memref<128x128xf32, #tpu.memory_space<vmem>>) dst(%dma_wait3A_30 : memref<128x128xf32, #tpu.memory_space<hbm>>)
    return
  }
}

</mosaic_0001>

<sc_bundles>
// kernel: kernel.3.cloned.1.call-start
scs
__scs_entry_jumppad:
0x0: {  	(pc) =	sbr.rel $0x88, $3  }
0x1: {  	(tag) =	ssettag $0x0;
	lr =	simm.s32 $0x1  }
0x2: {  	[smem:$0x3F9C] =	sst lr;
	_ =	strace $0xD0000000  }
0x3: {  	_ = 	snop  }
0x4: {  	_ = 	snop  }
0x5: {  	_ = 	snop  }
0x6: {  	_ = 	snop  }
0x7: {  	_ = 	snop  }
__scs_overlays_trampoline_lowered:
0x8: {  	[smem:$0x3FAB] =	sst s0  }
0x9: {  	[smem:$0x3FAC] =	sst s1  }
0xa: {  	[smem:$0x3FAD] =	sst s2  }
0xb: {  	[smem:$0x3FAE] =	sst s3  }
0xc: {  	[smem:$0x3FAF] =	sst s4  }
0xd: {  	[smem:$0x3FB0] =	sst s5  }
0xe: {  	[smem:$0x3FB1] =	sst s6  }
0xf: {  	[smem:$0x3FB2] =	sst s7  }
0x10: {  	[smem:$0x3FB3] =	sst s8  }
0x11: {  	[smem:$0x3FB4] =	sst s9;
	s0 =	simm.s32 @!p0 $0x0  }
0x12: {  	s1 =	sld [smem:$0x3F9A];
	s0 =	simm.s32 @p0 $0x1  }
0x13: {  	[smem:$0x3FB5] =	sst s0;
	s0 =	simm.s32 @!p1 $0x0  }
0x14: {  	s2 =	sld [smem:$0x3F99];
	s0 =	simm.s32 @p1 $0x1  }
0x15: {  	[smem:$0x3FB6] =	sst s0;
	s0 =	simm.s32 @!p2 $0x0  }
0x16: {  	s3 =	sld [smem:$0x3FDB];
	s0 =	simm.s32 @p2 $0x1  }
0x17: {  	s4 =	simm.s32 $0x1BF5;
	[smem:$0x3FB8] =	sst s0  }
0x18: {  	s0 =	sld [smem:$0x3F9B];
	_ =	swait.ge [sflag:s4], $0x0  }
0x19: {  	s7 =	sld [smem:$0x3F9C]  }
0x1a: {  	s8 =	sadd.s32 $0xFFFFE003, lr  }
0x1b: {  	s9 =	sadd.s32 $0xFFFFFEF7, lr;
	s5 =	simm.s32 $0xFFFFFFFF;
	p2 =	slt.u32 s8, $0xFFFFF086  }
0x1c: {  	p1 =	slt.u32 s9, $0xF7A;
	s5 =	simm.s32 @!p2 $0x0  }
0x1d: {  	s5 =	simm.s32 @p1 $0x1;
	p0 =	seq.s32 s7, s2  }
0x1e: {  	s7 =	smul.u32 @!p0 $0xF7A, s2;
	p2 =	seq.s32 @!p0 s5, $0x0  }
0x1f: {  	s9 =	smul.u32 $0xF7A, s1;
	s8 =	simm.s32 @!p0 $0x1BF5;
	p2 =	por !p2, p0  }
0x20: {  	[sflag:s8] =	ssyncset.s32 @!p0 $0xFFFFF086;
	s6 =	sadd.s32 @!p0 s3, s7;
	s7 =	simm.s32 @!p0 $0x108  }
0x21: {  	s3 =	sadd.s32 s3, s9;
	s6 =	sadd.s32 @!p0 $0x88, s6;
	s7 =	simm.s32 @p2 $0x1082  }
0x22: {  	[simem:s7], [sflag:s8] =	dma.local @!p0 [hbm:s6], $0xF7A  }
0x23: {  	s9 =	sor.u32 $0xD0000000, s2;
	s6 =	simm.s32 $0x108;
	_ =	swait.ge @!p0 [sflag:s8], $0x0  }
0x24: {  	s3 =	sadd.s32 $0x88, s3;
	s6 =	simm.s32 @!p1 $0x1082;
	[sflag:s4] =	ssyncset.s32 $0xFFFFF086  }
0x25: {  	[simem:s6], [sflag:s4] =	dma.local [hbm:s3], $0xF7A  }
0x26: {  	[smem:$0x3F9C] =	sst s1;
	(tag) =	ssettag s2;
	_ =	strace s9  }
0x27: {  	s1 =	sld [smem:$0x3FAC]  }
0x28: {  	s2 =	sld [smem:$0x3FAD]  }
0x29: {  	s4 =	sld [smem:$0x3FAF]  }
0x2a: {  	p0 =	seq.s32 s5, $0x0;
	s5 =	sld [smem:$0x3FB0]  }
0x2b: {  	s6 =	sld [smem:$0x3FB1]  }
0x2c: {  	s7 =	sld [smem:$0x3FB2]  }
0x2d: {  	s3 =	simm.s32 $0x108;
	s8 =	sld [smem:$0x3FB3]  }
0x2e: {  	s3 =	simm.s32 @!p0 $0x1082;
	s9 =	sld [smem:$0x3FB4]  }
0x2f: {  	lr =	sadd.s32 s0, s3;
	s0 =	sld [smem:$0x3FAB]  }
0x30: {  	s3 =	sld [smem:$0x3FAE]  }
0x31: {  	[smem:$0x3FB7] =	sst s10  }
0x32: {  	s10 =	sld [smem:$0x3FB5];
	_ =	sdelay $0x3  }
0x33: {  	p0 =	seq.s32 s10, $0x1;
	s10 =	sld [smem:$0x3FB7];
	_ =	sdelay $0x3  }
0x34: {  	[smem:$0x3FB7] =	sst s10  }
0x35: {  	s10 =	sld [smem:$0x3FB6];
	_ =	sdelay $0x3  }
0x36: {  	p1 =	seq.s32 s10, $0x1;
	s10 =	sld [smem:$0x3FB7];
	_ =	sdelay $0x3  }
0x37: {  	[smem:$0x3FB7] =	sst s10  }
0x38: {  	s10 =	sld [smem:$0x3FB8]  }
0x39: {  	_ = 	snop;
	(pc) =	sbr.ind lr, $3  }
0x3a: {  	_ = 	snop  }
0x3b: {  	_ = 	snop  }
0x3c: {  	p2 =	seq.s32 s10, $0x1;
	s10 =	sld [smem:$0x3FB7]  }
0x3d: {  	_ =	shalt  }
0x3e: {  	_ =	shalt  }
0x3f: {  	_ =	shalt  }
0x40: {  	_ =	shalt  }
0x41: {  	_ =	shalt  }
0x42: {  	_ =	shalt  }
0x43: {  	_ =	shalt  }
0x44: {  	_ =	shalt  }
0x45: {  	_ =	shalt  }
0x46: {  	_ =	shalt  }
0x47: {  	_ =	shalt  }
0x48: {  	_ =	shalt  }
0x49: {  	_ =	shalt  }
0x4a: {  	_ =	shalt  }
0x4b: {  	_ =	shalt  }
0x4c: {  	_ =	shalt  }
0x4d: {  	_ =	shalt  }
0x4e: {  	_ =	shalt  }
0x4f: {  	_ =	shalt  }
0x50: {  	_ =	shalt  }
0x51: {  	_ =	shalt  }
0x52: {  	_ =	shalt  }
0x53: {  	_ =	shalt  }
0x54: {  	_ =	shalt  }
0x55: {  	_ =	shalt  }
0x56: {  	_ =	shalt  }
0x57: {  	_ =	shalt  }
0x58: {  	_ =	shalt  }
0x59: {  	_ =	shalt  }
0x5a: {  	_ =	shalt  }
0x5b: {  	_ =	shalt  }
0x5c: {  	_ =	shalt  }
0x5d: {  	_ =	shalt  }
0x5e: {  	_ =	shalt  }
0x5f: {  	_ =	shalt  }
0x60: {  	_ =	shalt  }
0x61: {  	_ =	shalt  }
0x62: {  	_ =	shalt  }
0x63: {  	_ =	shalt  }
0x64: {  	_ =	shalt  }
0x65: {  	_ =	shalt  }
0x66: {  	_ =	shalt  }
0x67: {  	_ =	shalt  }
0x68: {  	_ =	shalt  }
0x69: {  	_ =	shalt  }
0x6a: {  	_ =	shalt  }
0x6b: {  	_ =	shalt  }
0x6c: {  	_ =	shalt  }
0x6d: {  	_ =	shalt  }
0x6e: {  	_ =	shalt  }
0x6f: {  	_ =	shalt  }
0x70: {  	_ =	shalt  }
0x71: {  	_ =	shalt  }
0x72: {  	_ =	shalt  }
0x73: {  	_ =	shalt  }
0x74: {  	_ =	shalt  }
0x75: {  	_ =	shalt  }
0x76: {  	_ =	shalt  }
0x77: {  	_ =	shalt  }
0x78: {  	_ =	shalt  }
0x79: {  	_ =	shalt  }
0x7a: {  	_ =	shalt  }
0x7b: {  	_ =	shalt  }
0x7c: {  	_ =	shalt  }
0x7d: {  	_ =	shalt  }
0x7e: {  	_ =	shalt  }
0x7f: {  	_ =	shalt  }
0x80: {  	_ =	shalt  }
0x81: {  	_ =	shalt  }
0x82: {  	_ =	shalt  }
0x83: {  	_ =	shalt  }
0x84: {  	_ =	shalt  }
0x85: {  	_ =	shalt  }
0x86: {  	_ =	shalt  }
0x87: {  	_ =	shalt  }
.Lfunc_end0:
.L_simem_size_0:
called_computation_lowered:
.L_overlay_start_0:
0x88: {  	s2 =	sld [smem:$0x3FD9]  }
0x89: {  	s3 =	sld [smem:$0x3FFE];
	_ =	sdelay $0x1  }
0x8a: {  	s1 =	srdreg.scid  }
0x8b: {  	s0 =	sand.u32 $0x1, s1  }
0x8c: {  	s17 =	sshll.u32 s0, $0xA;
	s2 =	sadd.s32 s3, s2  }
0x8d: {  	s2 =	sadd.s32 s2, s17  }
0x8e: {  	[smem:$0x3FC3] =	sst s2  }
0x8f: {  	_ = 	snop  }
0x90: {  	s2 =	sld [smem:$0x3FC7]  }
0x91: {  	s18 =	sld [smem:$0x3FC6]  }
0x92: {  	s4 =	sld [smem:$0x3FC5]  }
0x93: {  	s5 =	sld [smem:$0x3FD0];
	(tm) =	ssettm $0x1  }
0x94: {  	s6 =	sld [smem:$0x3FFB];
	_ =	sdelay $0x3  }
0x95: {  	_ =	strace s6  }
0x96: {  	s6 =	sld [smem:$0x3FFC];
	_ =	sdelay $0x3  }
0x97: {  	_ =	strace s6  }
0x98: {  	s6 =	sld [smem:$0x3FFD];
	_ =	sdelay $0x3  }
0x99: {  	_ =	strace s6  }
0x9a: {  	_ =	strace $0x8FFFFFFF  }
0x9b: {  	s19 =	sld [smem:$0x3FDB];
	_ =	sdelay $0x1  }
0x9c: {  	s7 =	simm.s32 $_scs_section_size  }
0x9d: {  	s8 =	simm.s32 $_size__tile_overlayer_lowered;
	s9 =	simm.s32 $_tile_overlayer_lowered  }
0x9e: {  	s22 =	simm.s32 $0x1BFF;
	s21 =	sshll.u32 s9, $0x1;
	s6 =	sadd.s32 s7, s19  }
0x9f: {  	s10 =	simm.s32 $0x0;
	s20 =	sshll.u32 s8, $0x1;
	s8 =	sadd.s32 s21, s6  }
0xa0: {  	[timem:s10], [sflag:s22] =	dma.local [hbm:s8], s20  }
0xa1: {  	_ =	swait.ge [sflag:s22], s20  }
0xa2: {  	s7 =	ssub.s32 $0x0, s20;
	[sflag:s22] =	ssyncset.done $0x0  }
0xa3: {  	[sflag:s22] =	ssyncadd.s32 s7;
	_ =	sdelay $0x1  }
0xa4: {  	s23 =	simm.s32 $0x1B8B  }
0xa5: {  	_ =	swait.ge [sflag:s23], $0x1  }
0xa6: {  	[sflag:s23] =	ssyncset.done $0x0  }
0xa7: {  	s25 =	simm.s32 $0x1B8E;
	s24 =	sld [smem:$0x3FFE];
	[sflag:s23] =	ssyncadd.s32 $0xFFFFFFFF  }
0xa8: {  	s26 =	simm.s32 $execute0_lowered;
	[smem:$0x3FD2] =	sst s25  }
0xa9: {  	s8 =	sshll.u32 s26, $0x1;
	_ =	strace $0x80000046;
	[dreg:$0x1] =	wrdreg $0xFFFFFFFF  }
0xaa: {  	s28 =	simm.s32 $_size_execute0_lowered;
	s6 =	sadd.s32 s6, s8;
	[dreg:$0x0] =	wrdreg $0x0  }
0xab: {  	s8 =	sshll.u32 s28, $0x1;
	[dreg:$0x2] =	wrdreg s6  }
0xac: {  	[dreg:$0x3] =	wrdreg s8  }
0xad: {  	[dreg:$0x4] =	wrdreg $0xC0  }
0xae: {  	_ =	task [dreg:s10], $0x5FFFF  }
0xaf: {  	[dreg:$0x1] =	wrdreg $0xFFFFFFFF  }
0xb0: {  	[dreg:$0x0] =	wrdreg $0x60  }
0xb1: {  	[dreg:$0x2] =	wrdreg s24  }
0xb2: {  	[dreg:$0x3] =	wrdreg s2  }
0xb3: {  	[dreg:$0x4] =	wrdreg s18  }
0xb4: {  	[dreg:$0x5] =	wrdreg s4  }
0xb5: {  	[dreg:$0x6] =	wrdreg s5  }
0xb6: {  	[dreg:$0x7] =	wrdreg $0x194000  }
0xb7: {  	[dreg:$0x8] =	wrdreg $0x9  }
0xb8: {  	_ =	task.clear_ibuf [dreg:s10], $0x9FFFF;
	_ =	strace $0x90000046  }
0xb9: {  	s29 =	simm.s32 $0x9;
	_ =	strace $0x80000048  }
0xba: {  	_ =	swait.ge [sflag:s29], $0x1  }
0xbb: {  	[sflag:s29] =	ssyncadd.s32 $0xFFFFFFFF  }
0xbc: {  	_ =	strace $0x90000048  }
0xbd: {  	_ =	sfence  }
0xbe: {  	s30 =	sld [smem:$0x0];
	_ =	sdelay $0x2  }
0xbf: {  	s31 =	sshll.u32 s1, $0xD;
	s1 =	sshrl.u32 s1, $0x2  }
0xc0: {  	s3 =	sand.u32 $0x4000, s31;
	s1 =	sadd.s32 s1, s30  }
0xc1: {  	s0 =	sor.u32 s3, s0;
	s1 =	sshll.u32 s1, $0x11  }
0xc2: {  	s0 =	sor.u32 s1, s0  }
0xc3: {  	s0 =	sadd.s32 $0x8F2B, s0  }
0xc4: {  	[sflag:s0] =	ssyncadd.remote.s32 $0x1  }
0xc5: {  	_ =	sfence.sel $0xFFFF  }
0xc6: {  	[dreg:$0x0] =	wrdreg $0xFFFFFFFF;
	(pc) =	sbr.abs _section_cstart, $3  }
0xc7: {  	[dreg:$0x1] =	wrdreg $0xFFFFFFFF  }
0xc8: {  	_ =	task.clear_ibuf [dreg:s10], $0x2FFFF;
	_ =	strace $0x9FFFFFFF  }
0xc9: {  	(tm) =	ssettm $0x7FFFFFFF  }
tec
execute0_lowered:
.L_overlay_start_1:
0x0: {  	(tag) =	ssettag $0x1  }
0x1: {  	s0 =	rddreg [dreg:$0x0]  }
0x2: {  	s4 =	rddreg [dreg:$0x4]  }
0x3: {  	s5 =	rddreg [dreg:$0x5]  }
0x4: {  	s1 =	srdreg.scid;
	s2 =	stileid.u32;
	s6 =	simm.s32 $0x0  }
0x5: {  	s13 =	simm.s32 $0x80;
	s14 =	simm.s32 $0x4000;
	s15 =	simm.s32 $0x8000  }
0x6: {  	s16 =	simm.s32 $0xC000;
	s21 =	simm.s32 $0x1;
	s17 =	simm.s32 $0x10000  }
0x7: {  	s23 =	simm.s32 $0x2;
	s24 =	simm.s32 $0x5;
	s1 =	sand.u32 $0x1, s1  }
0x8: {  	s25 =	simm.s32 $0x3;
	s3 =	sshll.u32 s2, $0xF;
	s7 =	sshll.u32 s1, $0xE  }
0x9: {  	[smem:$0x7FF] =	sst s6;
	s1 =	ssub.s32 $0x2, s1;
	s7 =	sor.u32 s7, s3  }
0xa: {  	_ =	strace $0x80000047;
	s30 =	sshrl.u32 s1, $0x1;
	s3 =	sshrl.u32 s7, $0x3  }
.Ltmp0:
0xb: {  	s3 =	sadd.s32 s3, s0;
	s0 =	sadd.s32 $0x10600, s0;
	(pc) =	sbr.rel .LBB2_1-.Ltmp0, $4  }
0xc: {  	[dreg:$0x7] =	wrdreg s0;
	s0 =	ssub.s32 s1, s30;
	s31 =	sadd.s32 $0x600, s3  }
0xd: {  	p0 =	sne.s32 s2, $0x0;
	[dreg:$0x8] =	wrdreg s31;
	s0 =	smax.u32 s0, $0x1  }
0xe: {  	s26 =	simm.s32 $0x6;
	[dreg:$0x9] =	wrdreg s0;
	s0 =	sshrl.u32 @!p0 s5, $0x3  }
0xf: {  	s28 =	simm.s32 $0x4;
	s2 =	simm.s32 $0x0;
	[dreg:$0xa] =	wrdreg s0  }
.LBB2_17:
0x10: {  	s0 =	simm.s32 $0x7  }
0x11: {  	_ =	swait.ge [sflag:s0], $0x4000  }
0x12: {  	[sflag:s0] =	ssyncset.done $0x0  }
0x13: {  	s1 =	simm.s32 $0x8;
	[sflag:s0] =	ssyncadd.s32 $0xFFFFC000  }
0x14: {  	_ =	swait.ge [sflag:s1], $0x4000  }
0x15: {  	s2 =	rddreg [dreg:$0xb]  }
0x16: {  	s31 =	rddreg [dreg:$0x9];
	s2 =	sadd.s32 $0x1, s2  }
0x17: {  	p1 =	sne.s32 s2, s31  }
.Ltmp1:
0x18: {  	_ = 	snop;
	(pc) =	sbr.rel @!p1 .LBB2_18-.Ltmp1, $3  }
0x19: {  	_ =	sdelay $0x1  }
0x1a: {  	[sflag:s1] =	ssyncset.done $0x0  }
0x1b: {  	[sflag:s1] =	ssyncadd.s32 $0xFFFFC000  }
.LBB2_1:
0x1c: {  	[dreg:$0xb] =	wrdreg s2  }
0x1d: {  	s1 =	rddreg [dreg:$0x7]  }
0x1e: {  	s0 =	simm.s32 @!p0 $0x1C09;
	s2 =	rddreg [dreg:$0xa]  }
0x1f: {  	[spmem:s2], [sflag:s0] =	dma.local @!p0 [hbm:s1], $0x800  }
0x20: {  	s0 =	simm.s32 @!p0 $0x9  }
0x21: {  	_ =	swait.ge @!p0 [sflag:s0], $0x800  }
0x22: {  	[sflag:s0] =	ssyncset.done @!p0 $0x0  }
0x23: {  	[sflag:s0] =	ssyncadd.s32 @!p0 $0xFFFFF800  }
0x24: {  	[bflag:$0x0] =	sbarrier.arrive $0xFFFF  }
0x25: {  	s12 =	simm.s32 $0x14000;
	s18 =	simm.s32 $0x9;
	s11 =	rddreg [dreg:$0x1]  }
0x26: {  	[tilespmem:s12], [sflag:$0x9] =	stream.linear.gather [hbm4b:s11+s6], $0x800, $0x38;
	[tilespmem:$0x19800] =	vst v63  }
0x27: {  	_ =	swait.ge [sflag:s18], $0x800  }
0x28: {  	[sflag:s18] =	ssyncset.done $0x0  }
0x29: {  	[sflag:s18] =	ssyncadd.s32 $0xFFFFF800  }
0x2a: {  	s20 =	simm.s32 $0x14800;
	s19 =	rddreg [dreg:$0x2]  }
0x2b: {  	[tilespmem:s20], [sflag:$0x9] =	stream.linear.gather [hbm4b:s19+s6], $0x800, $0x38;
	[tilespmem:$0x19800] =	vst v63  }
0x2c: {  	_ =	swait.ge [sflag:s18], $0x800  }
0x2d: {  	[sflag:s18] =	ssyncset.done $0x0  }
0x2e: {  	[sflag:s18] =	ssyncadd.s32 $0xFFFFF800  }
0x2f: {  	s29 =	simm.s32 $0x15000;
	s22 =	rddreg [dreg:$0x3]  }
0x30: {  	[tilespmem:s29], [sflag:$0x9] =	stream.linear.gather [hbm4b:s22+s6], $0x400, $0x38;
	[tilespmem:$0x19800] =	vst v63  }
0x31: {  	_ =	swait.ge [sflag:s18], $0x400  }
0x32: {  	[sflag:s18] =	ssyncset.done $0x0  }
0x33: {  	s30 =	rddreg [dreg:$0x8];
	[sflag:s18] =	ssyncadd.s32 $0xFFFFFC00  }
0x34: {  	[tilespmem:s6], [sflag:$0x9] =	stream.linear.gather [hbm4b:s30+s6], $0x4000, $0x38;
	[tilespmem:$0x19800] =	vst v63  }
0x35: {  	_ =	swait.ge [sflag:s18], $0x4000  }
0x36: {  	[sflag:s18] =	ssyncset.done $0x0  }
0x37: {  	[sflag:s18] =	ssyncadd.s32 $0xFFFFC000  }
0x38: {  	[tilespmem:s14], [sflag:$0x1] =	stream.indirect.gather [spmem:s5], $0x80, s6, s13, $0xb8;
	[tilespmem:$0x19800] =	vst v63  }
0x39: {  	s31 =	simm.s32 $0x800;
	s1 =	simm.s32 $0x0  }
0x3a: {  	[tilespmem:s15], [sflag:$0x2] =	stream.indirect.gather [spmem:s5], $0x80, s31, s13, $0xb8;
	[tilespmem:$0x19800] =	vst v63  }
.LBB2_2:
0x3b: {  	s0 =	sand.u32 $0x1, s1  }
0x3c: {  	p1 =	seq.s32 s0, $0x1  }
.Ltmp2:
0x3d: {  	_ = 	snop;
	(pc) =	sbr.rel @p1 .LBB2_7-.Ltmp2, $2  }
0x3e: {  	_ =	sdelay $0x2  }
0x3f: {  	s0 =	sshll.u32 s1, $0x2  }
0x40: {  	s14 =	sand.u32 $0x8, s0  }
0x41: {  	s2 =	simm.s32 $0x80;
	s3 =	sadd.s32 $0x0, s14  }
0x42: {  	s20 =	sand.u32 $0x780, s2;
	s3 =	sshll.u32 s3, $0x7  }
0x43: {  	s19 =	sshll.u32 s1, $0x5;
	v0 =	vld [tilespmem:s20+$0x14800];
	s3 =	sand.u32 $0x3FFFFF80, s3  }
0x44: {  	s15 =	sand.u32 $0x380, s19;
	v1 =	vld [tilespmem:s3+$0x14000]  }
0x45: {  	s8 =	sor.u32 $0x15000, s15  }
0x46: {  	v2 =	vld [tilespmem:s8+$0x0]  }
0x47: {  	s29 =	simm.s32 $0x0  }
0x48: {  	s12 =	sand.u32 $0x700, s29  }
0x49: {  	v3 =	vld [tilespmem:s12+$0x14800];
	v0 =	vadd.f32 v0, v1;
	_ =	sdelay $0x1  }
0x4a: {  	v0 =	vadd.f32 v0, v2  }
0x4b: {  	s2 =	simm.s32 $0x15480  }
0x4c: {  	[tilespmem:s2+$0x0] =	vst v0  }
0x4d: {  	v0 =	vadd.f32 v3, v1;
	v1 =	vld [tilespmem:s3+$0x14010]  }
0x4e: {  	v3 =	vld [tilespmem:s20+$0x14810]  }
0x4f: {  	v0 =	vadd.f32 v2, v0  }
0x50: {  	v2 =	vld [tilespmem:s15+$0x15010]  }
0x51: {  	[tilespmem:s2+$0xFFFFFF80] =	vst v0  }
0x52: {  	v0 =	vld [tilespmem:s3+$0x14010]  }
0x53: {  	v4 =	vld [tilespmem:s12+$0x14810];
	v1 =	vadd.f32 v3, v1;
	_ =	sdelay $0x1  }
0x54: {  	v3 =	vld [tilespmem:s15+$0x15010];
	v1 =	vadd.f32 v2, v1;
	_ =	sdelay $0x1  }
0x55: {  	[tilespmem:s2+$0x10] =	vst v1  }
0x56: {  	v0 =	vadd.f32 v4, v0;
	v1 =	vld [tilespmem:s3+$0x14020]  }
0x57: {  	v2 =	vld [tilespmem:s20+$0x14820]  }
0x58: {  	v0 =	vadd.f32 v3, v0  }
0x59: {  	v3 =	vld [tilespmem:s15+$0x15020]  }
0x5a: {  	[tilespmem:s2+$0xFFFFFF90] =	vst v0  }
0x5b: {  	v0 =	vld [tilespmem:s3+$0x14020]  }
0x5c: {  	v4 =	vld [tilespmem:s12+$0x14820];
	v1 =	vadd.f32 v2, v1;
	_ =	sdelay $0x1  }
0x5d: {  	v2 =	vld [tilespmem:s15+$0x15020];
	v1 =	vadd.f32 v3, v1;
	_ =	sdelay $0x1  }
0x5e: {  	[tilespmem:s2+$0x20] =	vst v1  }
0x5f: {  	v0 =	vadd.f32 v4, v0;
	v1 =	vld [tilespmem:s3+$0x14030]  }
0x60: {  	v3 =	vld [tilespmem:s20+$0x14830]  }
0x61: {  	v0 =	vadd.f32 v2, v0  }
0x62: {  	v2 =	vld [tilespmem:s15+$0x15030]  }
0x63: {  	[tilespmem:s2+$0xFFFFFFA0] =	vst v0  }
0x64: {  	s11 =	simm.s32 $0x180;
	v0 =	vld [tilespmem:s3+$0x14030]  }
0x65: {  	s9 =	sadd.s32 $0x0, s14;
	s18 =	sand.u32 $0x780, s11;
	v4 =	vld [tilespmem:s12+$0x14830];
	v1 =	vadd.f32 v3, v1  }
0x66: {  	s9 =	sshll.u32 s9, $0x7;
	v5 =	vld [tilespmem:s18+$0x14800]  }
0x67: {  	s9 =	sand.u32 $0x3FFFFF80, s9;
	v3 =	vld [tilespmem:s15+$0x15030];
	v1 =	vadd.f32 v2, v1  }
0x68: {  	v2 =	vld [tilespmem:s9+$0x14000]  }
0x69: {  	v6 =	vld [tilespmem:s8+$0x0];
	[tilespmem:s2+$0x30] =	vst v1  }
0x6a: {  	v0 =	vadd.f32 v4, v0;
	v1 =	vld [tilespmem:s3+$0x14040]  }
0x6b: {  	s10 =	simm.s32 $0x100;
	s30 =	sor.u32 $0x40, s19;
	v4 =	vld [tilespmem:s20+$0x14840]  }
0x6c: {  	s10 =	sand.u32 $0x700, s10;
	v7 =	vld [tilespmem:s30+$0x15000];
	v0 =	vadd.f32 v3, v0  }
0x6d: {  	v3 =	vld [tilespmem:s10+$0x14800];
	v5 =	vadd.f32 v5, v2  }
0x6e: {  	[tilespmem:s2+$0xFFFFFFB0] =	vst v0  }
0x6f: {  	v0 =	vld [tilespmem:s3+$0x14040];
	v5 =	vadd.f32 v5, v6  }
0x70: {  	s31 =	simm.s32 $0x15580;
	v8 =	vld [tilespmem:s12+$0x14840];
	v1 =	vadd.f32 v4, v1  }
0x71: {  	v4 =	vld [tilespmem:s30+$0x15000];
	[tilespmem:s31+$0x0] =	vst v5  }
0x72: {  	v2 =	vadd.f32 v3, v2;
	v3 =	vld [tilespmem:s15+$0x15010];
	v1 =	vadd.f32 v7, v1  }
0x73: {  	v5 =	vld [tilespmem:s9+$0x14010]  }
0x74: {  	v2 =	vadd.f32 v6, v2;
	v6 =	vld [tilespmem:s18+$0x14810];
	[tilespmem:s2+$0x40] =	vst v1  }
0x75: {  	v1 =	vld [tilespmem:s3+$0x14050]  }
0x76: {  	v0 =	vadd.f32 v8, v0;
	[tilespmem:s31+$0xFFFFFF80] =	vst v2;
	v2 =	vld [tilespmem:s20+$0x14850]  }
0x77: {  	s13 =	sor.u32 $0x50, s19;
	v7 =	vld [tilespmem:s9+$0x14010]  }
0x78: {  	v0 =	vadd.f32 v4, v0;
	v4 =	vld [tilespmem:s13+$0x15000]  }
0x79: {  	v8 =	vld [tilespmem:s10+$0x14810];
	v5 =	vadd.f32 v6, v5  }
0x7a: {  	[tilespmem:s2+$0xFFFFFFC0] =	vst v0;
	v0 =	vld [tilespmem:s15+$0x15010]  }
0x7b: {  	v3 =	vadd.f32 v3, v5;
	v5 =	vld [tilespmem:s3+$0x14050];
	v1 =	vadd.f32 v2, v1  }
0x7c: {  	v2 =	vld [tilespmem:s12+$0x14850]  }
0x7d: {  	[tilespmem:s31+$0x10] =	vst v3;
	v3 =	vld [tilespmem:s13+$0x15000];
	v1 =	vadd.f32 v4, v1  }
0x7e: {  	v4 =	vld [tilespmem:s9+$0x14020]  }
0x7f: {  	v6 =	vadd.f32 v8, v7;
	v7 =	vld [tilespmem:s18+$0x14820];
	[tilespmem:s2+$0x50] =	vst v1  }
0x80: {  	v1 =	vld [tilespmem:s3+$0x14060]  }
0x81: {  	v0 =	vadd.f32 v0, v6;
	v6 =	vld [tilespmem:s20+$0x14860]  }
0x82: {  	s17 =	sor.u32 $0x60, s19;
	v2 =	vadd.f32 v2, v5;
	v5 =	vld [tilespmem:s15+$0x15020]  }
0x83: {  	[tilespmem:s31+$0xFFFFFF90] =	vst v0;
	v0 =	vld [tilespmem:s17+$0x15000]  }
0x84: {  	v8 =	vld [tilespmem:s10+$0x14820];
	v2 =	vadd.f32 v3, v2  }
0x85: {  	v3 =	vld [tilespmem:s9+$0x14020];
	v4 =	vadd.f32 v7, v4  }
0x86: {  	[tilespmem:s2+$0xFFFFFFD0] =	vst v2;
	v2 =	vld [tilespmem:s15+$0x15020];
	v1 =	vadd.f32 v6, v1  }
0x87: {  	v4 =	vadd.f32 v5, v4;
	v5 =	vld [tilespmem:s3+$0x14060]  }
0x88: {  	v7 =	vld [tilespmem:s12+$0x14860];
	v0 =	vadd.f32 v0, v1  }
0x89: {  	v9 =	vld [tilespmem:s17+$0x15000];
	[tilespmem:s31+$0x20] =	vst v4  }
0x8a: {  	v1 =	vadd.f32 v8, v3;
	v4 =	vld [tilespmem:s9+$0x14030];
	[tilespmem:s2+$0x60] =	vst v0  }
0x8b: {  	v0 =	vld [tilespmem:s3+$0x14070]  }
0x8c: {  	v1 =	vadd.f32 v2, v1;
	v2 =	vld [tilespmem:s20+$0x14870]  }
0x8d: {  	v6 =	vld [tilespmem:s18+$0x14830];
	s20 =	sor.u32 $0x70, s19;
	v3 =	vadd.f32 v7, v5  }
0x8e: {  	[tilespmem:s31+$0xFFFFFFA0] =	vst v1;
	v1 =	vld [tilespmem:s20+$0x15000]  }
0x8f: {  	v7 =	vld [tilespmem:s15+$0x15030];
	v3 =	vadd.f32 v9, v3  }
0x90: {  	s22 =	simm.s32 $0x2;
	s19 =	simm.s32 $0x15580;
	v5 =	vld [tilespmem:s9+$0x14030]  }
.LBB2_4:
0x91: {  	s22 =	sadd.s32 $0x2, s22;
	v8 =	vld [tilespmem:s10+$0x14830];
	[tilespmem:s2+$0xFFFFFFE0] =	vst v3;
	v0 =	vadd.f32 v2, v0  }
0x92: {  	s16 =	sshrl.u32 s22, $0x4;
	p1 =	slt.u32 s22, $0x7E;
	v2 =	vld [tilespmem:s15+$0x15030]  }
0x93: {  	s11 =	sadd.s32 $0x100, s11;
	v3 =	vadd.f32 v6, v4;
	s16 =	sadd.s32 s14, s16;
	v4 =	vld [tilespmem:s3+$0x14070];
	v0 =	vadd.f32 v1, v0;
	s3 =	smov.u32 s9  }
0x94: {  	s29 =	sadd.s32 $0xFFFFFF80, s11;
	s9 =	sshll.u32 s16, $0x7;
	s16 =	sand.u32 $0x780, s11;
	v1 =	vld [tilespmem:s12+$0x14870]  }
0x95: {  	s12 =	smov.u32 s10;
	s10 =	sand.u32 $0x700, s29;
	s9 =	sand.u32 $0x3FFFFF80, s9;
	v6 =	vld [tilespmem:s16+$0x14800];
	v3 =	vadd.f32 v7, v3;
	[tilespmem:s2+$0x70] =	vst v0  }
0x96: {  	v0 =	vld [tilespmem:s9+$0x14000];
	v5 =	vadd.f32 v8, v5  }
0x97: {  	v7 =	vld [tilespmem:s8+$0x0];
	[tilespmem:s31+$0x30] =	vst v3  }
0x98: {  	v2 =	vadd.f32 v2, v5;
	v3 =	vld [tilespmem:s3+$0x14040]  }
0x99: {  	v5 =	vld [tilespmem:s18+$0x14840];
	v1 =	vadd.f32 v1, v4  }
0x9a: {  	v4 =	vld [tilespmem:s10+$0x14800];
	[tilespmem:s31+$0xFFFFFFB0] =	vst v2  }
0x9b: {  	v2 =	vadd.f32 v6, v0;
	v6 =	vld [tilespmem:s30+$0x15000]  }
0x9c: {  	v8 =	vld [tilespmem:s3+$0x14040]  }
0x9d: {  	v2 =	vadd.f32 v2, v7;
	v9 =	vld [tilespmem:s12+$0x14840]  }
0x9e: {  	s31 =	sadd.s32 $0x100, s31;
	v10 =	vld [tilespmem:s30+$0x15000];
	v3 =	vadd.f32 v5, v3  }
0x9f: {  	v0 =	vadd.f32 v4, v0;
	[tilespmem:s31+$0x0] =	vst v2;
	v2 =	vld [tilespmem:s20+$0x15000]  }
0xa0: {  	v4 =	vld [tilespmem:s15+$0x15010];
	v3 =	vadd.f32 v6, v3  }
0xa1: {  	v0 =	vadd.f32 v7, v0;
	v5 =	vld [tilespmem:s9+$0x14010]  }
0xa2: {  	v6 =	vld [tilespmem:s16+$0x14810];
	v7 =	vadd.f32 v9, v8;
	[tilespmem:s19+$0x40] =	vst v3  }
0xa3: {  	[tilespmem:s31+$0xFFFFFF80] =	vst v0;
	v0 =	vld [tilespmem:s3+$0x14050]  }
0xa4: {  	v3 =	vadd.f32 v10, v7;
	v7 =	vld [tilespmem:s18+$0x14850];
	v1 =	vadd.f32 v2, v1  }
0xa5: {  	v2 =	vld [tilespmem:s9+$0x14010]  }
0xa6: {  	[tilespmem:s19+$0xFFFFFFC0] =	vst v3;
	v3 =	vld [tilespmem:s13+$0x15000]  }
0xa7: {  	v8 =	vld [tilespmem:s10+$0x14810];
	v5 =	vadd.f32 v6, v5;
	[tilespmem:s2+$0xFFFFFFF0] =	vst v1;
	s2 =	smov.u32 s19;
	s19 =	smov.u32 s31  }
0xa8: {  	v1 =	vld [tilespmem:s15+$0x15010]  }
0xa9: {  	v4 =	vadd.f32 v4, v5;
	v5 =	vld [tilespmem:s3+$0x14050];
	v0 =	vadd.f32 v7, v0  }
0xaa: {  	v6 =	vld [tilespmem:s12+$0x14850]  }
0xab: {  	[tilespmem:s31+$0x10] =	vst v4;
	v4 =	vld [tilespmem:s13+$0x15000];
	v0 =	vadd.f32 v3, v0  }
0xac: {  	v2 =	vadd.f32 v8, v2;
	v3 =	vld [tilespmem:s9+$0x14020]  }
0xad: {  	v7 =	vld [tilespmem:s16+$0x14820];
	[tilespmem:s2+$0x50] =	vst v0  }
0xae: {  	v0 =	vadd.f32 v1, v2;
	v1 =	vld [tilespmem:s3+$0x14060]  }
0xaf: {  	v2 =	vadd.f32 v6, v5;
	v5 =	vld [tilespmem:s18+$0x14860]  }
0xb0: {  	[tilespmem:s31+$0xFFFFFF90] =	vst v0;
	v0 =	vld [tilespmem:s15+$0x15020]  }
0xb1: {  	v2 =	vadd.f32 v4, v2;
	v4 =	vld [tilespmem:s17+$0x15000]  }
0xb2: {  	v6 =	vld [tilespmem:s9+$0x14020]  }
0xb3: {  	v3 =	vadd.f32 v7, v3;
	v8 =	vld [tilespmem:s10+$0x14820];
	[tilespmem:s2+$0xFFFFFFD0] =	vst v2  }
0xb4: {  	v2 =	vld [tilespmem:s15+$0x15020];
	v1 =	vadd.f32 v5, v1  }
0xb5: {  	v0 =	vadd.f32 v0, v3;
	v3 =	vld [tilespmem:s3+$0x14060]  }
0xb6: {  	v5 =	vld [tilespmem:s12+$0x14860];
	v1 =	vadd.f32 v4, v1  }
0xb7: {  	[tilespmem:s31+$0x20] =	vst v0;
	v7 =	vld [tilespmem:s17+$0x15000]  }
0xb8: {  	v6 =	vadd.f32 v8, v6;
	v4 =	vld [tilespmem:s9+$0x14030];
	[tilespmem:s2+$0x60] =	vst v1  }
0xb9: {  	v0 =	vld [tilespmem:s3+$0x14070]  }
.Ltmp3:
0xba: {  	v1 =	vadd.f32 v2, v6;
	v2 =	vld [tilespmem:s18+$0x14870];
	s18 =	smov.u32 s16;
	(pc) =	sbr.rel @p1 .LBB2_4-.Ltmp3, $4  }
0xbb: {  	v6 =	vld [tilespmem:s18+$0x14830];
	v3 =	vadd.f32 v5, v3  }
0xbc: {  	[tilespmem:s31+$0xFFFFFFA0] =	vst v1;
	v1 =	vld [tilespmem:s20+$0x15000]  }
0xbd: {  	v5 =	vld [tilespmem:s9+$0x14030];
	v3 =	vadd.f32 v7, v3  }
0xbe: {  	v7 =	vld [tilespmem:s15+$0x15030]  }
0xbf: {  	v8 =	vld [tilespmem:s10+$0x14830];
	_ =	sdelay $0x1  }
0xc0: {  	v9 =	vld [tilespmem:s15+$0x15030];
	v4 =	vadd.f32 v6, v4;
	_ =	sdelay $0x1  }
0xc1: {  	v4 =	vadd.f32 v7, v4  }
0xc2: {  	v5 =	vadd.f32 v8, v5  }
0xc3: {  	[tilespmem:s31+$0x30] =	vst v4  }
0xc4: {  	v36 =	vadd.f32 v9, v5;
	v37 =	vld [tilespmem:s9+$0x14040]  }
0xc5: {  	v38 =	vld [tilespmem:s18+$0x14840]  }
0xc6: {  	v39 =	vld [tilespmem:s30+$0x15000];
	[tilespmem:s31+$0xFFFFFFB0] =	vst v36  }
0xc7: {  	v40 =	vld [tilespmem:s9+$0x14040]  }
0xc8: {  	v41 =	vld [tilespmem:s10+$0x14840];
	_ =	sdelay $0x1  }
0xc9: {  	v42 =	vld [tilespmem:s30+$0x15000];
	v5 =	vadd.f32 v38, v37;
	_ =	sdelay $0x1  }
0xca: {  	v4 =	vadd.f32 v39, v5  }
0xcb: {  	v43 =	vadd.f32 v41, v40  }
0xcc: {  	[tilespmem:s19+$0x40] =	vst v4  }
0xcd: {  	v4 =	vld [tilespmem:s9+$0x14050];
	v5 =	vadd.f32 v42, v43  }
0xce: {  	v44 =	vld [tilespmem:s18+$0x14850]  }
0xcf: {  	v45 =	vld [tilespmem:s13+$0x15000];
	[tilespmem:s19+$0xFFFFFFC0] =	vst v5  }
0xd0: {  	v46 =	vld [tilespmem:s9+$0x14050]  }
0xd1: {  	v47 =	vld [tilespmem:s10+$0x14850];
	_ =	sdelay $0x1  }
0xd2: {  	v48 =	vld [tilespmem:s13+$0x15000];
	v4 =	vadd.f32 v44, v4;
	_ =	sdelay $0x1  }
0xd3: {  	v4 =	vadd.f32 v45, v4  }
0xd4: {  	v49 =	vadd.f32 v47, v46  }
0xd5: {  	[tilespmem:s19+$0x50] =	vst v4  }
0xd6: {  	v4 =	vld [tilespmem:s9+$0x14060];
	v5 =	vadd.f32 v48, v49  }
0xd7: {  	v50 =	vld [tilespmem:s18+$0x14860]  }
0xd8: {  	v51 =	vld [tilespmem:s17+$0x15000];
	[tilespmem:s19+$0xFFFFFFD0] =	vst v5  }
0xd9: {  	v5 =	vld [tilespmem:s9+$0x14060]  }
0xda: {  	v52 =	vld [tilespmem:s10+$0x14860];
	_ =	sdelay $0x1  }
0xdb: {  	v53 =	vld [tilespmem:s17+$0x15000]  }
0xdc: {  	v4 =	vadd.f32 v50, v4  }
0xdd: {  	[tilespmem:s2+$0xFFFFFFE0] =	vst v3  }
0xde: {  	v3 =	vld [tilespmem:s3+$0x14070];
	v4 =	vadd.f32 v51, v4;
	v5 =	vadd.f32 v52, v5  }
0xdf: {  	v54 =	vld [tilespmem:s12+$0x14870]  }
0xe0: {  	v55 =	vld [tilespmem:s20+$0x15000];
	[tilespmem:s19+$0x60] =	vst v4;
	v56 =	vadd.f32 v53, v5  }
0xe1: {  	v57 =	vld [tilespmem:s9+$0x14070]  }
0xe2: {  	v58 =	vld [tilespmem:s18+$0x14870];
	[tilespmem:s19+$0xFFFFFFE0] =	vst v56  }
0xe3: {  	v4 =	vld [tilespmem:s9+$0x14070]  }
0xe4: {  	v59 =	vld [tilespmem:s10+$0x14870]  }
0xe5: {  	v10 =	vld [tilespmem:s20+$0x15000]  }
0xe6: {  	v0 =	vadd.f32 v2, v0;
	v60 =	vld [tilespmem:s20+$0x15000]  }
0xe7: {  	v3 =	vadd.f32 v54, v3  }
0xe8: {  	p1 =	seq.s32 s1, $0x0;
	v0 =	vadd.f32 v1, v0;
	v61 =	vadd.f32 v58, v57  }
.Ltmp4:
0xe9: {  	v3 =	vadd.f32 v55, v3;
	v4 =	vadd.f32 v59, v4;
	(pc) =	sbr.rel @p1 .LBB2_6-.Ltmp4, $4  }
0xea: {  	[tilespmem:s2+$0x70] =	vst v0;
	v62 =	vadd.f32 v10, v61  }
0xeb: {  	[tilespmem:s2+$0xFFFFFFF0] =	vst v3;
	v63 =	vadd.f32 v60, v4  }
0xec: {  	s14 =	simm.s32 $0x4000;
	s15 =	simm.s32 $0x8000;
	[tilespmem:s19+$0x70] =	vst v62  }
0xed: {  	s16 =	simm.s32 $0xC000;
	s13 =	simm.s32 $0x80;
	s17 =	simm.s32 $0x10000;
	[tilespmem:s19+$0xFFFFFFF0] =	vst v63  }
.LBB2_7:
0xee: {  	s2 =	simm.s32 $0x7  }
0xef: {  	_ =	swait.ge [sflag:s2], $0x4000  }
0xf0: {  	[sflag:s2] =	ssyncset.done $0x0  }
0xf1: {  	p1 =	por $0x0, $0x0;
	[sflag:s2] =	ssyncadd.s32 $0xFFFFC000  }
.LBB2_8:
0xf2: {  	s2 =	sshll.u32 s1, $0xD  }
0xf3: {  	s31 =	sshll.u32 s1, $0x6;
	s3 =	sand.u32 $0x2000, s2  }
0xf4: {  	s2 =	sand.u32 $0x780, s31;
	s12 =	sor.u32 $0x1000, s3  }
0xf5: {  	s8 =	sor.u32 s2, s12  }
0xf6: {  	[tilespmem:s16], [sflag:$0x3] =	stream.indirect.gather [spmem:s5], $0x80, s8, s13, $0xb8;
	[tilespmem:$0x19800] =	vst v63  }
0xf7: {  	_ =	swait.ge [sflag:s21], $0x4000  }
0xf8: {  	[sflag:s21] =	ssyncset.done $0x0  }
0xf9: {  	s9 =	simm.s32 $0x0;
	[sflag:s21] =	ssyncadd.s32 $0xFFFFC000  }
0xfa: {  	v0 =	vld [tilespmem:s9+$0x155F0]  }
0xfb: {  	v1 =	vld [tilespmem:s9+$0x15400]  }
0xfc: {  	v2 =	vld [tilespmem:s9+$0x15410]  }
0xfd: {  	v3 =	vld [tilespmem:s9+$0x15420]  }
0xfe: {  	v4 =	vld [tilespmem:s9+$0x15430]  }
0xff: {  	v5 =	vld [tilespmem:s9+$0x15440]  }
0x100: {  	v6 =	vld [tilespmem:s9+$0x15450]  }
0x101: {  	v7 =	vld [tilespmem:s9+$0x15460]  }
0x102: {  	v8 =	vld [tilespmem:s9+$0x15470]  }
0x103: {  	v9 =	vld [tilespmem:s9+$0x15480]  }
0x104: {  	v10 =	vld [tilespmem:s9+$0x15490]  }
0x105: {  	v11 =	vld [tilespmem:s9+$0x154A0]  }
0x106: {  	v12 =	vld [tilespmem:s9+$0x154B0]  }
0x107: {  	v13 =	vld [tilespmem:s9+$0x154C0]  }
0x108: {  	v14 =	vld [tilespmem:s9+$0x154D0]  }
0x109: {  	v15 =	vld [tilespmem:s9+$0x154E0]  }
0x10a: {  	v16 =	vld [tilespmem:s9+$0x154F0]  }
0x10b: {  	v17 =	vld [tilespmem:s9+$0x15500]  }
0x10c: {  	v18 =	vld [tilespmem:s9+$0x15510]  }
0x10d: {  	v19 =	vld [tilespmem:s9+$0x15520]  }
0x10e: {  	v20 =	vld [tilespmem:s9+$0x15530]  }
0x10f: {  	v21 =	vld [tilespmem:s9+$0x15540]  }
0x110: {  	v22 =	vld [tilespmem:s9+$0x15550]  }
0x111: {  	v23 =	vld [tilespmem:s9+$0x15560]  }
0x112: {  	v24 =	vld [tilespmem:s9+$0x15570]  }
0x113: {  	v25 =	vld [tilespmem:s9+$0x15580]  }
0x114: {  	v26 =	vld [tilespmem:s9+$0x15590]  }
0x115: {  	v27 =	vld [tilespmem:s9+$0x155A0]  }
0x116: {  	v28 =	vld [tilespmem:s9+$0x155B0]  }
0x117: {  	v29 =	vld [tilespmem:s9+$0x155C0]  }
0x118: {  	v30 =	vld [tilespmem:s9+$0x155D0]  }
0x119: {  	[tilespmem:s9+$0x41F0] =	vst.add.f32.msk $0xffff, v0  }
0x11a: {  	v0 =	vld [tilespmem:s9+$0x155E0]  }
0x11b: {  	[tilespmem:s9+$0x4000] =	vst.add.f32.msk $0xffff, v1  }
0x11c: {  	[tilespmem:s9+$0x4010] =	vst.add.f32.msk $0xffff, v2  }
0x11d: {  	[tilespmem:s9+$0x4020] =	vst.add.f32.msk $0xffff, v3  }
0x11e: {  	[tilespmem:s9+$0x4030] =	vst.add.f32.msk $0xffff, v4  }
0x11f: {  	[tilespmem:s9+$0x4040] =	vst.add.f32.msk $0xffff, v5  }
0x120: {  	[tilespmem:s9+$0x4050] =	vst.add.f32.msk $0xffff, v6  }
0x121: {  	[tilespmem:s9+$0x4060] =	vst.add.f32.msk $0xffff, v7  }
0x122: {  	[tilespmem:s9+$0x4070] =	vst.add.f32.msk $0xffff, v8  }
0x123: {  	[tilespmem:s9+$0x4080] =	vst.add.f32.msk $0xffff, v9  }
0x124: {  	[tilespmem:s9+$0x4090] =	vst.add.f32.msk $0xffff, v10  }
0x125: {  	[tilespmem:s9+$0x40A0] =	vst.add.f32.msk $0xffff, v11  }
0x126: {  	[tilespmem:s9+$0x40B0] =	vst.add.f32.msk $0xffff, v12  }
0x127: {  	[tilespmem:s9+$0x40C0] =	vst.add.f32.msk $0xffff, v13  }
0x128: {  	[tilespmem:s9+$0x40D0] =	vst.add.f32.msk $0xffff, v14  }
0x129: {  	[tilespmem:s9+$0x40E0] =	vst.add.f32.msk $0xffff, v15  }
0x12a: {  	[tilespmem:s9+$0x40F0] =	vst.add.f32.msk $0xffff, v16  }
0x12b: {  	[tilespmem:s9+$0x4100] =	vst.add.f32.msk $0xffff, v17  }
0x12c: {  	[tilespmem:s9+$0x4110] =	vst.add.f32.msk $0xffff, v18  }
0x12d: {  	[tilespmem:s9+$0x4120] =	vst.add.f32.msk $0xffff, v19  }
0x12e: {  	[tilespmem:s9+$0x4130] =	vst.add.f32.msk $0xffff, v20  }
0x12f: {  	[tilespmem:s9+$0x4140] =	vst.add.f32.msk $0xffff, v21  }
0x130: {  	[tilespmem:s9+$0x4150] =	vst.add.f32.msk $0xffff, v22  }
0x131: {  	[tilespmem:s9+$0x4160] =	vst.add.f32.msk $0xffff, v23  }
0x132: {  	[tilespmem:s9+$0x4170] =	vst.add.f32.msk $0xffff, v24  }
0x133: {  	[tilespmem:s9+$0x4180] =	vst.add.f32.msk $0xffff, v25  }
0x134: {  	[tilespmem:s9+$0x4190] =	vst.add.f32.msk $0xffff, v26  }
0x135: {  	[tilespmem:s9+$0x41A0] =	vst.add.f32.msk $0xffff, v27  }
0x136: {  	[tilespmem:s9+$0x41B0] =	vst.add.f32.msk $0xffff, v28  }
0x137: {  	[tilespmem:s9+$0x41C0] =	vst.add.f32.msk $0xffff, v29  }
0x138: {  	s10 =	simm.s32 $0x800;
	s8 =	simm.s32 $0x0;
	[tilespmem:s9+$0x41D0] =	vst.add.f32.msk $0xffff, v30  }
.LBB2_9:
0x139: {  	s8 =	sadd.s32 $0x4, s8;
	[tilespmem:s9+$0x41E0] =	vst.add.f32.msk $0xffff, v0;
	s9 =	sshra.s32 s10, $0x2  }
0x13a: {  	v0 =	vld [tilespmem:s9+$0x155F0];
	p2 =	slt.u32 s8, $0x7C  }
0x13b: {  	v1 =	vld [tilespmem:s9+$0x15400]  }
0x13c: {  	v2 =	vld [tilespmem:s9+$0x15410]  }
0x13d: {  	v3 =	vld [tilespmem:s9+$0x15420]  }
0x13e: {  	v4 =	vld [tilespmem:s9+$0x15430]  }
0x13f: {  	[tilespmem:s9+$0x41F0] =	vst.add.f32.msk $0xffff, v0  }
0x140: {  	v5 =	vld [tilespmem:s9+$0x15440]  }
0x141: {  	v6 =	vld [tilespmem:s9+$0x15450]  }
0x142: {  	v7 =	vld [tilespmem:s9+$0x15460]  }
0x143: {  	v8 =	vld [tilespmem:s9+$0x15470]  }
0x144: {  	v9 =	vld [tilespmem:s9+$0x15480]  }
0x145: {  	v10 =	vld [tilespmem:s9+$0x15490]  }
0x146: {  	v11 =	vld [tilespmem:s9+$0x154A0]  }
0x147: {  	v12 =	vld [tilespmem:s9+$0x154B0]  }
0x148: {  	v13 =	vld [tilespmem:s9+$0x154C0]  }
0x149: {  	v14 =	vld [tilespmem:s9+$0x154D0]  }
0x14a: {  	v15 =	vld [tilespmem:s9+$0x154E0]  }
0x14b: {  	v16 =	vld [tilespmem:s9+$0x154F0]  }
0x14c: {  	v17 =	vld [tilespmem:s9+$0x15500]  }
0x14d: {  	v18 =	vld [tilespmem:s9+$0x15510]  }
0x14e: {  	v19 =	vld [tilespmem:s9+$0x15520]  }
0x14f: {  	v20 =	vld [tilespmem:s9+$0x15530]  }
0x150: {  	v21 =	vld [tilespmem:s9+$0x15540]  }
0x151: {  	v22 =	vld [tilespmem:s9+$0x15550]  }
0x152: {  	v23 =	vld [tilespmem:s9+$0x15560]  }
0x153: {  	v24 =	vld [tilespmem:s9+$0x15570]  }
0x154: {  	v25 =	vld [tilespmem:s9+$0x15580]  }
0x155: {  	v26 =	vld [tilespmem:s9+$0x15590]  }
0x156: {  	v27 =	vld [tilespmem:s9+$0x155A0]  }
0x157: {  	v28 =	vld [tilespmem:s9+$0x155B0]  }
0x158: {  	v29 =	vld [tilespmem:s9+$0x155C0]  }
0x159: {  	v30 =	vld [tilespmem:s9+$0x155D0]  }
0x15a: {  	v0 =	vld [tilespmem:s9+$0x155E0]  }
0x15b: {  	[tilespmem:s9+$0x4000] =	vst.add.f32.msk $0xffff, v1  }
0x15c: {  	[tilespmem:s9+$0x4010] =	vst.add.f32.msk $0xffff, v2  }
0x15d: {  	[tilespmem:s9+$0x4020] =	vst.add.f32.msk $0xffff, v3  }
0x15e: {  	[tilespmem:s9+$0x4030] =	vst.add.f32.msk $0xffff, v4  }
0x15f: {  	[tilespmem:s9+$0x4040] =	vst.add.f32.msk $0xffff, v5  }
0x160: {  	[tilespmem:s9+$0x4050] =	vst.add.f32.msk $0xffff, v6  }
0x161: {  	[tilespmem:s9+$0x4060] =	vst.add.f32.msk $0xffff, v7  }
0x162: {  	[tilespmem:s9+$0x4070] =	vst.add.f32.msk $0xffff, v8  }
0x163: {  	[tilespmem:s9+$0x4080] =	vst.add.f32.msk $0xffff, v9  }
0x164: {  	[tilespmem:s9+$0x4090] =	vst.add.f32.msk $0xffff, v10  }
0x165: {  	[tilespmem:s9+$0x40A0] =	vst.add.f32.msk $0xffff, v11  }
0x166: {  	[tilespmem:s9+$0x40B0] =	vst.add.f32.msk $0xffff, v12  }
0x167: {  	[tilespmem:s9+$0x40C0] =	vst.add.f32.msk $0xffff, v13  }
0x168: {  	[tilespmem:s9+$0x40D0] =	vst.add.f32.msk $0xffff, v14  }
0x169: {  	[tilespmem:s9+$0x40E0] =	vst.add.f32.msk $0xffff, v15  }
0x16a: {  	[tilespmem:s9+$0x40F0] =	vst.add.f32.msk $0xffff, v16  }
0x16b: {  	[tilespmem:s9+$0x4100] =	vst.add.f32.msk $0xffff, v17  }
0x16c: {  	[tilespmem:s9+$0x4110] =	vst.add.f32.msk $0xffff, v18  }
0x16d: {  	[tilespmem:s9+$0x4120] =	vst.add.f32.msk $0xffff, v19  }
0x16e: {  	[tilespmem:s9+$0x4130] =	vst.add.f32.msk $0xffff, v20  }
0x16f: {  	[tilespmem:s9+$0x4140] =	vst.add.f32.msk $0xffff, v21  }
0x170: {  	[tilespmem:s9+$0x4150] =	vst.add.f32.msk $0xffff, v22  }
0x171: {  	[tilespmem:s9+$0x4160] =	vst.add.f32.msk $0xffff, v23  }
0x172: {  	[tilespmem:s9+$0x4170] =	vst.add.f32.msk $0xffff, v24  }
0x173: {  	[tilespmem:s9+$0x4180] =	vst.add.f32.msk $0xffff, v25  }
.Ltmp5:
0x174: {  	[tilespmem:s9+$0x4190] =	vst.add.f32.msk $0xffff, v26;
	(pc) =	sbr.rel @p2 .LBB2_9-.Ltmp5, $4  }
0x175: {  	[tilespmem:s9+$0x41A0] =	vst.add.f32.msk $0xffff, v27  }
0x176: {  	[tilespmem:s9+$0x41B0] =	vst.add.f32.msk $0xffff, v28  }
0x177: {  	[tilespmem:s9+$0x41C0] =	vst.add.f32.msk $0xffff, v29  }
0x178: {  	s10 =	sadd.s32 $0x800, s10;
	[tilespmem:s9+$0x41D0] =	vst.add.f32.msk $0xffff, v30  }
0x179: {  	s8 =	sor.u32 s2, s3  }
0x17a: {  	s8 =	sor.u32 s7, s8  }
0x17b: {  	s8 =	sshll.u32 s8, $0x4  }
0x17c: {  	[tilespmem:s9+$0x41E0] =	vst.add.f32.msk $0xffff, v0;
	s9 =	simm.s32 @!p1 $0x8;
	s30 =	sadd.s32 s4, s8  }
0x17d: {  	[hbm4b:s30+s6] =	stream.linear.scatter [tilespmem:s14], [sflag:$0x5], $0x4000, $0x38;
	[tilespmem:$0x19800] =	vst v63  }
0x17e: {  	_ =	swait.ge @!p1 [sflag:s9], $0x4000  }
0x17f: {  	s3 =	sor.u32 $0x1800, s3;
	[sflag:s9] =	ssyncset.done @!p1 $0x0  }
0x180: {  	s31 =	sadd.s32 s2, s3;
	[sflag:s9] =	ssyncadd.s32 @!p1 $0xFFFFC000  }
0x181: {  	[tilespmem:s17], [sflag:$0x4] =	stream.indirect.gather [spmem:s5], $0x80, s31, s13, $0xb8;
	[tilespmem:$0x19800] =	vst v63  }
0x182: {  	_ =	swait.ge [sflag:s23], $0x4000  }
0x183: {  	[sflag:s23] =	ssyncset.done $0x0  }
0x184: {  	s9 =	simm.s32 $0x0;
	[sflag:s23] =	ssyncadd.s32 $0xFFFFC000  }
0x185: {  	v0 =	vld [tilespmem:s9+$0x155F0]  }
0x186: {  	v1 =	vld [tilespmem:s9+$0x15400]  }
0x187: {  	v2 =	vld [tilespmem:s9+$0x15410]  }
0x188: {  	v3 =	vld [tilespmem:s9+$0x15420]  }
0x189: {  	v4 =	vld [tilespmem:s9+$0x15430]  }
0x18a: {  	v5 =	vld [tilespmem:s9+$0x15440]  }
0x18b: {  	v6 =	vld [tilespmem:s9+$0x15450]  }
0x18c: {  	v7 =	vld [tilespmem:s9+$0x15460]  }
0x18d: {  	v8 =	vld [tilespmem:s9+$0x15470]  }
0x18e: {  	v9 =	vld [tilespmem:s9+$0x15480]  }
0x18f: {  	v10 =	vld [tilespmem:s9+$0x15490]  }
0x190: {  	v11 =	vld [tilespmem:s9+$0x154A0]  }
0x191: {  	v12 =	vld [tilespmem:s9+$0x154B0]  }
0x192: {  	v13 =	vld [tilespmem:s9+$0x154C0]  }
0x193: {  	v14 =	vld [tilespmem:s9+$0x154D0]  }
0x194: {  	v15 =	vld [tilespmem:s9+$0x154E0]  }
0x195: {  	v16 =	vld [tilespmem:s9+$0x154F0]  }
0x196: {  	v17 =	vld [tilespmem:s9+$0x15500]  }
0x197: {  	v18 =	vld [tilespmem:s9+$0x15510]  }
0x198: {  	v19 =	vld [tilespmem:s9+$0x15520]  }
0x199: {  	v20 =	vld [tilespmem:s9+$0x15530]  }
0x19a: {  	v21 =	vld [tilespmem:s9+$0x15540]  }
0x19b: {  	v22 =	vld [tilespmem:s9+$0x15550]  }
0x19c: {  	v23 =	vld [tilespmem:s9+$0x15560]  }
0x19d: {  	v24 =	vld [tilespmem:s9+$0x15570]  }
0x19e: {  	v25 =	vld [tilespmem:s9+$0x15580]  }
0x19f: {  	v26 =	vld [tilespmem:s9+$0x15590]  }
0x1a0: {  	v27 =	vld [tilespmem:s9+$0x155A0]  }
0x1a1: {  	v28 =	vld [tilespmem:s9+$0x155B0]  }
0x1a2: {  	v29 =	vld [tilespmem:s9+$0x155C0]  }
0x1a3: {  	v30 =	vld [tilespmem:s9+$0x155D0]  }
0x1a4: {  	[tilespmem:s9+$0x81F0] =	vst.add.f32.msk $0xffff, v0  }
0x1a5: {  	v0 =	vld [tilespmem:s9+$0x155E0]  }
0x1a6: {  	[tilespmem:s9+$0x8000] =	vst.add.f32.msk $0xffff, v1  }
0x1a7: {  	[tilespmem:s9+$0x8010] =	vst.add.f32.msk $0xffff, v2  }
0x1a8: {  	[tilespmem:s9+$0x8020] =	vst.add.f32.msk $0xffff, v3  }
0x1a9: {  	[tilespmem:s9+$0x8030] =	vst.add.f32.msk $0xffff, v4  }
0x1aa: {  	[tilespmem:s9+$0x8040] =	vst.add.f32.msk $0xffff, v5  }
0x1ab: {  	[tilespmem:s9+$0x8050] =	vst.add.f32.msk $0xffff, v6  }
0x1ac: {  	[tilespmem:s9+$0x8060] =	vst.add.f32.msk $0xffff, v7  }
0x1ad: {  	[tilespmem:s9+$0x8070] =	vst.add.f32.msk $0xffff, v8  }
0x1ae: {  	[tilespmem:s9+$0x8080] =	vst.add.f32.msk $0xffff, v9  }
0x1af: {  	[tilespmem:s9+$0x8090] =	vst.add.f32.msk $0xffff, v10  }
0x1b0: {  	[tilespmem:s9+$0x80A0] =	vst.add.f32.msk $0xffff, v11  }
0x1b1: {  	[tilespmem:s9+$0x80B0] =	vst.add.f32.msk $0xffff, v12  }
0x1b2: {  	[tilespmem:s9+$0x80C0] =	vst.add.f32.msk $0xffff, v13  }
0x1b3: {  	[tilespmem:s9+$0x80D0] =	vst.add.f32.msk $0xffff, v14  }
0x1b4: {  	[tilespmem:s9+$0x80E0] =	vst.add.f32.msk $0xffff, v15  }
0x1b5: {  	[tilespmem:s9+$0x80F0] =	vst.add.f32.msk $0xffff, v16  }
0x1b6: {  	[tilespmem:s9+$0x8100] =	vst.add.f32.msk $0xffff, v17  }
0x1b7: {  	[tilespmem:s9+$0x8110] =	vst.add.f32.msk $0xffff, v18  }
0x1b8: {  	[tilespmem:s9+$0x8120] =	vst.add.f32.msk $0xffff, v19  }
0x1b9: {  	[tilespmem:s9+$0x8130] =	vst.add.f32.msk $0xffff, v20  }
0x1ba: {  	[tilespmem:s9+$0x8140] =	vst.add.f32.msk $0xffff, v21  }
0x1bb: {  	[tilespmem:s9+$0x8150] =	vst.add.f32.msk $0xffff, v22  }
0x1bc: {  	[tilespmem:s9+$0x8160] =	vst.add.f32.msk $0xffff, v23  }
0x1bd: {  	[tilespmem:s9+$0x8170] =	vst.add.f32.msk $0xffff, v24  }
0x1be: {  	[tilespmem:s9+$0x8180] =	vst.add.f32.msk $0xffff, v25  }
0x1bf: {  	[tilespmem:s9+$0x8190] =	vst.add.f32.msk $0xffff, v26  }
0x1c0: {  	[tilespmem:s9+$0x81A0] =	vst.add.f32.msk $0xffff, v27  }
0x1c1: {  	[tilespmem:s9+$0x81B0] =	vst.add.f32.msk $0xffff, v28  }
0x1c2: {  	[tilespmem:s9+$0x81C0] =	vst.add.f32.msk $0xffff, v29  }
0x1c3: {  	s10 =	simm.s32 $0x0;
	s11 =	simm.s32 $0x800;
	[tilespmem:s9+$0x81D0] =	vst.add.f32.msk $0xffff, v30  }
.LBB2_11:
0x1c4: {  	s10 =	sadd.s32 $0x4, s10;
	[tilespmem:s9+$0x81E0] =	vst.add.f32.msk $0xffff, v0;
	s9 =	sshra.s32 s11, $0x2  }
0x1c5: {  	v0 =	vld [tilespmem:s9+$0x155F0];
	p1 =	slt.u32 s10, $0x7C  }
0x1c6: {  	v1 =	vld [tilespmem:s9+$0x15400]  }
0x1c7: {  	v2 =	vld [tilespmem:s9+$0x15410]  }
0x1c8: {  	v3 =	vld [tilespmem:s9+$0x15420]  }
0x1c9: {  	v4 =	vld [tilespmem:s9+$0x15430]  }
0x1ca: {  	[tilespmem:s9+$0x81F0] =	vst.add.f32.msk $0xffff, v0  }
0x1cb: {  	v5 =	vld [tilespmem:s9+$0x15440]  }
0x1cc: {  	v6 =	vld [tilespmem:s9+$0x15450]  }
0x1cd: {  	v7 =	vld [tilespmem:s9+$0x15460]  }
0x1ce: {  	v8 =	vld [tilespmem:s9+$0x15470]  }
0x1cf: {  	v9 =	vld [tilespmem:s9+$0x15480]  }
0x1d0: {  	v10 =	vld [tilespmem:s9+$0x15490]  }
0x1d1: {  	v11 =	vld [tilespmem:s9+$0x154A0]  }
0x1d2: {  	v12 =	vld [tilespmem:s9+$0x154B0]  }
0x1d3: {  	v13 =	vld [tilespmem:s9+$0x154C0]  }
0x1d4: {  	v14 =	vld [tilespmem:s9+$0x154D0]  }
0x1d5: {  	v15 =	vld [tilespmem:s9+$0x154E0]  }
0x1d6: {  	v16 =	vld [tilespmem:s9+$0x154F0]  }
0x1d7: {  	v17 =	vld [tilespmem:s9+$0x15500]  }
0x1d8: {  	v18 =	vld [tilespmem:s9+$0x15510]  }
0x1d9: {  	v19 =	vld [tilespmem:s9+$0x15520]  }
0x1da: {  	v20 =	vld [tilespmem:s9+$0x15530]  }
0x1db: {  	v21 =	vld [tilespmem:s9+$0x15540]  }
0x1dc: {  	v22 =	vld [tilespmem:s9+$0x15550]  }
0x1dd: {  	v23 =	vld [tilespmem:s9+$0x15560]  }
0x1de: {  	v24 =	vld [tilespmem:s9+$0x15570]  }
0x1df: {  	v25 =	vld [tilespmem:s9+$0x15580]  }
0x1e0: {  	v26 =	vld [tilespmem:s9+$0x15590]  }
0x1e1: {  	v27 =	vld [tilespmem:s9+$0x155A0]  }
0x1e2: {  	v28 =	vld [tilespmem:s9+$0x155B0]  }
0x1e3: {  	v29 =	vld [tilespmem:s9+$0x155C0]  }
0x1e4: {  	v30 =	vld [tilespmem:s9+$0x155D0]  }
0x1e5: {  	v0 =	vld [tilespmem:s9+$0x155E0]  }
0x1e6: {  	[tilespmem:s9+$0x8000] =	vst.add.f32.msk $0xffff, v1  }
0x1e7: {  	[tilespmem:s9+$0x8010] =	vst.add.f32.msk $0xffff, v2  }
0x1e8: {  	[tilespmem:s9+$0x8020] =	vst.add.f32.msk $0xffff, v3  }
0x1e9: {  	[tilespmem:s9+$0x8030] =	vst.add.f32.msk $0xffff, v4  }
0x1ea: {  	[tilespmem:s9+$0x8040] =	vst.add.f32.msk $0xffff, v5  }
0x1eb: {  	[tilespmem:s9+$0x8050] =	vst.add.f32.msk $0xffff, v6  }
0x1ec: {  	[tilespmem:s9+$0x8060] =	vst.add.f32.msk $0xffff, v7  }
0x1ed: {  	[tilespmem:s9+$0x8070] =	vst.add.f32.msk $0xffff, v8  }
0x1ee: {  	[tilespmem:s9+$0x8080] =	vst.add.f32.msk $0xffff, v9  }
0x1ef: {  	[tilespmem:s9+$0x8090] =	vst.add.f32.msk $0xffff, v10  }
0x1f0: {  	[tilespmem:s9+$0x80A0] =	vst.add.f32.msk $0xffff, v11  }
0x1f1: {  	[tilespmem:s9+$0x80B0] =	vst.add.f32.msk $0xffff, v12  }
0x1f2: {  	[tilespmem:s9+$0x80C0] =	vst.add.f32.msk $0xffff, v13  }
0x1f3: {  	[tilespmem:s9+$0x80D0] =	vst.add.f32.msk $0xffff, v14  }
0x1f4: {  	[tilespmem:s9+$0x80E0] =	vst.add.f32.msk $0xffff, v15  }
0x1f5: {  	[tilespmem:s9+$0x80F0] =	vst.add.f32.msk $0xffff, v16  }
0x1f6: {  	[tilespmem:s9+$0x8100] =	vst.add.f32.msk $0xffff, v17  }
0x1f7: {  	[tilespmem:s9+$0x8110] =	vst.add.f32.msk $0xffff, v18  }
0x1f8: {  	[tilespmem:s9+$0x8120] =	vst.add.f32.msk $0xffff, v19  }
0x1f9: {  	[tilespmem:s9+$0x8130] =	vst.add.f32.msk $0xffff, v20  }
0x1fa: {  	[tilespmem:s9+$0x8140] =	vst.add.f32.msk $0xffff, v21  }
0x1fb: {  	[tilespmem:s9+$0x8150] =	vst.add.f32.msk $0xffff, v22  }
0x1fc: {  	[tilespmem:s9+$0x8160] =	vst.add.f32.msk $0xffff, v23  }
0x1fd: {  	[tilespmem:s9+$0x8170] =	vst.add.f32.msk $0xffff, v24  }
0x1fe: {  	[tilespmem:s9+$0x8180] =	vst.add.f32.msk $0xffff, v25  }
.Ltmp6:
0x1ff: {  	[tilespmem:s9+$0x8190] =	vst.add.f32.msk $0xffff, v26;
	(pc) =	sbr.rel @p1 .LBB2_11-.Ltmp6, $4  }
0x200: {  	[tilespmem:s9+$0x81A0] =	vst.add.f32.msk $0xffff, v27  }
0x201: {  	[tilespmem:s9+$0x81B0] =	vst.add.f32.msk $0xffff, v28  }
0x202: {  	[tilespmem:s9+$0x81C0] =	vst.add.f32.msk $0xffff, v29  }
0x203: {  	s11 =	sadd.s32 $0x800, s11;
	[tilespmem:s9+$0x81D0] =	vst.add.f32.msk $0xffff, v30  }
0x204: {  	s8 =	sadd.s32 s8, s4  }
0x205: {  	[tilespmem:s9+$0x81E0] =	vst.add.f32.msk $0xffff, v0;
	p1 =	seq.s32 s1, $0x1F;
	s8 =	sadd.s32 $0x8000, s8  }
0x206: {  	[hbm4b:s8+s6] =	stream.linear.scatter [tilespmem:s15], [sflag:$0x6], $0x4000, $0x38;
	[tilespmem:$0x19800] =	vst v63  }
0x207: {  	s10 =	simm.s32 @!p1 $0x4000;
	s8 =	sadd.s32 @!p1 $0x4, s0  }
0x208: {  	_ =	swait.ge [sflag:s24], $0x4000;
	s9 =	sshll.u32 @!p1 s8, $0xB;
	s8 =	sshll.u32 @!p1 s8, $0x4  }
0x209: {  	[sflag:s24] =	ssyncset.done $0x0;
	s9 =	sand.u32 @!p1 $0x2000, s9;
	s8 =	sand.u32 @!p1 $0xF80, s8  }
0x20a: {  	[sflag:s24] =	ssyncadd.s32 $0xFFFFC000;
	s8 =	sor.u32 @!p1 s8, s9;
	s9 =	simm.s32 @!p1 $0x80  }
0x20b: {  	[tilespmem:s10], [sflag:$0x1] =	stream.indirect.gather @!p1 [spmem:s5], $0x80, s8, s9, $0xb8;
	[tilespmem:$0x19800] =	vst v63  }
0x20c: {  	_ =	swait.ge [sflag:s25], $0x4000  }
0x20d: {  	[sflag:s25] =	ssyncset.done $0x0  }
0x20e: {  	s8 =	simm.s32 $0x0;
	[sflag:s25] =	ssyncadd.s32 $0xFFFFC000  }
0x20f: {  	v0 =	vld [tilespmem:s8+$0x155F0]  }
0x210: {  	v1 =	vld [tilespmem:s8+$0x15400]  }
0x211: {  	v2 =	vld [tilespmem:s8+$0x15410]  }
0x212: {  	v3 =	vld [tilespmem:s8+$0x15420]  }
0x213: {  	v4 =	vld [tilespmem:s8+$0x15430]  }
0x214: {  	v5 =	vld [tilespmem:s8+$0x15440]  }
0x215: {  	v6 =	vld [tilespmem:s8+$0x15450]  }
0x216: {  	v7 =	vld [tilespmem:s8+$0x15460]  }
0x217: {  	v8 =	vld [tilespmem:s8+$0x15470]  }
0x218: {  	v9 =	vld [tilespmem:s8+$0x15480]  }
0x219: {  	v10 =	vld [tilespmem:s8+$0x15490]  }
0x21a: {  	v11 =	vld [tilespmem:s8+$0x154A0]  }
0x21b: {  	v12 =	vld [tilespmem:s8+$0x154B0]  }
0x21c: {  	v13 =	vld [tilespmem:s8+$0x154C0]  }
0x21d: {  	v14 =	vld [tilespmem:s8+$0x154D0]  }
0x21e: {  	v15 =	vld [tilespmem:s8+$0x154E0]  }
0x21f: {  	v16 =	vld [tilespmem:s8+$0x154F0]  }
0x220: {  	v17 =	vld [tilespmem:s8+$0x15500]  }
0x221: {  	v18 =	vld [tilespmem:s8+$0x15510]  }
0x222: {  	v19 =	vld [tilespmem:s8+$0x15520]  }
0x223: {  	v20 =	vld [tilespmem:s8+$0x15530]  }
0x224: {  	v21 =	vld [tilespmem:s8+$0x15540]  }
0x225: {  	v22 =	vld [tilespmem:s8+$0x15550]  }
0x226: {  	v23 =	vld [tilespmem:s8+$0x15560]  }
0x227: {  	v24 =	vld [tilespmem:s8+$0x15570]  }
0x228: {  	v25 =	vld [tilespmem:s8+$0x15580]  }
0x229: {  	v26 =	vld [tilespmem:s8+$0x15590]  }
0x22a: {  	v27 =	vld [tilespmem:s8+$0x155A0]  }
0x22b: {  	v28 =	vld [tilespmem:s8+$0x155B0]  }
0x22c: {  	v29 =	vld [tilespmem:s8+$0x155C0]  }
0x22d: {  	v30 =	vld [tilespmem:s8+$0x155D0]  }
0x22e: {  	[tilespmem:s8+$0xC1F0] =	vst.add.f32.msk $0xffff, v0  }
0x22f: {  	v0 =	vld [tilespmem:s8+$0x155E0]  }
0x230: {  	[tilespmem:s8+$0xC000] =	vst.add.f32.msk $0xffff, v1  }
0x231: {  	[tilespmem:s8+$0xC010] =	vst.add.f32.msk $0xffff, v2  }
0x232: {  	[tilespmem:s8+$0xC020] =	vst.add.f32.msk $0xffff, v3  }
0x233: {  	[tilespmem:s8+$0xC030] =	vst.add.f32.msk $0xffff, v4  }
0x234: {  	[tilespmem:s8+$0xC040] =	vst.add.f32.msk $0xffff, v5  }
0x235: {  	[tilespmem:s8+$0xC050] =	vst.add.f32.msk $0xffff, v6  }
0x236: {  	[tilespmem:s8+$0xC060] =	vst.add.f32.msk $0xffff, v7  }
0x237: {  	[tilespmem:s8+$0xC070] =	vst.add.f32.msk $0xffff, v8  }
0x238: {  	[tilespmem:s8+$0xC080] =	vst.add.f32.msk $0xffff, v9  }
0x239: {  	[tilespmem:s8+$0xC090] =	vst.add.f32.msk $0xffff, v10  }
0x23a: {  	[tilespmem:s8+$0xC0A0] =	vst.add.f32.msk $0xffff, v11  }
0x23b: {  	[tilespmem:s8+$0xC0B0] =	vst.add.f32.msk $0xffff, v12  }
0x23c: {  	[tilespmem:s8+$0xC0C0] =	vst.add.f32.msk $0xffff, v13  }
0x23d: {  	[tilespmem:s8+$0xC0D0] =	vst.add.f32.msk $0xffff, v14  }
0x23e: {  	[tilespmem:s8+$0xC0E0] =	vst.add.f32.msk $0xffff, v15  }
0x23f: {  	[tilespmem:s8+$0xC0F0] =	vst.add.f32.msk $0xffff, v16  }
0x240: {  	[tilespmem:s8+$0xC100] =	vst.add.f32.msk $0xffff, v17  }
0x241: {  	[tilespmem:s8+$0xC110] =	vst.add.f32.msk $0xffff, v18  }
0x242: {  	[tilespmem:s8+$0xC120] =	vst.add.f32.msk $0xffff, v19  }
0x243: {  	[tilespmem:s8+$0xC130] =	vst.add.f32.msk $0xffff, v20  }
0x244: {  	[tilespmem:s8+$0xC140] =	vst.add.f32.msk $0xffff, v21  }
0x245: {  	[tilespmem:s8+$0xC150] =	vst.add.f32.msk $0xffff, v22  }
0x246: {  	[tilespmem:s8+$0xC160] =	vst.add.f32.msk $0xffff, v23  }
0x247: {  	[tilespmem:s8+$0xC170] =	vst.add.f32.msk $0xffff, v24  }
0x248: {  	[tilespmem:s8+$0xC180] =	vst.add.f32.msk $0xffff, v25  }
0x249: {  	[tilespmem:s8+$0xC190] =	vst.add.f32.msk $0xffff, v26  }
0x24a: {  	[tilespmem:s8+$0xC1A0] =	vst.add.f32.msk $0xffff, v27  }
0x24b: {  	[tilespmem:s8+$0xC1B0] =	vst.add.f32.msk $0xffff, v28  }
0x24c: {  	[tilespmem:s8+$0xC1C0] =	vst.add.f32.msk $0xffff, v29  }
0x24d: {  	s9 =	simm.s32 $0x0;
	s10 =	simm.s32 $0x800;
	[tilespmem:s8+$0xC1D0] =	vst.add.f32.msk $0xffff, v30  }
.LBB2_13:
0x24e: {  	s9 =	sadd.s32 $0x4, s9;
	[tilespmem:s8+$0xC1E0] =	vst.add.f32.msk $0xffff, v0;
	s8 =	sshra.s32 s10, $0x2  }
0x24f: {  	v0 =	vld [tilespmem:s8+$0x155F0];
	p2 =	slt.u32 s9, $0x7C  }
0x250: {  	v1 =	vld [tilespmem:s8+$0x15400]  }
0x251: {  	v2 =	vld [tilespmem:s8+$0x15410]  }
0x252: {  	v3 =	vld [tilespmem:s8+$0x15420]  }
0x253: {  	v4 =	vld [tilespmem:s8+$0x15430]  }
0x254: {  	[tilespmem:s8+$0xC1F0] =	vst.add.f32.msk $0xffff, v0  }
0x255: {  	v5 =	vld [tilespmem:s8+$0x15440]  }
0x256: {  	v6 =	vld [tilespmem:s8+$0x15450]  }
0x257: {  	v7 =	vld [tilespmem:s8+$0x15460]  }
0x258: {  	v8 =	vld [tilespmem:s8+$0x15470]  }
0x259: {  	v9 =	vld [tilespmem:s8+$0x15480]  }
0x25a: {  	v10 =	vld [tilespmem:s8+$0x15490]  }
0x25b: {  	v11 =	vld [tilespmem:s8+$0x154A0]  }
0x25c: {  	v12 =	vld [tilespmem:s8+$0x154B0]  }
0x25d: {  	v13 =	vld [tilespmem:s8+$0x154C0]  }
0x25e: {  	v14 =	vld [tilespmem:s8+$0x154D0]  }
0x25f: {  	v15 =	vld [tilespmem:s8+$0x154E0]  }
0x260: {  	v16 =	vld [tilespmem:s8+$0x154F0]  }
0x261: {  	v17 =	vld [tilespmem:s8+$0x15500]  }
0x262: {  	v18 =	vld [tilespmem:s8+$0x15510]  }
0x263: {  	v19 =	vld [tilespmem:s8+$0x15520]  }
0x264: {  	v20 =	vld [tilespmem:s8+$0x15530]  }
0x265: {  	v21 =	vld [tilespmem:s8+$0x15540]  }
0x266: {  	v22 =	vld [tilespmem:s8+$0x15550]  }
0x267: {  	v23 =	vld [tilespmem:s8+$0x15560]  }
0x268: {  	v24 =	vld [tilespmem:s8+$0x15570]  }
0x269: {  	v25 =	vld [tilespmem:s8+$0x15580]  }
0x26a: {  	v26 =	vld [tilespmem:s8+$0x15590]  }
0x26b: {  	v27 =	vld [tilespmem:s8+$0x155A0]  }
0x26c: {  	v28 =	vld [tilespmem:s8+$0x155B0]  }
0x26d: {  	v29 =	vld [tilespmem:s8+$0x155C0]  }
0x26e: {  	v30 =	vld [tilespmem:s8+$0x155D0]  }
0x26f: {  	v0 =	vld [tilespmem:s8+$0x155E0]  }
0x270: {  	[tilespmem:s8+$0xC000] =	vst.add.f32.msk $0xffff, v1  }
0x271: {  	[tilespmem:s8+$0xC010] =	vst.add.f32.msk $0xffff, v2  }
0x272: {  	[tilespmem:s8+$0xC020] =	vst.add.f32.msk $0xffff, v3  }
0x273: {  	[tilespmem:s8+$0xC030] =	vst.add.f32.msk $0xffff, v4  }
0x274: {  	[tilespmem:s8+$0xC040] =	vst.add.f32.msk $0xffff, v5  }
0x275: {  	[tilespmem:s8+$0xC050] =	vst.add.f32.msk $0xffff, v6  }
0x276: {  	[tilespmem:s8+$0xC060] =	vst.add.f32.msk $0xffff, v7  }
0x277: {  	[tilespmem:s8+$0xC070] =	vst.add.f32.msk $0xffff, v8  }
0x278: {  	[tilespmem:s8+$0xC080] =	vst.add.f32.msk $0xffff, v9  }
0x279: {  	[tilespmem:s8+$0xC090] =	vst.add.f32.msk $0xffff, v10  }
0x27a: {  	[tilespmem:s8+$0xC0A0] =	vst.add.f32.msk $0xffff, v11  }
0x27b: {  	[tilespmem:s8+$0xC0B0] =	vst.add.f32.msk $0xffff, v12  }
0x27c: {  	[tilespmem:s8+$0xC0C0] =	vst.add.f32.msk $0xffff, v13  }
0x27d: {  	[tilespmem:s8+$0xC0D0] =	vst.add.f32.msk $0xffff, v14  }
0x27e: {  	[tilespmem:s8+$0xC0E0] =	vst.add.f32.msk $0xffff, v15  }
0x27f: {  	[tilespmem:s8+$0xC0F0] =	vst.add.f32.msk $0xffff, v16  }
0x280: {  	[tilespmem:s8+$0xC100] =	vst.add.f32.msk $0xffff, v17  }
0x281: {  	[tilespmem:s8+$0xC110] =	vst.add.f32.msk $0xffff, v18  }
0x282: {  	[tilespmem:s8+$0xC120] =	vst.add.f32.msk $0xffff, v19  }
0x283: {  	[tilespmem:s8+$0xC130] =	vst.add.f32.msk $0xffff, v20  }
0x284: {  	[tilespmem:s8+$0xC140] =	vst.add.f32.msk $0xffff, v21  }
0x285: {  	[tilespmem:s8+$0xC150] =	vst.add.f32.msk $0xffff, v22  }
0x286: {  	[tilespmem:s8+$0xC160] =	vst.add.f32.msk $0xffff, v23  }
0x287: {  	[tilespmem:s8+$0xC170] =	vst.add.f32.msk $0xffff, v24  }
0x288: {  	[tilespmem:s8+$0xC180] =	vst.add.f32.msk $0xffff, v25  }
.Ltmp7:
0x289: {  	[tilespmem:s8+$0xC190] =	vst.add.f32.msk $0xffff, v26;
	(pc) =	sbr.rel @p2 .LBB2_13-.Ltmp7, $4  }
0x28a: {  	[tilespmem:s8+$0xC1A0] =	vst.add.f32.msk $0xffff, v27  }
0x28b: {  	[tilespmem:s8+$0xC1B0] =	vst.add.f32.msk $0xffff, v28  }
0x28c: {  	[tilespmem:s8+$0xC1C0] =	vst.add.f32.msk $0xffff, v29  }
0x28d: {  	s10 =	sadd.s32 $0x800, s10;
	[tilespmem:s8+$0xC1D0] =	vst.add.f32.msk $0xffff, v30  }
0x28e: {  	s9 =	sor.u32 s12, s2  }
0x28f: {  	s9 =	sor.u32 s7, s9  }
0x290: {  	s0 =	sadd.s32 @!p1 $0x5, s0;
	s9 =	sshll.u32 s9, $0x4  }
0x291: {  	[tilespmem:s8+$0xC1E0] =	vst.add.f32.msk $0xffff, v0;
	s8 =	sshll.u32 @!p1 s0, $0xB;
	s0 =	sshll.u32 @!p1 s0, $0x4;
	s31 =	sadd.s32 s4, s9  }
0x292: {  	[hbm4b:s31+s6] =	stream.linear.scatter [tilespmem:s16], [sflag:$0x7], $0x4000, $0x38;
	[tilespmem:$0x19800] =	vst v63  }
0x293: {  	s8 =	sand.u32 @!p1 $0x2800, s8;
	s0 =	sand.u32 @!p1 $0xF80, s0;
	_ =	swait.ge [sflag:s26], $0x4000  }
0x294: {  	s0 =	sadd.s32 @!p1 s0, s8;
	[sflag:s26] =	ssyncset.done $0x0  }
0x295: {  	s8 =	simm.s32 @!p1 $0x80;
	s9 =	simm.s32 @!p1 $0x8000;
	[sflag:s26] =	ssyncadd.s32 $0xFFFFC000  }
0x296: {  	[tilespmem:s9], [sflag:$0x2] =	stream.indirect.gather @!p1 [spmem:s5], $0x80, s0, s8, $0xb8;
	[tilespmem:$0x19800] =	vst v63  }
0x297: {  	_ =	swait.ge [sflag:s28], $0x4000  }
0x298: {  	[sflag:s28] =	ssyncset.done $0x0  }
0x299: {  	s0 =	simm.s32 $0x0;
	[sflag:s28] =	ssyncadd.s32 $0xFFFFC000  }
0x29a: {  	v0 =	vld [tilespmem:s0+$0x155F0]  }
0x29b: {  	v1 =	vld [tilespmem:s0+$0x15400]  }
0x29c: {  	v2 =	vld [tilespmem:s0+$0x15410]  }
0x29d: {  	v3 =	vld [tilespmem:s0+$0x15420]  }
0x29e: {  	v4 =	vld [tilespmem:s0+$0x15430]  }
0x29f: {  	v5 =	vld [tilespmem:s0+$0x15440]  }
0x2a0: {  	v6 =	vld [tilespmem:s0+$0x15450]  }
0x2a1: {  	v7 =	vld [tilespmem:s0+$0x15460]  }
0x2a2: {  	v8 =	vld [tilespmem:s0+$0x15470]  }
0x2a3: {  	v9 =	vld [tilespmem:s0+$0x15480]  }
0x2a4: {  	v10 =	vld [tilespmem:s0+$0x15490]  }
0x2a5: {  	v11 =	vld [tilespmem:s0+$0x154A0]  }
0x2a6: {  	v12 =	vld [tilespmem:s0+$0x154B0]  }
0x2a7: {  	v13 =	vld [tilespmem:s0+$0x154C0]  }
0x2a8: {  	v14 =	vld [tilespmem:s0+$0x154D0]  }
0x2a9: {  	v15 =	vld [tilespmem:s0+$0x154E0]  }
0x2aa: {  	v16 =	vld [tilespmem:s0+$0x154F0]  }
0x2ab: {  	v17 =	vld [tilespmem:s0+$0x15500]  }
0x2ac: {  	v18 =	vld [tilespmem:s0+$0x15510]  }
0x2ad: {  	v19 =	vld [tilespmem:s0+$0x15520]  }
0x2ae: {  	v20 =	vld [tilespmem:s0+$0x15530]  }
0x2af: {  	v21 =	vld [tilespmem:s0+$0x15540]  }
0x2b0: {  	v22 =	vld [tilespmem:s0+$0x15550]  }
0x2b1: {  	v23 =	vld [tilespmem:s0+$0x15560]  }
0x2b2: {  	v24 =	vld [tilespmem:s0+$0x15570]  }
0x2b3: {  	v25 =	vld [tilespmem:s0+$0x15580]  }
0x2b4: {  	v26 =	vld [tilespmem:s0+$0x15590]  }
0x2b5: {  	v27 =	vld [tilespmem:s0+$0x155A0]  }
0x2b6: {  	v28 =	vld [tilespmem:s0+$0x155B0]  }
0x2b7: {  	v29 =	vld [tilespmem:s0+$0x155C0]  }
0x2b8: {  	v30 =	vld [tilespmem:s0+$0x155D0]  }
0x2b9: {  	[tilespmem:s0+$0x101F0] =	vst.add.f32.msk $0xffff, v0  }
0x2ba: {  	v0 =	vld [tilespmem:s0+$0x155E0]  }
0x2bb: {  	[tilespmem:s0+$0x10000] =	vst.add.f32.msk $0xffff, v1  }
0x2bc: {  	[tilespmem:s0+$0x10010] =	vst.add.f32.msk $0xffff, v2  }
0x2bd: {  	[tilespmem:s0+$0x10020] =	vst.add.f32.msk $0xffff, v3  }
0x2be: {  	[tilespmem:s0+$0x10030] =	vst.add.f32.msk $0xffff, v4  }
0x2bf: {  	[tilespmem:s0+$0x10040] =	vst.add.f32.msk $0xffff, v5  }
0x2c0: {  	[tilespmem:s0+$0x10050] =	vst.add.f32.msk $0xffff, v6  }
0x2c1: {  	[tilespmem:s0+$0x10060] =	vst.add.f32.msk $0xffff, v7  }
0x2c2: {  	[tilespmem:s0+$0x10070] =	vst.add.f32.msk $0xffff, v8  }
0x2c3: {  	[tilespmem:s0+$0x10080] =	vst.add.f32.msk $0xffff, v9  }
0x2c4: {  	[tilespmem:s0+$0x10090] =	vst.add.f32.msk $0xffff, v10  }
0x2c5: {  	[tilespmem:s0+$0x100A0] =	vst.add.f32.msk $0xffff, v11  }
0x2c6: {  	[tilespmem:s0+$0x100B0] =	vst.add.f32.msk $0xffff, v12  }
0x2c7: {  	[tilespmem:s0+$0x100C0] =	vst.add.f32.msk $0xffff, v13  }
0x2c8: {  	[tilespmem:s0+$0x100D0] =	vst.add.f32.msk $0xffff, v14  }
0x2c9: {  	[tilespmem:s0+$0x100E0] =	vst.add.f32.msk $0xffff, v15  }
0x2ca: {  	[tilespmem:s0+$0x100F0] =	vst.add.f32.msk $0xffff, v16  }
0x2cb: {  	[tilespmem:s0+$0x10100] =	vst.add.f32.msk $0xffff, v17  }
0x2cc: {  	[tilespmem:s0+$0x10110] =	vst.add.f32.msk $0xffff, v18  }
0x2cd: {  	[tilespmem:s0+$0x10120] =	vst.add.f32.msk $0xffff, v19  }
0x2ce: {  	[tilespmem:s0+$0x10130] =	vst.add.f32.msk $0xffff, v20  }
0x2cf: {  	[tilespmem:s0+$0x10140] =	vst.add.f32.msk $0xffff, v21  }
0x2d0: {  	[tilespmem:s0+$0x10150] =	vst.add.f32.msk $0xffff, v22  }
0x2d1: {  	[tilespmem:s0+$0x10160] =	vst.add.f32.msk $0xffff, v23  }
0x2d2: {  	[tilespmem:s0+$0x10170] =	vst.add.f32.msk $0xffff, v24  }
0x2d3: {  	[tilespmem:s0+$0x10180] =	vst.add.f32.msk $0xffff, v25  }
0x2d4: {  	[tilespmem:s0+$0x10190] =	vst.add.f32.msk $0xffff, v26  }
0x2d5: {  	[tilespmem:s0+$0x101A0] =	vst.add.f32.msk $0xffff, v27  }
0x2d6: {  	[tilespmem:s0+$0x101B0] =	vst.add.f32.msk $0xffff, v28  }
0x2d7: {  	[tilespmem:s0+$0x101C0] =	vst.add.f32.msk $0xffff, v29  }
0x2d8: {  	s8 =	simm.s32 $0x0;
	s9 =	simm.s32 $0x800;
	[tilespmem:s0+$0x101D0] =	vst.add.f32.msk $0xffff, v30  }
.LBB2_15:
0x2d9: {  	s8 =	sadd.s32 $0x4, s8;
	[tilespmem:s0+$0x101E0] =	vst.add.f32.msk $0xffff, v0;
	s0 =	sshra.s32 s9, $0x2  }
0x2da: {  	v0 =	vld [tilespmem:s0+$0x155F0];
	p1 =	slt.u32 s8, $0x7C  }
0x2db: {  	v1 =	vld [tilespmem:s0+$0x15400]  }
0x2dc: {  	v2 =	vld [tilespmem:s0+$0x15410]  }
0x2dd: {  	v3 =	vld [tilespmem:s0+$0x15420]  }
0x2de: {  	v4 =	vld [tilespmem:s0+$0x15430]  }
0x2df: {  	[tilespmem:s0+$0x101F0] =	vst.add.f32.msk $0xffff, v0  }
0x2e0: {  	v5 =	vld [tilespmem:s0+$0x15440]  }
0x2e1: {  	v6 =	vld [tilespmem:s0+$0x15450]  }
0x2e2: {  	v7 =	vld [tilespmem:s0+$0x15460]  }
0x2e3: {  	v8 =	vld [tilespmem:s0+$0x15470]  }
0x2e4: {  	v9 =	vld [tilespmem:s0+$0x15480]  }
0x2e5: {  	v10 =	vld [tilespmem:s0+$0x15490]  }
0x2e6: {  	v11 =	vld [tilespmem:s0+$0x154A0]  }
0x2e7: {  	v12 =	vld [tilespmem:s0+$0x154B0]  }
0x2e8: {  	v13 =	vld [tilespmem:s0+$0x154C0]  }
0x2e9: {  	v14 =	vld [tilespmem:s0+$0x154D0]  }
0x2ea: {  	v15 =	vld [tilespmem:s0+$0x154E0]  }
0x2eb: {  	v16 =	vld [tilespmem:s0+$0x154F0]  }
0x2ec: {  	v17 =	vld [tilespmem:s0+$0x15500]  }
0x2ed: {  	v18 =	vld [tilespmem:s0+$0x15510]  }
0x2ee: {  	v19 =	vld [tilespmem:s0+$0x15520]  }
0x2ef: {  	v20 =	vld [tilespmem:s0+$0x15530]  }
0x2f0: {  	v21 =	vld [tilespmem:s0+$0x15540]  }
0x2f1: {  	v22 =	vld [tilespmem:s0+$0x15550]  }
0x2f2: {  	v23 =	vld [tilespmem:s0+$0x15560]  }
0x2f3: {  	v24 =	vld [tilespmem:s0+$0x15570]  }
0x2f4: {  	v25 =	vld [tilespmem:s0+$0x15580]  }
0x2f5: {  	v26 =	vld [tilespmem:s0+$0x15590]  }
0x2f6: {  	v27 =	vld [tilespmem:s0+$0x155A0]  }
0x2f7: {  	v28 =	vld [tilespmem:s0+$0x155B0]  }
0x2f8: {  	v29 =	vld [tilespmem:s0+$0x155C0]  }
0x2f9: {  	v30 =	vld [tilespmem:s0+$0x155D0]  }
0x2fa: {  	v0 =	vld [tilespmem:s0+$0x155E0]  }
0x2fb: {  	[tilespmem:s0+$0x10000] =	vst.add.f32.msk $0xffff, v1  }
0x2fc: {  	[tilespmem:s0+$0x10010] =	vst.add.f32.msk $0xffff, v2  }
0x2fd: {  	[tilespmem:s0+$0x10020] =	vst.add.f32.msk $0xffff, v3  }
0x2fe: {  	[tilespmem:s0+$0x10030] =	vst.add.f32.msk $0xffff, v4  }
0x2ff: {  	[tilespmem:s0+$0x10040] =	vst.add.f32.msk $0xffff, v5  }
0x300: {  	[tilespmem:s0+$0x10050] =	vst.add.f32.msk $0xffff, v6  }
0x301: {  	[tilespmem:s0+$0x10060] =	vst.add.f32.msk $0xffff, v7  }
0x302: {  	[tilespmem:s0+$0x10070] =	vst.add.f32.msk $0xffff, v8  }
0x303: {  	[tilespmem:s0+$0x10080] =	vst.add.f32.msk $0xffff, v9  }
0x304: {  	[tilespmem:s0+$0x10090] =	vst.add.f32.msk $0xffff, v10  }
0x305: {  	[tilespmem:s0+$0x100A0] =	vst.add.f32.msk $0xffff, v11  }
0x306: {  	[tilespmem:s0+$0x100B0] =	vst.add.f32.msk $0xffff, v12  }
0x307: {  	[tilespmem:s0+$0x100C0] =	vst.add.f32.msk $0xffff, v13  }
0x308: {  	[tilespmem:s0+$0x100D0] =	vst.add.f32.msk $0xffff, v14  }
0x309: {  	[tilespmem:s0+$0x100E0] =	vst.add.f32.msk $0xffff, v15  }
0x30a: {  	[tilespmem:s0+$0x100F0] =	vst.add.f32.msk $0xffff, v16  }
0x30b: {  	[tilespmem:s0+$0x10100] =	vst.add.f32.msk $0xffff, v17  }
0x30c: {  	[tilespmem:s0+$0x10110] =	vst.add.f32.msk $0xffff, v18  }
0x30d: {  	[tilespmem:s0+$0x10120] =	vst.add.f32.msk $0xffff, v19  }
0x30e: {  	[tilespmem:s0+$0x10130] =	vst.add.f32.msk $0xffff, v20  }
0x30f: {  	[tilespmem:s0+$0x10140] =	vst.add.f32.msk $0xffff, v21  }
0x310: {  	[tilespmem:s0+$0x10150] =	vst.add.f32.msk $0xffff, v22  }
0x311: {  	[tilespmem:s0+$0x10160] =	vst.add.f32.msk $0xffff, v23  }
0x312: {  	[tilespmem:s0+$0x10170] =	vst.add.f32.msk $0xffff, v24  }
0x313: {  	[tilespmem:s0+$0x10180] =	vst.add.f32.msk $0xffff, v25  }
.Ltmp8:
0x314: {  	[tilespmem:s0+$0x10190] =	vst.add.f32.msk $0xffff, v26;
	(pc) =	sbr.rel @p1 .LBB2_15-.Ltmp8, $4  }
0x315: {  	[tilespmem:s0+$0x101A0] =	vst.add.f32.msk $0xffff, v27  }
0x316: {  	[tilespmem:s0+$0x101B0] =	vst.add.f32.msk $0xffff, v28  }
0x317: {  	[tilespmem:s0+$0x101C0] =	vst.add.f32.msk $0xffff, v29  }
0x318: {  	s9 =	sadd.s32 $0x800, s9;
	[tilespmem:s0+$0x101D0] =	vst.add.f32.msk $0xffff, v30  }
0x319: {  	s1 =	sadd.s32 $0x1, s1  }
0x31a: {  	p1 =	sne.s32 s1, $0x20  }
.Ltmp9:
0x31b: {  	s2 =	sor.u32 s3, s2;
	(pc) =	sbr.rel @p1 .LBB2_2-.Ltmp9, $4  }
.Ltmp10:
0x31c: {  	s2 =	sor.u32 s7, s2;
	(pc) =	sbr.rel @!p1 .LBB2_17-.Ltmp10, $4  }
0x31d: {  	s2 =	sshll.u32 s2, $0x4  }
0x31e: {  	[tilespmem:s0+$0x101E0] =	vst.add.f32.msk $0xffff, v0;
	s31 =	sadd.s32 s4, s2  }
0x31f: {  	[hbm4b:s31+s6] =	stream.linear.scatter [tilespmem:s17], [sflag:$0x8], $0x4000, $0x38;
	[tilespmem:$0x19800] =	vst v63  }
0x320: {  	_ = 	snop  }
.LBB2_6:
.Ltmp11:
0x321: {  	(pc) =	sbr.rel .LBB2_8-.Ltmp11, $2  }
0x322: {  	_ =	sdelay $0x2  }
0x323: {  	p1 =	por $0x1, $0x1  }
.LBB2_18:
0x324: {  	_ =	sfence.sel $0x180000  }
0x325: {  	[bflag:$0x0] =	sbarrier.arrive $0xFFFF  }
0x326: {  	_ =	strace $0x90000047  }
0x327: {  	[bflag:$0x2] =	sbarrier.arrive $0xFFFF  }
0x328: {  	s0 =	rddreg [dreg:$0x6]  }
0x329: {  	s0 =	sadd.s32 @!p0 $0x100000, s0  }
0x32a: {  	[sflag:s0] =	ssyncadd.tile.s32 @!p0 $0x1;
	_ =	shalt  }
.Lfunc_end2:
_tile_overlayer_lowered:
.L_overlay_start_2:
0x32b: {  	(tag) =	ssettag $0x2  }
0x32c: {  	s0 =	rddreg [dreg:$0x0];
	s2 =	stileid.u32  }
0x32d: {  	s1 =	rddreg [dreg:$0x1];
	p0 =	sne.s32 s2, $0x0  }
0x32e: {  	s3 =	rddreg [dreg:$0x2];
	[bflag:$0x3] =	sbarrier.arrive $0xFFFF;
	s2 =	simm.s32 @!p0 $0x1C09  }
0x32f: {  	[timem:s3], [sflag:s2] =	dma.local @!p0 [hbm:s0], s1  }
0x330: {  	s0 =	simm.s32 @!p0 $0x9  }
0x331: {  	_ =	swait.ge @!p0 [sflag:s0], s1  }
0x332: {  	s1 =	ssub.s32 @!p0 $0x0, s1;
	[sflag:s0] =	ssyncset.done @!p0 $0x0  }
0x333: {  	[sflag:s0] =	ssyncadd.s32 @!p0 s1  }
0x334: {  	[bflag:$0x3] =	sbarrier.arrive $0xFFFF  }
0x335: {  	_ =	shalt  }

</sc_bundles>
